<compile_context>
chip_gen: v7x
topology: tpu7x:2x2x1
jax: 0.10.2.dev20260603
libtpu: 0.0.44.dev20260713+nightly
codegen_flags: <defaults>
</compile_context>

<pallas_src>
import jax
import jax.numpy as jnp
from jax import lax
from jax.experimental import pallas as pl
from jax.experimental.pallas import tpu as pltpu
from jax.experimental.pallas import tpu_sc as plsc

N = 10000
E = 320000
D = 128
NC = 2
NS = 16
NW = NC * NS
EPT = E // NW
BC = 80
NCHUNK = EPT // BC
GB = 5
N_PAD = 10240
RPT = N_PAD // NS
ZROWS = 128

_f32 = jnp.float32


def _scores_body(h_ref, w_ref, a8_ref, b_ref, attb_ref, out_ref):
    vt = lax.dot_general(a8_ref[...], w_ref[...], (((1,), (0,)), ((), ())),
                         preferred_element_type=_f32)
    s = lax.dot_general(vt, h_ref[...], (((1,), (1,)), ((), ())),
                        preferred_element_type=_f32)
    cvec = lax.dot_general(a8_ref[...], b_ref[...], (((1,), (0,)), ((), ())),
                           preferred_element_type=_f32)
    row = lax.broadcasted_iota(jnp.int32, (8, 1), 0)
    cvec = cvec + jnp.where(row == 0, attb_ref[...], 0.0)
    out_ref[...] = s + cvec


def _scores(h, W, a8, b2, attb):
    return pl.pallas_call(
        _scores_body,
        out_shape=jax.ShapeDtypeStruct((8, N), _f32),
    )(h, W, a8, b2, attb)


def _edge_body(s2, srch, dsth, e_out, ms_out, ss_out,
               tabs, tabd, srcv, dstv, ev, statv):
    c = lax.axis_index("c")
    s = lax.axis_index("s")
    wid = s * NC + c
    base = wid * EPT
    pltpu.sync_copy(s2.at[0], tabs)
    pltpu.sync_copy(s2.at[1], tabd)
    pltpu.sync_copy(srch.at[pl.ds(base, EPT)], srcv)
    pltpu.sync_copy(dsth.at[pl.ds(base, EPT)], dstv)

    def score16(i, m):
        a = plsc.load_gather(tabs, [srcv[pl.ds(i * 16, 16)]])
        bb = plsc.load_gather(tabd, [dstv[pl.ds(i * 16, 16)]])
        z = a + bb
        e16 = jnp.maximum(z, 0.01 * z)
        ev[pl.ds(i * 16, 16)] = e16
        return jnp.maximum(m, e16)

    m = lax.fori_loop(0, EPT // 16, score16,
                      jnp.full((16,), -jnp.inf, _f32))
    mt = jnp.max(m)
    mv = jnp.full((16,), mt, _f32)

    def sum16(i, acc):
        return acc + jnp.exp(ev[pl.ds(i * 16, 16)] - mv)

    sv = lax.fori_loop(0, EPT // 16, sum16, jnp.zeros((16,), _f32))
    st = jnp.sum(sv)

    pltpu.sync_copy(ev, e_out.at[pl.ds(base, EPT)])
    statv[...] = mv
    pltpu.sync_copy(statv, ms_out.at[wid])
    statv[...] = jnp.full((16,), st, _f32)
    pltpu.sync_copy(statv, ss_out.at[wid])


def _edge_scores(s2, src, dst):
    mesh = plsc.VectorSubcoreMesh(core_axis_name="c", subcore_axis_name="s")
    fn = pl.kernel(
        _edge_body,
        out_type=[
            jax.ShapeDtypeStruct((E,), _f32),
            jax.ShapeDtypeStruct((NW, 16), _f32),
            jax.ShapeDtypeStruct((NW, 16), _f32),
        ],
        mesh=mesh,
        compiler_params=pltpu.CompilerParams(needs_layout_passes=False),
        scratch_types=[
            pltpu.VMEM((N,), _f32),
            pltpu.VMEM((N,), _f32),
            pltpu.VMEM((EPT,), jnp.int32),
            pltpu.VMEM((EPT,), jnp.int32),
            pltpu.VMEM((EPT,), _f32),
            pltpu.VMEM((16,), _f32),
        ],
    )
    return fn(s2, src, dst)


def _scatter_body(h, srch, dsth, eh, ms, ss, part,
                  acc, msv, ssv, srcv, dstv, ev, uv, sidx0, sidx1, didx,
                  rows0, rows1, zbuf, sem, gs0, gs1):
    sidxs = (sidx0, sidx1)
    rows_bufs = (rows0, rows1)
    gsems = (gs0, gs1)
    c = lax.axis_index("c")
    s = lax.axis_index("s")
    wid = s * NC + c
    base = wid * EPT

    pltpu.sync_copy(ms, msv)
    pltpu.sync_copy(ss, ssv)

    def mred(i, m):
        return jnp.maximum(m, msv[i, :])

    M = lax.fori_loop(0, NW, mred, jnp.full((16,), -jnp.inf, _f32))

    def sred(i, a):
        return a + ssv[i, :] * jnp.exp(msv[i, :] - M)

    S = lax.fori_loop(0, NW, sred, jnp.zeros((16,), _f32))
    invS = 1.0 / S

    def zrow(r, _):
        for j in range(D // 16):
            zbuf[r, pl.ds(j * 16, 16)] = jnp.zeros((16,), _f32)
        return 0

    lax.fori_loop(0, ZROWS, zrow, 0)
    for k in range(RPT // ZROWS):
        pltpu.sync_copy(zbuf, acc.at[pl.ds(s * RPT + k * ZROWS, ZROWS)])
    plsc.subcore_barrier()

    def superchunk(si, _):
        off = base + si * (GB * BC)
        pltpu.async_copy(srch.at[pl.ds(off, GB * BC)], srcv, sem)
        pltpu.async_copy(dsth.at[pl.ds(off, GB * BC)], dstv, sem)
        pltpu.async_copy(eh.at[pl.ds(off, GB * BC)], ev, sem)
        pltpu.make_async_copy(srch.at[pl.ds(off, GB * BC)], srcv, sem).wait()
        pltpu.make_async_copy(dsth.at[pl.ds(off, GB * BC)], dstv, sem).wait()
        pltpu.make_async_copy(eh.at[pl.ds(off, GB * BC)], ev, sem).wait()
        def fill_sidx(q, b):
            for g in range(BC // 16):
                sidxs[b][pl.ds(g * 16, 16)] = srcv[pl.ds(q * BC + g * 16, 16)]

        fill_sidx(0, 0)
        pltpu.async_copy(h.at[sidxs[0]], rows_bufs[0], gsems[0])
        for q in range(GB):
            qo = q * BC
            b = q % 2
            rows = rows_bufs[b]
            pltpu.make_async_copy(h.at[sidxs[b]], rows, gsems[b]).wait()
            if q + 1 < GB:
                fill_sidx(q + 1, 1 - b)
                pltpu.async_copy(h.at[sidxs[1 - b]], rows_bufs[1 - b],
                                 gsems[1 - b])
            for g in range(BC // 16):
                uv[pl.ds(g * 16, 16)] = (
                    jnp.exp(ev[pl.ds(qo + g * 16, 16)] - M) * invS)

            def rowscale(bi, _2):
                ub = plsc.load_gather(uv, [jnp.full((16,), bi, jnp.int32)])
                for j in range(D // 16):
                    rows[bi, pl.ds(j * 16, 16)] = (
                        rows[bi, pl.ds(j * 16, 16)] * ub)
                return 0

            lax.fori_loop(0, BC, rowscale, 0)
            for g in range(BC // 16):
                didx[pl.ds(g * 16, 16)] = dstv[pl.ds(qo + g * 16, 16)]
            pltpu.sync_copy(rows, acc.at[didx], add=True)
        return 0

    lax.fori_loop(0, NCHUNK // GB, superchunk, 0)
    plsc.subcore_barrier()

    for k in range(RPT // ZROWS):
        r0 = s * RPT + k * ZROWS
        pltpu.sync_copy(acc.at[pl.ds(r0, ZROWS)], part.at[c, pl.ds(r0, ZROWS)])


def _scatter(h, src, dst, e, ms, ss):
    mesh = plsc.VectorSubcoreMesh(core_axis_name="c", subcore_axis_name="s")
    fn = pl.kernel(
        _scatter_body,
        out_type=jax.ShapeDtypeStruct((NC, N_PAD, D), _f32),
        mesh=mesh,
        compiler_params=pltpu.CompilerParams(needs_layout_passes=False),
        scratch_types=[
            pltpu.VMEM_SHARED((N_PAD, D), _f32),
            pltpu.VMEM((NW, 16), _f32),
            pltpu.VMEM((NW, 16), _f32),
            pltpu.VMEM((GB * BC,), jnp.int32),
            pltpu.VMEM((GB * BC,), jnp.int32),
            pltpu.VMEM((GB * BC,), _f32),
            pltpu.VMEM((BC,), _f32),
            pltpu.VMEM((BC,), jnp.int32),
            pltpu.VMEM((BC,), jnp.int32),
            pltpu.VMEM((BC,), jnp.int32),
            pltpu.VMEM((BC, D), _f32),
            pltpu.VMEM((BC, D), _f32),
            pltpu.VMEM((ZROWS, D), _f32),
            pltpu.SemaphoreType.DMA,
            pltpu.SemaphoreType.DMA,
            pltpu.SemaphoreType.DMA,
        ],
    )
    return fn(h, src, dst, e, ms, ss)


def _combine_body(p_ref, o_ref):
    o_ref[...] = jnp.maximum(p_ref[0] + p_ref[1], 0.0)


def _combine(part):
    nb = 10
    rb = N // nb
    return pl.pallas_call(
        _combine_body,
        grid=(nb,),
        in_specs=[pl.BlockSpec((NC, rb, D), lambda i: (0, i, 0))],
        out_specs=pl.BlockSpec((rb, D), lambda i: (i, 0)),
        out_shape=jax.ShapeDtypeStruct((N, D), _f32),
    )(part)


def kernel(h, edge_index, W, b, att_W, att_b):
    src = edge_index[0]
    dst = edge_index[1]
    a2rows = att_W.reshape(2, D)
    a8 = jnp.zeros((8, D), _f32).at[:2].set(a2rows)
    b2 = b.reshape(D, 1)
    attb = att_b.reshape(1, 1)

    s2 = _scores(h, W, a8, b2, attb)
    e, ms, ss = _edge_scores(s2, src, dst)
    part = _scatter(h, src, dst, e, ms, ss)
    return _combine(part)

# --- scband reference (transcript-rebuilt; emitter-appended) ---
"""Pipeline reference for scband-gcn-layer1-31739808318041 (READ-ONLY COPY).

The authoritative reference and input builder live on the scoring server;
editing this copy changes nothing except your own understanding.
"""

import jax, jax.numpy as jnp
import numpy as np

N = 10000
E = 320000
D_IN = 128
D_OUT = 128

def setup_inputs(seed: int = 0) -> dict:
    key = jax.random.key(seed)
    ks = jax.random.split(key, 6)
    h = jax.random.normal(ks[0], (N, D_IN), dtype=jnp.float32)
    edge_index = jax.random.randint(ks[1], (2, E), 0, N, dtype=jnp.int32)
    # linear: Linear(input_dim, output_dim)
    W = jax.random.normal(ks[2], (D_OUT, D_IN), dtype=jnp.float32) / np.sqrt(D_IN)
    b = jnp.zeros((D_OUT,), dtype=jnp.float32)
    # att_linear: Linear(2*output_dim, 1)
    att_W = jax.random.normal(ks[3], (1, 2 * D_OUT), dtype=jnp.float32) / np.sqrt(2 * D_OUT)
    att_b = jnp.zeros((1,), dtype=jnp.float32)
    return {"h": h, "edge_index": edge_index, "W": W, "b": b, "att_W": att_W, "att_b": att_b}

def reference(h, edge_index, W, b, att_W, att_b):
    # graph.ndata['h'] = self.linear(h)
    hl = h @ W.T + b  # [N, D_OUT]
    src = edge_index[0]
    dst = edge_index[1]
    # edge_attention: cat(src_h, dst_h) -> att_linear -> leaky_relu
    src_h = hl[src]  # gather [E, D_OUT]
    dst_h = hl[dst]  # gather [E, D_OUT]
    z2 = jnp.concatenate([src_h, dst_h], axis=1)  # [E, 2*D_OUT]
    e = jax.nn.leaky_relu(z2 @ att_W.T + att_b, negative_slope=0.01)  # [E, 1]
    # softmax over all edges (dim=0), as in the original forward
    e = jax.nn.softmax(e, axis=0)
    edge_weights = jnp.squeeze(e, axis=-1)  # [E]
    # h_new = zeros_like(h); h_new.index_add_(0, dst, edge_weights[:,None] * h[src])
    msgs = edge_weights[:, None] * h[src]  # note: uses ORIGINAL h, per source code
    h_new = jnp.zeros_like(h).at[dst].add(msgs)
    # activation = relu
    return jax.nn.relu(h_new)

if __name__ == "__main__":
    import jax
    _d = setup_inputs()
    print(jax.jit(kernel)(*tuple(_d.values())))

</pallas_src>

<mosaic_0001>
#map = affine_map<(d0, d1) -> (0, 0)>
#map1 = affine_map<(d0, d1) -> (0)>
#map2 = affine_map<(d0, d1) -> (0, 0, 0)>
module attributes {stable_mosaic.version = 14 : i64} {
  func.func @_scatter_body(%arg0: i32, %arg1: i32, %arg2: memref<10000x128xf32, #tpu.memory_space<hbm>>, %arg3: memref<320000xi32, #tpu.memory_space<hbm>>, %arg4: memref<320000xi32, #tpu.memory_space<hbm>>, %arg5: memref<320000xf32, #tpu.memory_space<hbm>>, %arg6: memref<32x16xf32, #tpu.memory_space<hbm>>, %arg7: memref<32x16xf32, #tpu.memory_space<hbm>>, %arg8: memref<2x10240x128xf32, #tpu.memory_space<hbm>>, %arg9: memref<10240x128xf32, #tpu.memory_space<vmem_shared>>, %arg10: memref<32x16xf32, #tpu.memory_space<vmem>>, %arg11: memref<32x16xf32, #tpu.memory_space<vmem>>, %arg12: memref<400xi32, #tpu.memory_space<vmem>>, %arg13: memref<400xi32, #tpu.memory_space<vmem>>, %arg14: memref<400xf32, #tpu.memory_space<vmem>>, %arg15: memref<80xf32, #tpu.memory_space<vmem>>, %arg16: memref<80xi32, #tpu.memory_space<vmem>>, %arg17: memref<80xi32, #tpu.memory_space<vmem>>, %arg18: memref<80xi32, #tpu.memory_space<vmem>>, %arg19: memref<80x128xf32, #tpu.memory_space<vmem>>, %arg20: memref<80x128xf32, #tpu.memory_space<vmem>>, %arg21: memref<128x128xf32, #tpu.memory_space<vmem>>, %arg22: memref<!tpu.dma_semaphore, #tpu.memory_space<semaphore_mem>>, %arg23: memref<!tpu.dma_semaphore, #tpu.memory_space<semaphore_mem>>, %arg24: memref<!tpu.dma_semaphore, #tpu.memory_space<semaphore_mem>>) attributes {dimension_semantics = [#tpu.dimension_semantics<core_parallel>, #tpu.dimension_semantics<subcore_parallel>], iteration_bounds = array<i64: 2, 16>, scalar_prefetch = 0 : i64, scratch_operands = 16 : i64, tpu.core_type = #tpu.core_type<sc_vector_subcore>, window_params = [{transform_indices = #map}, {transform_indices = #map1}, {transform_indices = #map1}, {transform_indices = #map1}, {transform_indices = #map}, {transform_indices = #map}, {transform_indices = #map2}]} {
    %mul3A = arith.constant 2 : i32
    %mul3A_0 = arith.muli %arg1, %mul3A : i32
    %add3A = arith.addi %mul3A_0, %arg0 : i32
    %mul3A_1 = arith.constant 10000 : i32
    %mul3A_2 = arith.muli %add3A, %mul3A_1 : i32
    "tpu.region"() ({
      %run_scoped3A = tpu.sem_alloc : memref<!tpu.dma_semaphore, #tpu.memory_space<semaphore_mem>>
      tpu.enqueue_dma source(%arg6 : memref<32x16xf32, #tpu.memory_space<hbm>>) target(%arg10 : memref<32x16xf32, #tpu.memory_space<vmem>>) target_semaphore(%run_scoped3A : memref<!tpu.dma_semaphore, #tpu.memory_space<semaphore_mem>>)
      tpu.wait_dma2 semaphore(%run_scoped3A : memref<!tpu.dma_semaphore, #tpu.memory_space<semaphore_mem>>) src(%arg6 : memref<32x16xf32, #tpu.memory_space<hbm>>) dst(%arg10 : memref<32x16xf32, #tpu.memory_space<vmem>>)
      tpu.yield
    }) : () -> ()
    "tpu.region"() ({
      %run_scoped3A = tpu.sem_alloc : memref<!tpu.dma_semaphore, #tpu.memory_space<semaphore_mem>>
      tpu.enqueue_dma source(%arg7 : memref<32x16xf32, #tpu.memory_space<hbm>>) target(%arg11 : memref<32x16xf32, #tpu.memory_space<vmem>>) target_semaphore(%run_scoped3A : memref<!tpu.dma_semaphore, #tpu.memory_space<semaphore_mem>>)
      tpu.wait_dma2 semaphore(%run_scoped3A : memref<!tpu.dma_semaphore, #tpu.memory_space<semaphore_mem>>) src(%arg7 : memref<32x16xf32, #tpu.memory_space<hbm>>) dst(%arg11 : memref<32x16xf32, #tpu.memory_space<vmem>>)
      tpu.yield
    }) : () -> ()
    %broadcast_in_dim3A = arith.constant 0xFF800000 : f32
    %broadcast_in_dim3A_3 = vector.broadcast %broadcast_in_dim3A : f32 to vector<16xf32>
    %scan3A = arith.constant 0 : i32
    %scan3A_4 = arith.constant 32 : i32
    %scan3A_5 = arith.addi %scan3A, %scan3A_4 : i32
    %scan3A_6 = arith.constant 1 : i32
    %scan3A_7 = scf.for %scan3A_74 = %scan3A to %scan3A_5 step %scan3A_6 iter_args(%scan3A_75 = %broadcast_in_dim3A_3) -> (vector<16xf32>)  : i32 {
      %get3A = arith.index_cast %scan3A_74 : i32 to index
      %get3A_76 = arith.constant 0 : index
      %get3A_77 = tpu.vector_load %arg10[%get3A, %get3A_76] {strides = array<i32>} : memref<32x16xf32, #tpu.memory_space<vmem>>, vector<16xf32>,
      %max3A = arith.maximumf %scan3A_75, %get3A_77 : vector<16xf32>
      scf.yield %max3A : vector<16xf32>
    }
    %scan3A_8 = arith.constant 32 : i32
    %broadcast_in_dim3A_9 = arith.constant 0.000000e+00 : f32
    %broadcast_in_dim3A_10 = vector.broadcast %broadcast_in_dim3A_9 : f32 to vector<16xf32>
    %scan3A_11 = arith.constant 0 : i32
    %scan3A_12 = arith.constant 32 : i32
    %scan3A_13 = arith.addi %scan3A_11, %scan3A_12 : i32
    %scan3A_14 = arith.constant 1 : i32
    %scan3A_15 = scf.for %scan3A_74 = %scan3A_11 to %scan3A_13 step %scan3A_14 iter_args(%scan3A_75 = %broadcast_in_dim3A_10) -> (vector<16xf32>)  : i32 {
      %get3A = arith.index_cast %scan3A_74 : i32 to index
      %get3A_76 = arith.constant 0 : index
      %get3A_77 = tpu.vector_load %arg11[%get3A, %get3A_76] {strides = array<i32>} : memref<32x16xf32, #tpu.memory_space<vmem>>, vector<16xf32>,
      %get3A_78 = arith.index_cast %scan3A_74 : i32 to index
      %get3A_79 = arith.constant 0 : index
      %get3A_80 = tpu.vector_load %arg10[%get3A_78, %get3A_79] {strides = array<i32>} : memref<32x16xf32, #tpu.memory_space<vmem>>, vector<16xf32>,
      %sub3A = arith.subf %get3A_80, %scan3A_7 : vector<16xf32>
      %exp3A = math.exp %sub3A : vector<16xf32>
      %mul3A_81 = arith.mulf %get3A_77, %exp3A : vector<16xf32>
      %add3A_82 = arith.addf %scan3A_75, %mul3A_81 : vector<16xf32>
      scf.yield %add3A_82 : vector<16xf32>
    }
    %scan3A_16 = arith.constant 32 : i32
    %div3A = arith.constant 1.000000e+00 : f32
    %div3A_17 = vector.broadcast %div3A : f32 to vector<16xf32>
    %div3A_18 = arith.divf %div3A_17, %scan3A_15 : vector<16xf32>
    %scan3A_19 = arith.constant 0 : i32
    %scan3A_20 = arith.constant 0 : i32
    %scan3A_21 = arith.constant 128 : i32
    %scan3A_22 = arith.addi %scan3A_20, %scan3A_21 : i32
    %scan3A_23 = arith.constant 1 : i32
    %scan3A_24 = scf.for %scan3A_74 = %scan3A_20 to %scan3A_22 step %scan3A_23 iter_args(%scan3A_75 = %scan3A_19) -> (i32)  : i32 {
      %broadcast_in_dim3A_76 = arith.constant 0.000000e+00 : f32
      %broadcast_in_dim3A_77 = vector.broadcast %broadcast_in_dim3A_76 : f32 to vector<16xf32>
      %swap3A = arith.index_cast %scan3A_74 : i32 to index
      %swap3A_78 = arith.constant 0 : index
      %swap3A_79 = tpu.vector_load %arg21[%swap3A, %swap3A_78] {strides = array<i32>} : memref<128x128xf32, #tpu.memory_space<vmem>>, vector<16xf32>,
      tpu.vector_store %arg21[%swap3A, %swap3A_78], %broadcast_in_dim3A_77 {strides = array<i32>} : memref<128x128xf32, #tpu.memory_space<vmem>>, vector<16xf32>,
      %broadcast_in_dim3A_80 = arith.constant 0.000000e+00 : f32
      %broadcast_in_dim3A_81 = vector.broadcast %broadcast_in_dim3A_80 : f32 to vector<16xf32>
      %swap3A_82 = arith.index_cast %scan3A_74 : i32 to index
      %swap3A_83 = arith.constant 16 : index
      %swap3A_84 = tpu.vector_load %arg21[%swap3A_82, %swap3A_83] {strides = array<i32>} : memref<128x128xf32, #tpu.memory_space<vmem>>, vector<16xf32>,
      tpu.vector_store %arg21[%swap3A_82, %swap3A_83], %broadcast_in_dim3A_81 {strides = array<i32>} : memref<128x128xf32, #tpu.memory_space<vmem>>, vector<16xf32>,
      %broadcast_in_dim3A_85 = arith.constant 0.000000e+00 : f32
      %broadcast_in_dim3A_86 = vector.broadcast %broadcast_in_dim3A_85 : f32 to vector<16xf32>
      %swap3A_87 = arith.index_cast %scan3A_74 : i32 to index
      %swap3A_88 = arith.constant 32 : index
      %swap3A_89 = tpu.vector_load %arg21[%swap3A_87, %swap3A_88] {strides = array<i32>} : memref<128x128xf32, #tpu.memory_space<vmem>>, vector<16xf32>,
      tpu.vector_store %arg21[%swap3A_87, %swap3A_88], %broadcast_in_dim3A_86 {strides = array<i32>} : memref<128x128xf32, #tpu.memory_space<vmem>>, vector<16xf32>,
      %broadcast_in_dim3A_90 = arith.constant 0.000000e+00 : f32
      %broadcast_in_dim3A_91 = vector.broadcast %broadcast_in_dim3A_90 : f32 to vector<16xf32>
      %swap3A_92 = arith.index_cast %scan3A_74 : i32 to index
      %swap3A_93 = arith.constant 48 : index
      %swap3A_94 = tpu.vector_load %arg21[%swap3A_92, %swap3A_93] {strides = array<i32>} : memref<128x128xf32, #tpu.memory_space<vmem>>, vector<16xf32>,
      tpu.vector_store %arg21[%swap3A_92, %swap3A_93], %broadcast_in_dim3A_91 {strides = array<i32>} : memref<128x128xf32, #tpu.memory_space<vmem>>, vector<16xf32>,
      %broadcast_in_dim3A_95 = arith.constant 0.000000e+00 : f32
      %broadcast_in_dim3A_96 = vector.broadcast %broadcast_in_dim3A_95 : f32 to vector<16xf32>
      %swap3A_97 = arith.index_cast %scan3A_74 : i32 to index
      %swap3A_98 = arith.constant 64 : index
      %swap3A_99 = tpu.vector_load %arg21[%swap3A_97, %swap3A_98] {strides = array<i32>} : memref<128x128xf32, #tpu.memory_space<vmem>>, vector<16xf32>,
      tpu.vector_store %arg21[%swap3A_97, %swap3A_98], %broadcast_in_dim3A_96 {strides = array<i32>} : memref<128x128xf32, #tpu.memory_space<vmem>>, vector<16xf32>,
      %broadcast_in_dim3A_100 = arith.constant 0.000000e+00 : f32
      %broadcast_in_dim3A_101 = vector.broadcast %broadcast_in_dim3A_100 : f32 to vector<16xf32>
      %swap3A_102 = arith.index_cast %scan3A_74 : i32 to index
      %swap3A_103 = arith.constant 80 : index
      %swap3A_104 = tpu.vector_load %arg21[%swap3A_102, %swap3A_103] {strides = array<i32>} : memref<128x128xf32, #tpu.memory_space<vmem>>, vector<16xf32>,
      tpu.vector_store %arg21[%swap3A_102, %swap3A_103], %broadcast_in_dim3A_101 {strides = array<i32>} : memref<128x128xf32, #tpu.memory_space<vmem>>, vector<16xf32>,
      %broadcast_in_dim3A_105 = arith.constant 0.000000e+00 : f32
      %broadcast_in_dim3A_106 = vector.broadcast %broadcast_in_dim3A_105 : f32 to vector<16xf32>
      %swap3A_107 = arith.index_cast %scan3A_74 : i32 to index
      %swap3A_108 = arith.constant 96 : index
      %swap3A_109 = tpu.vector_load %arg21[%swap3A_107, %swap3A_108] {strides = array<i32>} : memref<128x128xf32, #tpu.memory_space<vmem>>, vector<16xf32>,
      tpu.vector_store %arg21[%swap3A_107, %swap3A_108], %broadcast_in_dim3A_106 {strides = array<i32>} : memref<128x128xf32, #tpu.memory_space<vmem>>, vector<16xf32>,
      %broadcast_in_dim3A_110 = arith.constant 0.000000e+00 : f32
      %broadcast_in_dim3A_111 = vector.broadcast %broadcast_in_dim3A_110 : f32 to vector<16xf32>
      %swap3A_112 = arith.index_cast %scan3A_74 : i32 to index
      %swap3A_113 = arith.constant 112 : index
      %swap3A_114 = tpu.vector_load %arg21[%swap3A_112, %swap3A_113] {strides = array<i32>} : memref<128x128xf32, #tpu.memory_space<vmem>>, vector<16xf32>,
      tpu.vector_store %arg21[%swap3A_112, %swap3A_113], %broadcast_in_dim3A_111 {strides = array<i32>} : memref<128x128xf32, #tpu.memory_space<vmem>>, vector<16xf32>,
      %scan3A_115 = arith.constant 0 : i32
      scf.yield %scan3A_115 : i32
    }
    %scan3A_25 = arith.constant 128 : i32
    %mul3A_26 = arith.constant 640 : i32
    %mul3A_27 = arith.muli %arg1, %mul3A_26 : i32
    %add3A_28 = arith.constant 0 : i32
    %add3A_29 = arith.addi %mul3A_27, %add3A_28 : i32
    "tpu.region"() ({
      %run_scoped3A = tpu.sem_alloc : memref<!tpu.dma_semaphore, #tpu.memory_space<semaphore_mem>>
      %dma_start3A = arith.constant 0 : i32
      %dma_start3A_74 = tpu.memref_slice %arg9[%add3A_29, %dma_start3A] : memref<10240x128xf32, #tpu.memory_space<vmem_shared>> -> memref<128x128xf32, #tpu.memory_space<vmem_shared>>
      %dma_start3A_75 = arith.constant 0 : i32
      %dma_start3A_76 = tpu.memref_slice %arg9[%add3A_29, %dma_start3A_75] : memref<10240x128xf32, #tpu.memory_space<vmem_shared>> -> memref<128x128xf32, #tpu.memory_space<vmem_shared>>
      tpu.enqueue_dma source(%arg21 : memref<128x128xf32, #tpu.memory_space<vmem>>) target(%dma_start3A_76 : memref<128x128xf32, #tpu.memory_space<vmem_shared>>) target_semaphore(%run_scoped3A : memref<!tpu.dma_semaphore, #tpu.memory_space<semaphore_mem>>)
      %dma_wait3A = arith.constant 0 : i32
      %dma_wait3A_77 = tpu.memref_slice %arg9[%add3A_29, %dma_wait3A] : memref<10240x128xf32, #tpu.memory_space<vmem_shared>> -> memref<128x128xf32, #tpu.memory_space<vmem_shared>>
      %dma_wait3A_78 = arith.constant 0 : i32
      %dma_wait3A_79 = tpu.memref_slice %arg9[%add3A_29, %dma_wait3A_78] : memref<10240x128xf32, #tpu.memory_space<vmem_shared>> -> memref<128x128xf32, #tpu.memory_space<vmem_shared>>
      tpu.wait_dma2 semaphore(%run_scoped3A : memref<!tpu.dma_semaphore, #tpu.memory_space<semaphore_mem>>) src(%arg21 : memref<128x128xf32, #tpu.memory_space<vmem>>) dst(%dma_wait3A_79 : memref<128x128xf32, #tpu.memory_space<vmem_shared>>)
      tpu.yield
    }) : () -> ()
    %mul3A_30 = arith.constant 640 : i32
    %mul3A_31 = arith.muli %arg1, %mul3A_30 : i32
    %add3A_32 = arith.constant 128 : i32
    %add3A_33 = arith.addi %mul3A_31, %add3A_32 : i32
    "tpu.region"() ({
      %run_scoped3A = tpu.sem_alloc : memref<!tpu.dma_semaphore, #tpu.memory_space<semaphore_mem>>
      %dma_start3A = arith.constant 0 : i32
      %dma_start3A_74 = tpu.memref_slice %arg9[%add3A_33, %dma_start3A] : memref<10240x128xf32, #tpu.memory_space<vmem_shared>> -> memref<128x128xf32, #tpu.memory_space<vmem_shared>>
      %dma_start3A_75 = arith.constant 0 : i32
      %dma_start3A_76 = tpu.memref_slice %arg9[%add3A_33, %dma_start3A_75] : memref<10240x128xf32, #tpu.memory_space<vmem_shared>> -> memref<128x128xf32, #tpu.memory_space<vmem_shared>>
      tpu.enqueue_dma source(%arg21 : memref<128x128xf32, #tpu.memory_space<vmem>>) target(%dma_start3A_76 : memref<128x128xf32, #tpu.memory_space<vmem_shared>>) target_semaphore(%run_scoped3A : memref<!tpu.dma_semaphore, #tpu.memory_space<semaphore_mem>>)
      %dma_wait3A = arith.constant 0 : i32
      %dma_wait3A_77 = tpu.memref_slice %arg9[%add3A_33, %dma_wait3A] : memref<10240x128xf32, #tpu.memory_space<vmem_shared>> -> memref<128x128xf32, #tpu.memory_space<vmem_shared>>
      %dma_wait3A_78 = arith.constant 0 : i32
      %dma_wait3A_79 = tpu.memref_slice %arg9[%add3A_33, %dma_wait3A_78] : memref<10240x128xf32, #tpu.memory_space<vmem_shared>> -> memref<128x128xf32, #tpu.memory_space<vmem_shared>>
      tpu.wait_dma2 semaphore(%run_scoped3A : memref<!tpu.dma_semaphore, #tpu.memory_space<semaphore_mem>>) src(%arg21 : memref<128x128xf32, #tpu.memory_space<vmem>>) dst(%dma_wait3A_79 : memref<128x128xf32, #tpu.memory_space<vmem_shared>>)
      tpu.yield
    }) : () -> ()
    %mul3A_34 = arith.constant 640 : i32
    %mul3A_35 = arith.muli %arg1, %mul3A_34 : i32
    %add3A_36 = arith.constant 256 : i32
    %add3A_37 = arith.addi %mul3A_35, %add3A_36 : i32
    "tpu.region"() ({
      %run_scoped3A = tpu.sem_alloc : memref<!tpu.dma_semaphore, #tpu.memory_space<semaphore_mem>>
      %dma_start3A = arith.constant 0 : i32
      %dma_start3A_74 = tpu.memref_slice %arg9[%add3A_37, %dma_start3A] : memref<10240x128xf32, #tpu.memory_space<vmem_shared>> -> memref<128x128xf32, #tpu.memory_space<vmem_shared>>
      %dma_start3A_75 = arith.constant 0 : i32
      %dma_start3A_76 = tpu.memref_slice %arg9[%add3A_37, %dma_start3A_75] : memref<10240x128xf32, #tpu.memory_space<vmem_shared>> -> memref<128x128xf32, #tpu.memory_space<vmem_shared>>
      tpu.enqueue_dma source(%arg21 : memref<128x128xf32, #tpu.memory_space<vmem>>) target(%dma_start3A_76 : memref<128x128xf32, #tpu.memory_space<vmem_shared>>) target_semaphore(%run_scoped3A : memref<!tpu.dma_semaphore, #tpu.memory_space<semaphore_mem>>)
      %dma_wait3A = arith.constant 0 : i32
      %dma_wait3A_77 = tpu.memref_slice %arg9[%add3A_37, %dma_wait3A] : memref<10240x128xf32, #tpu.memory_space<vmem_shared>> -> memref<128x128xf32, #tpu.memory_space<vmem_shared>>
      %dma_wait3A_78 = arith.constant 0 : i32
      %dma_wait3A_79 = tpu.memref_slice %arg9[%add3A_37, %dma_wait3A_78] : memref<10240x128xf32, #tpu.memory_space<vmem_shared>> -> memref<128x128xf32, #tpu.memory_space<vmem_shared>>
      tpu.wait_dma2 semaphore(%run_scoped3A : memref<!tpu.dma_semaphore, #tpu.memory_space<semaphore_mem>>) src(%arg21 : memref<128x128xf32, #tpu.memory_space<vmem>>) dst(%dma_wait3A_79 : memref<128x128xf32, #tpu.memory_space<vmem_shared>>)
      tpu.yield
    }) : () -> ()
    %mul3A_38 = arith.constant 640 : i32
    %mul3A_39 = arith.muli %arg1, %mul3A_38 : i32
    %add3A_40 = arith.constant 384 : i32
    %add3A_41 = arith.addi %mul3A_39, %add3A_40 : i32
    "tpu.region"() ({
      %run_scoped3A = tpu.sem_alloc : memref<!tpu.dma_semaphore, #tpu.memory_space<semaphore_mem>>
      %dma_start3A = arith.constant 0 : i32
      %dma_start3A_74 = tpu.memref_slice %arg9[%add3A_41, %dma_start3A] : memref<10240x128xf32, #tpu.memory_space<vmem_shared>> -> memref<128x128xf32, #tpu.memory_space<vmem_shared>>
      %dma_start3A_75 = arith.constant 0 : i32
      %dma_start3A_76 = tpu.memref_slice %arg9[%add3A_41, %dma_start3A_75] : memref<10240x128xf32, #tpu.memory_space<vmem_shared>> -> memref<128x128xf32, #tpu.memory_space<vmem_shared>>
      tpu.enqueue_dma source(%arg21 : memref<128x128xf32, #tpu.memory_space<vmem>>) target(%dma_start3A_76 : memref<128x128xf32, #tpu.memory_space<vmem_shared>>) target_semaphore(%run_scoped3A : memref<!tpu.dma_semaphore, #tpu.memory_space<semaphore_mem>>)
      %dma_wait3A = arith.constant 0 : i32
      %dma_wait3A_77 = tpu.memref_slice %arg9[%add3A_41, %dma_wait3A] : memref<10240x128xf32, #tpu.memory_space<vmem_shared>> -> memref<128x128xf32, #tpu.memory_space<vmem_shared>>
      %dma_wait3A_78 = arith.constant 0 : i32
      %dma_wait3A_79 = tpu.memref_slice %arg9[%add3A_41, %dma_wait3A_78] : memref<10240x128xf32, #tpu.memory_space<vmem_shared>> -> memref<128x128xf32, #tpu.memory_space<vmem_shared>>
      tpu.wait_dma2 semaphore(%run_scoped3A : memref<!tpu.dma_semaphore, #tpu.memory_space<semaphore_mem>>) src(%arg21 : memref<128x128xf32, #tpu.memory_space<vmem>>) dst(%dma_wait3A_79 : memref<128x128xf32, #tpu.memory_space<vmem_shared>>)
      tpu.yield
    }) : () -> ()
    %mul3A_42 = arith.constant 640 : i32
    %mul3A_43 = arith.muli %arg1, %mul3A_42 : i32
    %add3A_44 = arith.constant 512 : i32
    %add3A_45 = arith.addi %mul3A_43, %add3A_44 : i32
    "tpu.region"() ({
      %run_scoped3A = tpu.sem_alloc : memref<!tpu.dma_semaphore, #tpu.memory_space<semaphore_mem>>
      %dma_start3A = arith.constant 0 : i32
      %dma_start3A_74 = tpu.memref_slice %arg9[%add3A_45, %dma_start3A] : memref<10240x128xf32, #tpu.memory_space<vmem_shared>> -> memref<128x128xf32, #tpu.memory_space<vmem_shared>>
      %dma_start3A_75 = arith.constant 0 : i32
      %dma_start3A_76 = tpu.memref_slice %arg9[%add3A_45, %dma_start3A_75] : memref<10240x128xf32, #tpu.memory_space<vmem_shared>> -> memref<128x128xf32, #tpu.memory_space<vmem_shared>>
      tpu.enqueue_dma source(%arg21 : memref<128x128xf32, #tpu.memory_space<vmem>>) target(%dma_start3A_76 : memref<128x128xf32, #tpu.memory_space<vmem_shared>>) target_semaphore(%run_scoped3A : memref<!tpu.dma_semaphore, #tpu.memory_space<semaphore_mem>>)
      %dma_wait3A = arith.constant 0 : i32
      %dma_wait3A_77 = tpu.memref_slice %arg9[%add3A_45, %dma_wait3A] : memref<10240x128xf32, #tpu.memory_space<vmem_shared>> -> memref<128x128xf32, #tpu.memory_space<vmem_shared>>
      %dma_wait3A_78 = arith.constant 0 : i32
      %dma_wait3A_79 = tpu.memref_slice %arg9[%add3A_45, %dma_wait3A_78] : memref<10240x128xf32, #tpu.memory_space<vmem_shared>> -> memref<128x128xf32, #tpu.memory_space<vmem_shared>>
      tpu.wait_dma2 semaphore(%run_scoped3A : memref<!tpu.dma_semaphore, #tpu.memory_space<semaphore_mem>>) src(%arg21 : memref<128x128xf32, #tpu.memory_space<vmem>>) dst(%dma_wait3A_79 : memref<128x128xf32, #tpu.memory_space<vmem_shared>>)
      tpu.yield
    }) : () -> ()
    %barrier3A = arith.constant 0 : index
    tpu.barrier barrier_id(%barrier3A)
    %scan3A_46 = arith.constant 0 : i32
    %scan3A_47 = arith.constant 0 : i32
    %scan3A_48 = arith.constant 25 : i32
    %scan3A_49 = arith.addi %scan3A_47, %scan3A_48 : i32
    %scan3A_50 = arith.constant 1 : i32
    %scan3A_51 = scf.for %scan3A_74 = %scan3A_47 to %scan3A_49 step %scan3A_50 iter_args(%scan3A_75 = %scan3A_46) -> (i32)  : i32 {
      %mul3A_76 = arith.constant 400 : i32
      %mul3A_77 = arith.muli %scan3A_74, %mul3A_76 : i32
      %add3A_78 = arith.addi %mul3A_2, %mul3A_77 : i32
      %dma_start3A = tpu.memref_slice %arg3[%add3A_78] : memref<320000xi32, #tpu.memory_space<hbm>> -> memref<400xi32, #tpu.memory_space<hbm>>
      %dma_start3A_79 = tpu.memref_slice %arg3[%add3A_78] : memref<320000xi32, #tpu.memory_space<hbm>> -> memref<400xi32, #tpu.memory_space<hbm>>
      tpu.enqueue_dma source(%dma_start3A_79 : memref<400xi32, #tpu.memory_space<hbm>>) target(%arg12 : memref<400xi32, #tpu.memory_space<vmem>>) target_semaphore(%arg22 : memref<!tpu.dma_semaphore, #tpu.memory_space<semaphore_mem>>)
      %dma_start3A_80 = tpu.memref_slice %arg4[%add3A_78] : memref<320000xi32, #tpu.memory_space<hbm>> -> memref<400xi32, #tpu.memory_space<hbm>>
      %dma_start3A_81 = tpu.memref_slice %arg4[%add3A_78] : memref<320000xi32, #tpu.memory_space<hbm>> -> memref<400xi32, #tpu.memory_space<hbm>>
      tpu.enqueue_dma source(%dma_start3A_81 : memref<400xi32, #tpu.memory_space<hbm>>) target(%arg13 : memref<400xi32, #tpu.memory_space<vmem>>) target_semaphore(%arg22 : memref<!tpu.dma_semaphore, #tpu.memory_space<semaphore_mem>>)
      %dma_start3A_82 = tpu.memref_slice %arg5[%add3A_78] : memref<320000xf32, #tpu.memory_space<hbm>> -> memref<400xf32, #tpu.memory_space<hbm>>
      %dma_start3A_83 = tpu.memref_slice %arg5[%add3A_78] : memref<320000xf32, #tpu.memory_space<hbm>> -> memref<400xf32, #tpu.memory_space<hbm>>
      tpu.enqueue_dma source(%dma_start3A_83 : memref<400xf32, #tpu.memory_space<hbm>>) target(%arg14 : memref<400xf32, #tpu.memory_space<vmem>>) target_semaphore(%arg22 : memref<!tpu.dma_semaphore, #tpu.memory_space<semaphore_mem>>)
      %dma_wait3A = tpu.memref_slice %arg3[%add3A_78] : memref<320000xi32, #tpu.memory_space<hbm>> -> memref<400xi32, #tpu.memory_space<hbm>>
      %dma_wait3A_84 = tpu.memref_slice %arg3[%add3A_78] : memref<320000xi32, #tpu.memory_space<hbm>> -> memref<400xi32, #tpu.memory_space<hbm>>
      tpu.wait_dma2 semaphore(%arg22 : memref<!tpu.dma_semaphore, #tpu.memory_space<semaphore_mem>>) src(%dma_wait3A_84 : memref<400xi32, #tpu.memory_space<hbm>>) dst(%arg12 : memref<400xi32, #tpu.memory_space<vmem>>)
      %dma_wait3A_85 = tpu.memref_slice %arg4[%add3A_78] : memref<320000xi32, #tpu.memory_space<hbm>> -> memref<400xi32, #tpu.memory_space<hbm>>
      %dma_wait3A_86 = tpu.memref_slice %arg4[%add3A_78] : memref<320000xi32, #tpu.memory_space<hbm>> -> memref<400xi32, #tpu.memory_space<hbm>>
      tpu.wait_dma2 semaphore(%arg22 : memref<!tpu.dma_semaphore, #tpu.memory_space<semaphore_mem>>) src(%dma_wait3A_86 : memref<400xi32, #tpu.memory_space<hbm>>) dst(%arg13 : memref<400xi32, #tpu.memory_space<vmem>>)
      %dma_wait3A_87 = tpu.memref_slice %arg5[%add3A_78] : memref<320000xf32, #tpu.memory_space<hbm>> -> memref<400xf32, #tpu.memory_space<hbm>>
      %dma_wait3A_88 = tpu.memref_slice %arg5[%add3A_78] : memref<320000xf32, #tpu.memory_space<hbm>> -> memref<400xf32, #tpu.memory_space<hbm>>
      tpu.wait_dma2 semaphore(%arg22 : memref<!tpu.dma_semaphore, #tpu.memory_space<semaphore_mem>>) src(%dma_wait3A_88 : memref<400xf32, #tpu.memory_space<hbm>>) dst(%arg14 : memref<400xf32, #tpu.memory_space<vmem>>)
      %get3A = arith.constant 0 : index
      %get3A_89 = tpu.vector_load %arg12[%get3A] {strides = array<i32>} : memref<400xi32, #tpu.memory_space<vmem>>, vector<16xi32>,
      %swap3A = arith.constant 0 : index
      %swap3A_90 = tpu.vector_load %arg16[%swap3A] {strides = array<i32>} : memref<80xi32, #tpu.memory_space<vmem>>, vector<16xi32>,
      tpu.vector_store %arg16[%swap3A], %get3A_89 {strides = array<i32>} : memref<80xi32, #tpu.memory_space<vmem>>, vector<16xi32>,
      %get3A_91 = arith.constant 16 : index
      %get3A_92 = tpu.vector_load %arg12[%get3A_91] {strides = array<i32>} : memref<400xi32, #tpu.memory_space<vmem>>, vector<16xi32>,
      %swap3A_93 = arith.constant 16 : index
      %swap3A_94 = tpu.vector_load %arg16[%swap3A_93] {strides = array<i32>} : memref<80xi32, #tpu.memory_space<vmem>>, vector<16xi32>,
      tpu.vector_store %arg16[%swap3A_93], %get3A_92 {strides = array<i32>} : memref<80xi32, #tpu.memory_space<vmem>>, vector<16xi32>,
      %get3A_95 = arith.constant 32 : index
      %get3A_96 = tpu.vector_load %arg12[%get3A_95] {strides = array<i32>} : memref<400xi32, #tpu.memory_space<vmem>>, vector<16xi32>,
      %swap3A_97 = arith.constant 32 : index
      %swap3A_98 = tpu.vector_load %arg16[%swap3A_97] {strides = array<i32>} : memref<80xi32, #tpu.memory_space<vmem>>, vector<16xi32>,
      tpu.vector_store %arg16[%swap3A_97], %get3A_96 {strides = array<i32>} : memref<80xi32, #tpu.memory_space<vmem>>, vector<16xi32>,
      %get3A_99 = arith.constant 48 : index
      %get3A_100 = tpu.vector_load %arg12[%get3A_99] {strides = array<i32>} : memref<400xi32, #tpu.memory_space<vmem>>, vector<16xi32>,
      %swap3A_101 = arith.constant 48 : index
      %swap3A_102 = tpu.vector_load %arg16[%swap3A_101] {strides = array<i32>} : memref<80xi32, #tpu.memory_space<vmem>>, vector<16xi32>,
      tpu.vector_store %arg16[%swap3A_101], %get3A_100 {strides = array<i32>} : memref<80xi32, #tpu.memory_space<vmem>>, vector<16xi32>,
      %get3A_103 = arith.constant 64 : index
      %get3A_104 = tpu.vector_load %arg12[%get3A_103] {strides = array<i32>} : memref<400xi32, #tpu.memory_space<vmem>>, vector<16xi32>,
      %swap3A_105 = arith.constant 64 : index
      %swap3A_106 = tpu.vector_load %arg16[%swap3A_105] {strides = array<i32>} : memref<80xi32, #tpu.memory_space<vmem>>, vector<16xi32>,
      tpu.vector_store %arg16[%swap3A_105], %get3A_104 {strides = array<i32>} : memref<80xi32, #tpu.memory_space<vmem>>, vector<16xi32>,
      %dma_start3A_107 = arith.constant 0 : i32
      %dma_start3A_108 = arith.constant 0 : i32
      %dma_start3A_109 = tpu.memref_slice %arg2[%dma_start3A_107, %dma_start3A_108] : memref<10000x128xf32, #tpu.memory_space<hbm>> -> memref<10000x128xf32, #tpu.memory_space<hbm>>
      tpu.enqueue_indirect_dma source(%dma_start3A_109 : memref<10000x128xf32, #tpu.memory_space<hbm>>) target(%arg19 : memref<80x128xf32, #tpu.memory_space<vmem>>) offsets(%arg16 : memref<80xi32, #tpu.memory_space<vmem>>) semaphore(%arg23 : memref<!tpu.dma_semaphore, #tpu.memory_space<semaphore_mem>>)
      %dma_wait3A_110 = arith.constant 0 : i32
      %dma_wait3A_111 = arith.constant 0 : i32
      %dma_wait3A_112 = tpu.memref_slice %arg2[%dma_wait3A_110, %dma_wait3A_111] : memref<10000x128xf32, #tpu.memory_space<hbm>> -> memref<10000x128xf32, #tpu.memory_space<hbm>>
      tpu.wait_indirect_dma semaphore(%arg23 : memref<!tpu.dma_semaphore, #tpu.memory_space<semaphore_mem>>) src(%dma_wait3A_112 : memref<10000x128xf32, #tpu.memory_space<hbm>>) dst(%arg19 : memref<80x128xf32, #tpu.memory_space<vmem>>)
      %get3A_113 = arith.constant 80 : index
      %get3A_114 = tpu.vector_load %arg12[%get3A_113] {strides = array<i32>} : memref<400xi32, #tpu.memory_space<vmem>>, vector<16xi32>,
      %swap3A_115 = arith.constant 0 : index
      %swap3A_116 = tpu.vector_load %arg17[%swap3A_115] {strides = array<i32>} : memref<80xi32, #tpu.memory_space<vmem>>, vector<16xi32>,
      tpu.vector_store %arg17[%swap3A_115], %get3A_114 {strides = array<i32>} : memref<80xi32, #tpu.memory_space<vmem>>, vector<16xi32>,
      %get3A_117 = arith.constant 96 : index
      %get3A_118 = tpu.vector_load %arg12[%get3A_117] {strides = array<i32>} : memref<400xi32, #tpu.memory_space<vmem>>, vector<16xi32>,
      %swap3A_119 = arith.constant 16 : index
      %swap3A_120 = tpu.vector_load %arg17[%swap3A_119] {strides = array<i32>} : memref<80xi32, #tpu.memory_space<vmem>>, vector<16xi32>,
      tpu.vector_store %arg17[%swap3A_119], %get3A_118 {strides = array<i32>} : memref<80xi32, #tpu.memory_space<vmem>>, vector<16xi32>,
      %get3A_121 = arith.constant 112 : index
      %get3A_122 = tpu.vector_load %arg12[%get3A_121] {strides = array<i32>} : memref<400xi32, #tpu.memory_space<vmem>>, vector<16xi32>,
      %swap3A_123 = arith.constant 32 : index
      %swap3A_124 = tpu.vector_load %arg17[%swap3A_123] {strides = array<i32>} : memref<80xi32, #tpu.memory_space<vmem>>, vector<16xi32>,
      tpu.vector_store %arg17[%swap3A_123], %get3A_122 {strides = array<i32>} : memref<80xi32, #tpu.memory_space<vmem>>, vector<16xi32>,
      %get3A_125 = arith.constant 128 : index
      %get3A_126 = tpu.vector_load %arg12[%get3A_125] {strides = array<i32>} : memref<400xi32, #tpu.memory_space<vmem>>, vector<16xi32>,
      %swap3A_127 = arith.constant 48 : index
      %swap3A_128 = tpu.vector_load %arg17[%swap3A_127] {strides = array<i32>} : memref<80xi32, #tpu.memory_space<vmem>>, vector<16xi32>,
      tpu.vector_store %arg17[%swap3A_127], %get3A_126 {strides = array<i32>} : memref<80xi32, #tpu.memory_space<vmem>>, vector<16xi32>,
      %get3A_129 = arith.constant 144 : index
      %get3A_130 = tpu.vector_load %arg12[%get3A_129] {strides = array<i32>} : memref<400xi32, #tpu.memory_space<vmem>>, vector<16xi32>,
      %swap3A_131 = arith.constant 64 : index
      %swap3A_132 = tpu.vector_load %arg17[%swap3A_131] {strides = array<i32>} : memref<80xi32, #tpu.memory_space<vmem>>, vector<16xi32>,
      tpu.vector_store %arg17[%swap3A_131], %get3A_130 {strides = array<i32>} : memref<80xi32, #tpu.memory_space<vmem>>, vector<16xi32>,
      %dma_start3A_133 = arith.constant 0 : i32
      %dma_start3A_134 = arith.constant 0 : i32
      %dma_start3A_135 = tpu.memref_slice %arg2[%dma_start3A_133, %dma_start3A_134] : memref<10000x128xf32, #tpu.memory_space<hbm>> -> memref<10000x128xf32, #tpu.memory_space<hbm>>
      tpu.enqueue_indirect_dma source(%dma_start3A_135 : memref<10000x128xf32, #tpu.memory_space<hbm>>) target(%arg20 : memref<80x128xf32, #tpu.memory_space<vmem>>) offsets(%arg17 : memref<80xi32, #tpu.memory_space<vmem>>) semaphore(%arg24 : memref<!tpu.dma_semaphore, #tpu.memory_space<semaphore_mem>>)
      %get3A_136 = arith.constant 0 : index
      %get3A_137 = tpu.vector_load %arg14[%get3A_136] {strides = array<i32>} : memref<400xf32, #tpu.memory_space<vmem>>, vector<16xf32>,
      %sub3A = arith.subf %get3A_137, %scan3A_7 : vector<16xf32>
      %exp3A = math.exp %sub3A : vector<16xf32>
      %mul3A_138 = arith.mulf %exp3A, %div3A_18 : vector<16xf32>
      %swap3A_139 = arith.constant 0 : index
      %swap3A_140 = tpu.vector_load %arg15[%swap3A_139] {strides = array<i32>} : memref<80xf32, #tpu.memory_space<vmem>>, vector<16xf32>,
      tpu.vector_store %arg15[%swap3A_139], %mul3A_138 {strides = array<i32>} : memref<80xf32, #tpu.memory_space<vmem>>, vector<16xf32>,
      %get3A_141 = arith.constant 16 : index
      %get3A_142 = tpu.vector_load %arg14[%get3A_141] {strides = array<i32>} : memref<400xf32, #tpu.memory_space<vmem>>, vector<16xf32>,
      %sub3A_143 = arith.subf %get3A_142, %scan3A_7 : vector<16xf32>
      %exp3A_144 = math.exp %sub3A_143 : vector<16xf32>
      %mul3A_145 = arith.mulf %exp3A_144, %div3A_18 : vector<16xf32>
      %swap3A_146 = arith.constant 16 : index
      %swap3A_147 = tpu.vector_load %arg15[%swap3A_146] {strides = array<i32>} : memref<80xf32, #tpu.memory_space<vmem>>, vector<16xf32>,
      tpu.vector_store %arg15[%swap3A_146], %mul3A_145 {strides = array<i32>} : memref<80xf32, #tpu.memory_space<vmem>>, vector<16xf32>,
      %get3A_148 = arith.constant 32 : index
      %get3A_149 = tpu.vector_load %arg14[%get3A_148] {strides = array<i32>} : memref<400xf32, #tpu.memory_space<vmem>>, vector<16xf32>,
      %sub3A_150 = arith.subf %get3A_149, %scan3A_7 : vector<16xf32>
      %exp3A_151 = math.exp %sub3A_150 : vector<16xf32>
      %mul3A_152 = arith.mulf %exp3A_151, %div3A_18 : vector<16xf32>
      %swap3A_153 = arith.constant 32 : index
      %swap3A_154 = tpu.vector_load %arg15[%swap3A_153] {strides = array<i32>} : memref<80xf32, #tpu.memory_space<vmem>>, vector<16xf32>,
      tpu.vector_store %arg15[%swap3A_153], %mul3A_152 {strides = array<i32>} : memref<80xf32, #tpu.memory_space<vmem>>, vector<16xf32>,
      %get3A_155 = arith.constant 48 : index
      %get3A_156 = tpu.vector_load %arg14[%get3A_155] {strides = array<i32>} : memref<400xf32, #tpu.memory_space<vmem>>, vector<16xf32>,
      %sub3A_157 = arith.subf %get3A_156, %scan3A_7 : vector<16xf32>
      %exp3A_158 = math.exp %sub3A_157 : vector<16xf32>
      %mul3A_159 = arith.mulf %exp3A_158, %div3A_18 : vector<16xf32>
      %swap3A_160 = arith.constant 48 : index
      %swap3A_161 = tpu.vector_load %arg15[%swap3A_160] {strides = array<i32>} : memref<80xf32, #tpu.memory_space<vmem>>, vector<16xf32>,
      tpu.vector_store %arg15[%swap3A_160], %mul3A_159 {strides = array<i32>} : memref<80xf32, #tpu.memory_space<vmem>>, vector<16xf32>,
      %get3A_162 = arith.constant 64 : index
      %get3A_163 = tpu.vector_load %arg14[%get3A_162] {strides = array<i32>} : memref<400xf32, #tpu.memory_space<vmem>>, vector<16xf32>,
      %sub3A_164 = arith.subf %get3A_163, %scan3A_7 : vector<16xf32>
      %exp3A_165 = math.exp %sub3A_164 : vector<16xf32>
      %mul3A_166 = arith.mulf %exp3A_165, %div3A_18 : vector<16xf32>
      %swap3A_167 = arith.constant 64 : index
      %swap3A_168 = tpu.vector_load %arg15[%swap3A_167] {strides = array<i32>} : memref<80xf32, #tpu.memory_space<vmem>>, vector<16xf32>,
      tpu.vector_store %arg15[%swap3A_167], %mul3A_166 {strides = array<i32>} : memref<80xf32, #tpu.memory_space<vmem>>, vector<16xf32>,
      %scan3A_169 = arith.constant 0 : i32
      %scan3A_170 = arith.constant 0 : i32
      %scan3A_171 = arith.constant 80 : i32
      %scan3A_172 = arith.addi %scan3A_170, %scan3A_171 : i32
      %scan3A_173 = arith.constant 1 : i32
      %scan3A_174 = scf.for %scan3A_526 = %scan3A_170 to %scan3A_172 step %scan3A_173 iter_args(%scan3A_527 = %scan3A_169) -> (i32)  : i32 {
        %broadcast_in_dim3A_528 = vector.broadcast %scan3A_526 : i32 to vector<16xi32>
        %gather3A = tpu.vector_load_idx %arg15[%broadcast_in_dim3A_528] : memref<80xf32, #tpu.memory_space<vmem>>[vector<16xi32>], vector<16xf32>,
        %get3A_529 = arith.index_cast %scan3A_526 : i32 to index
        %get3A_530 = arith.constant 0 : index
        %get3A_531 = tpu.vector_load %arg19[%get3A_529, %get3A_530] {strides = array<i32>} : memref<80x128xf32, #tpu.memory_space<vmem>>, vector<16xf32>,
        %mul3A_532 = arith.mulf %get3A_531, %gather3A : vector<16xf32>
        %swap3A_533 = arith.index_cast %scan3A_526 : i32 to index
        %swap3A_534 = arith.constant 0 : index
        %swap3A_535 = tpu.vector_load %arg19[%swap3A_533, %swap3A_534] {strides = array<i32>} : memref<80x128xf32, #tpu.memory_space<vmem>>, vector<16xf32>,
        tpu.vector_store %arg19[%swap3A_533, %swap3A_534], %mul3A_532 {strides = array<i32>} : memref<80x128xf32, #tpu.memory_space<vmem>>, vector<16xf32>,
        %get3A_536 = arith.index_cast %scan3A_526 : i32 to index
        %get3A_537 = arith.constant 16 : index
        %get3A_538 = tpu.vector_load %arg19[%get3A_536, %get3A_537] {strides = array<i32>} : memref<80x128xf32, #tpu.memory_space<vmem>>, vector<16xf32>,
        %mul3A_539 = arith.mulf %get3A_538, %gather3A : vector<16xf32>
        %swap3A_540 = arith.index_cast %scan3A_526 : i32 to index
        %swap3A_541 = arith.constant 16 : index
        %swap3A_542 = tpu.vector_load %arg19[%swap3A_540, %swap3A_541] {strides = array<i32>} : memref<80x128xf32, #tpu.memory_space<vmem>>, vector<16xf32>,
        tpu.vector_store %arg19[%swap3A_540, %swap3A_541], %mul3A_539 {strides = array<i32>} : memref<80x128xf32, #tpu.memory_space<vmem>>, vector<16xf32>,
        %get3A_543 = arith.index_cast %scan3A_526 : i32 to index
        %get3A_544 = arith.constant 32 : index
        %get3A_545 = tpu.vector_load %arg19[%get3A_543, %get3A_544] {strides = array<i32>} : memref<80x128xf32, #tpu.memory_space<vmem>>, vector<16xf32>,
        %mul3A_546 = arith.mulf %get3A_545, %gather3A : vector<16xf32>
        %swap3A_547 = arith.index_cast %scan3A_526 : i32 to index
        %swap3A_548 = arith.constant 32 : index
        %swap3A_549 = tpu.vector_load %arg19[%swap3A_547, %swap3A_548] {strides = array<i32>} : memref<80x128xf32, #tpu.memory_space<vmem>>, vector<16xf32>,
        tpu.vector_store %arg19[%swap3A_547, %swap3A_548], %mul3A_546 {strides = array<i32>} : memref<80x128xf32, #tpu.memory_space<vmem>>, vector<16xf32>,
        %get3A_550 = arith.index_cast %scan3A_526 : i32 to index
        %get3A_551 = arith.constant 48 : index
        %get3A_552 = tpu.vector_load %arg19[%get3A_550, %get3A_551] {strides = array<i32>} : memref<80x128xf32, #tpu.memory_space<vmem>>, vector<16xf32>,
        %mul3A_553 = arith.mulf %get3A_552, %gather3A : vector<16xf32>
        %swap3A_554 = arith.index_cast %scan3A_526 : i32 to index
        %swap3A_555 = arith.constant 48 : index
        %swap3A_556 = tpu.vector_load %arg19[%swap3A_554, %swap3A_555] {strides = array<i32>} : memref<80x128xf32, #tpu.memory_space<vmem>>, vector<16xf32>,
        tpu.vector_store %arg19[%swap3A_554, %swap3A_555], %mul3A_553 {strides = array<i32>} : memref<80x128xf32, #tpu.memory_space<vmem>>, vector<16xf32>,
        %get3A_557 = arith.index_cast %scan3A_526 : i32 to index
        %get3A_558 = arith.constant 64 : index
        %get3A_559 = tpu.vector_load %arg19[%get3A_557, %get3A_558] {strides = array<i32>} : memref<80x128xf32, #tpu.memory_space<vmem>>, vector<16xf32>,
        %mul3A_560 = arith.mulf %get3A_559, %gather3A : vector<16xf32>
        %swap3A_561 = arith.index_cast %scan3A_526 : i32 to index
        %swap3A_562 = arith.constant 64 : index
        %swap3A_563 = tpu.vector_load %arg19[%swap3A_561, %swap3A_562] {strides = array<i32>} : memref<80x128xf32, #tpu.memory_space<vmem>>, vector<16xf32>,
        tpu.vector_store %arg19[%swap3A_561, %swap3A_562], %mul3A_560 {strides = array<i32>} : memref<80x128xf32, #tpu.memory_space<vmem>>, vector<16xf32>,
        %get3A_564 = arith.index_cast %scan3A_526 : i32 to index
        %get3A_565 = arith.constant 80 : index
        %get3A_566 = tpu.vector_load %arg19[%get3A_564, %get3A_565] {strides = array<i32>} : memref<80x128xf32, #tpu.memory_space<vmem>>, vector<16xf32>,
        %mul3A_567 = arith.mulf %get3A_566, %gather3A : vector<16xf32>
        %swap3A_568 = arith.index_cast %scan3A_526 : i32 to index
        %swap3A_569 = arith.constant 80 : index
        %swap3A_570 = tpu.vector_load %arg19[%swap3A_568, %swap3A_569] {strides = array<i32>} : memref<80x128xf32, #tpu.memory_space<vmem>>, vector<16xf32>,
        tpu.vector_store %arg19[%swap3A_568, %swap3A_569], %mul3A_567 {strides = array<i32>} : memref<80x128xf32, #tpu.memory_space<vmem>>, vector<16xf32>,
        %get3A_571 = arith.index_cast %scan3A_526 : i32 to index
        %get3A_572 = arith.constant 96 : index
        %get3A_573 = tpu.vector_load %arg19[%get3A_571, %get3A_572] {strides = array<i32>} : memref<80x128xf32, #tpu.memory_space<vmem>>, vector<16xf32>,
        %mul3A_574 = arith.mulf %get3A_573, %gather3A : vector<16xf32>
        %swap3A_575 = arith.index_cast %scan3A_526 : i32 to index
        %swap3A_576 = arith.constant 96 : index
        %swap3A_577 = tpu.vector_load %arg19[%swap3A_575, %swap3A_576] {strides = array<i32>} : memref<80x128xf32, #tpu.memory_space<vmem>>, vector<16xf32>,
        tpu.vector_store %arg19[%swap3A_575, %swap3A_576], %mul3A_574 {strides = array<i32>} : memref<80x128xf32, #tpu.memory_space<vmem>>, vector<16xf32>,
        %get3A_578 = arith.index_cast %scan3A_526 : i32 to index
        %get3A_579 = arith.constant 112 : index
        %get3A_580 = tpu.vector_load %arg19[%get3A_578, %get3A_579] {strides = array<i32>} : memref<80x128xf32, #tpu.memory_space<vmem>>, vector<16xf32>,
        %mul3A_581 = arith.mulf %get3A_580, %gather3A : vector<16xf32>
        %swap3A_582 = arith.index_cast %scan3A_526 : i32 to index
        %swap3A_583 = arith.constant 112 : index
        %swap3A_584 = tpu.vector_load %arg19[%swap3A_582, %swap3A_583] {strides = array<i32>} : memref<80x128xf32, #tpu.memory_space<vmem>>, vector<16xf32>,
        tpu.vector_store %arg19[%swap3A_582, %swap3A_583], %mul3A_581 {strides = array<i32>} : memref<80x128xf32, #tpu.memory_space<vmem>>, vector<16xf32>,
        %scan3A_585 = arith.constant 0 : i32
        scf.yield %scan3A_585 : i32
      }
      %scan3A_175 = arith.constant 80 : i32
      %get3A_176 = arith.constant 0 : index
      %get3A_177 = tpu.vector_load %arg13[%get3A_176] {strides = array<i32>} : memref<400xi32, #tpu.memory_space<vmem>>, vector<16xi32>,
      %swap3A_178 = arith.constant 0 : index
      %swap3A_179 = tpu.vector_load %arg18[%swap3A_178] {strides = array<i32>} : memref<80xi32, #tpu.memory_space<vmem>>, vector<16xi32>,
      tpu.vector_store %arg18[%swap3A_178], %get3A_177 {strides = array<i32>} : memref<80xi32, #tpu.memory_space<vmem>>, vector<16xi32>,
      %get3A_180 = arith.constant 16 : index
      %get3A_181 = tpu.vector_load %arg13[%get3A_180] {strides = array<i32>} : memref<400xi32, #tpu.memory_space<vmem>>, vector<16xi32>,
      %swap3A_182 = arith.constant 16 : index
      %swap3A_183 = tpu.vector_load %arg18[%swap3A_182] {strides = array<i32>} : memref<80xi32, #tpu.memory_space<vmem>>, vector<16xi32>,
      tpu.vector_store %arg18[%swap3A_182], %get3A_181 {strides = array<i32>} : memref<80xi32, #tpu.memory_space<vmem>>, vector<16xi32>,
      %get3A_184 = arith.constant 32 : index
      %get3A_185 = tpu.vector_load %arg13[%get3A_184] {strides = array<i32>} : memref<400xi32, #tpu.memory_space<vmem>>, vector<16xi32>,
      %swap3A_186 = arith.constant 32 : index
      %swap3A_187 = tpu.vector_load %arg18[%swap3A_186] {strides = array<i32>} : memref<80xi32, #tpu.memory_space<vmem>>, vector<16xi32>,
      tpu.vector_store %arg18[%swap3A_186], %get3A_185 {strides = array<i32>} : memref<80xi32, #tpu.memory_space<vmem>>, vector<16xi32>,
      %get3A_188 = arith.constant 48 : index
      %get3A_189 = tpu.vector_load %arg13[%get3A_188] {strides = array<i32>} : memref<400xi32, #tpu.memory_space<vmem>>, vector<16xi32>,
      %swap3A_190 = arith.constant 48 : index
      %swap3A_191 = tpu.vector_load %arg18[%swap3A_190] {strides = array<i32>} : memref<80xi32, #tpu.memory_space<vmem>>, vector<16xi32>,
      tpu.vector_store %arg18[%swap3A_190], %get3A_189 {strides = array<i32>} : memref<80xi32, #tpu.memory_space<vmem>>, vector<16xi32>,
      %get3A_192 = arith.constant 64 : index
      %get3A_193 = tpu.vector_load %arg13[%get3A_192] {strides = array<i32>} : memref<400xi32, #tpu.memory_space<vmem>>, vector<16xi32>,
      %swap3A_194 = arith.constant 64 : index
      %swap3A_195 = tpu.vector_load %arg18[%swap3A_194] {strides = array<i32>} : memref<80xi32, #tpu.memory_space<vmem>>, vector<16xi32>,
      tpu.vector_store %arg18[%swap3A_194], %get3A_193 {strides = array<i32>} : memref<80xi32, #tpu.memory_space<vmem>>, vector<16xi32>,
      "tpu.region"() ({
        %run_scoped3A = tpu.sem_alloc : memref<!tpu.dma_semaphore, #tpu.memory_space<semaphore_mem>>
        %dma_start3A_526 = arith.constant 0 : i32
        %dma_start3A_527 = arith.constant 0 : i32
        %dma_start3A_528 = tpu.memref_slice %arg9[%dma_start3A_526, %dma_start3A_527] : memref<10240x128xf32, #tpu.memory_space<vmem_shared>> -> memref<10240x128xf32, #tpu.memory_space<vmem_shared>>
        tpu.enqueue_indirect_dma source(%arg19 : memref<80x128xf32, #tpu.memory_space<vmem>>) target(%dma_start3A_528 : memref<10240x128xf32, #tpu.memory_space<vmem_shared>>) offsets(%arg18 : memref<80xi32, #tpu.memory_space<vmem>>) semaphore(%run_scoped3A : memref<!tpu.dma_semaphore, #tpu.memory_space<semaphore_mem>>) {add = true}
        %dma_wait3A_529 = arith.constant 0 : i32
        %dma_wait3A_530 = arith.constant 0 : i32
        %dma_wait3A_531 = tpu.memref_slice %arg9[%dma_wait3A_529, %dma_wait3A_530] : memref<10240x128xf32, #tpu.memory_space<vmem_shared>> -> memref<10240x128xf32, #tpu.memory_space<vmem_shared>>
        tpu.wait_indirect_dma semaphore(%run_scoped3A : memref<!tpu.dma_semaphore, #tpu.memory_space<semaphore_mem>>) src(%arg19 : memref<80x128xf32, #tpu.memory_space<vmem>>) dst(%dma_wait3A_531 : memref<10240x128xf32, #tpu.memory_space<vmem_shared>>)
        tpu.yield
      }) : () -> ()
      %dma_wait3A_196 = arith.constant 0 : i32
      %dma_wait3A_197 = arith.constant 0 : i32
      %dma_wait3A_198 = tpu.memref_slice %arg2[%dma_wait3A_196, %dma_wait3A_197] : memref<10000x128xf32, #tpu.memory_space<hbm>> -> memref<10000x128xf32, #tpu.memory_space<hbm>>
      tpu.wait_indirect_dma semaphore(%arg24 : memref<!tpu.dma_semaphore, #tpu.memory_space<semaphore_mem>>) src(%dma_wait3A_198 : memref<10000x128xf32, #tpu.memory_space<hbm>>) dst(%arg20 : memref<80x128xf32, #tpu.memory_space<vmem>>)
      %get3A_199 = arith.constant 160 : index
      %get3A_200 = tpu.vector_load %arg12[%get3A_199] {strides = array<i32>} : memref<400xi32, #tpu.memory_space<vmem>>, vector<16xi32>,
      %swap3A_201 = arith.constant 0 : index
      %swap3A_202 = tpu.vector_load %arg16[%swap3A_201] {strides = array<i32>} : memref<80xi32, #tpu.memory_space<vmem>>, vector<16xi32>,
      tpu.vector_store %arg16[%swap3A_201], %get3A_200 {strides = array<i32>} : memref<80xi32, #tpu.memory_space<vmem>>, vector<16xi32>,
      %get3A_203 = arith.constant 176 : index
      %get3A_204 = tpu.vector_load %arg12[%get3A_203] {strides = array<i32>} : memref<400xi32, #tpu.memory_space<vmem>>, vector<16xi32>,
      %swap3A_205 = arith.constant 16 : index
      %swap3A_206 = tpu.vector_load %arg16[%swap3A_205] {strides = array<i32>} : memref<80xi32, #tpu.memory_space<vmem>>, vector<16xi32>,
      tpu.vector_store %arg16[%swap3A_205], %get3A_204 {strides = array<i32>} : memref<80xi32, #tpu.memory_space<vmem>>, vector<16xi32>,
      %get3A_207 = arith.constant 192 : index
      %get3A_208 = tpu.vector_load %arg12[%get3A_207] {strides = array<i32>} : memref<400xi32, #tpu.memory_space<vmem>>, vector<16xi32>,
      %swap3A_209 = arith.constant 32 : index
      %swap3A_210 = tpu.vector_load %arg16[%swap3A_209] {strides = array<i32>} : memref<80xi32, #tpu.memory_space<vmem>>, vector<16xi32>,
      tpu.vector_store %arg16[%swap3A_209], %get3A_208 {strides = array<i32>} : memref<80xi32, #tpu.memory_space<vmem>>, vector<16xi32>,
      %get3A_211 = arith.constant 208 : index
      %get3A_212 = tpu.vector_load %arg12[%get3A_211] {strides = array<i32>} : memref<400xi32, #tpu.memory_space<vmem>>, vector<16xi32>,
      %swap3A_213 = arith.constant 48 : index
      %swap3A_214 = tpu.vector_load %arg16[%swap3A_213] {strides = array<i32>} : memref<80xi32, #tpu.memory_space<vmem>>, vector<16xi32>,
      tpu.vector_store %arg16[%swap3A_213], %get3A_212 {strides = array<i32>} : memref<80xi32, #tpu.memory_space<vmem>>, vector<16xi32>,
      %get3A_215 = arith.constant 224 : index
      %get3A_216 = tpu.vector_load %arg12[%get3A_215] {strides = array<i32>} : memref<400xi32, #tpu.memory_space<vmem>>, vector<16xi32>,
      %swap3A_217 = arith.constant 64 : index
      %swap3A_218 = tpu.vector_load %arg16[%swap3A_217] {strides = array<i32>} : memref<80xi32, #tpu.memory_space<vmem>>, vector<16xi32>,
      tpu.vector_store %arg16[%swap3A_217], %get3A_216 {strides = array<i32>} : memref<80xi32, #tpu.memory_space<vmem>>, vector<16xi32>,
      %dma_start3A_219 = arith.constant 0 : i32
      %dma_start3A_220 = arith.constant 0 : i32
      %dma_start3A_221 = tpu.memref_slice %arg2[%dma_start3A_219, %dma_start3A_220] : memref<10000x128xf32, #tpu.memory_space<hbm>> -> memref<10000x128xf32, #tpu.memory_space<hbm>>
      tpu.enqueue_indirect_dma source(%dma_start3A_221 : memref<10000x128xf32, #tpu.memory_space<hbm>>) target(%arg19 : memref<80x128xf32, #tpu.memory_space<vmem>>) offsets(%arg16 : memref<80xi32, #tpu.memory_space<vmem>>) semaphore(%arg23 : memref<!tpu.dma_semaphore, #tpu.memory_space<semaphore_mem>>)
      %get3A_222 = arith.constant 80 : index
      %get3A_223 = tpu.vector_load %arg14[%get3A_222] {strides = array<i32>} : memref<400xf32, #tpu.memory_space<vmem>>, vector<16xf32>,
      %sub3A_224 = arith.subf %get3A_223, %scan3A_7 : vector<16xf32>
      %exp3A_225 = math.exp %sub3A_224 : vector<16xf32>
      %mul3A_226 = arith.mulf %exp3A_225, %div3A_18 : vector<16xf32>
      %swap3A_227 = arith.constant 0 : index
      %swap3A_228 = tpu.vector_load %arg15[%swap3A_227] {strides = array<i32>} : memref<80xf32, #tpu.memory_space<vmem>>, vector<16xf32>,
      tpu.vector_store %arg15[%swap3A_227], %mul3A_226 {strides = array<i32>} : memref<80xf32, #tpu.memory_space<vmem>>, vector<16xf32>,
      %get3A_229 = arith.constant 96 : index
      %get3A_230 = tpu.vector_load %arg14[%get3A_229] {strides = array<i32>} : memref<400xf32, #tpu.memory_space<vmem>>, vector<16xf32>,
      %sub3A_231 = arith.subf %get3A_230, %scan3A_7 : vector<16xf32>
      %exp3A_232 = math.exp %sub3A_231 : vector<16xf32>
      %mul3A_233 = arith.mulf %exp3A_232, %div3A_18 : vector<16xf32>
      %swap3A_234 = arith.constant 16 : index
      %swap3A_235 = tpu.vector_load %arg15[%swap3A_234] {strides = array<i32>} : memref<80xf32, #tpu.memory_space<vmem>>, vector<16xf32>,
      tpu.vector_store %arg15[%swap3A_234], %mul3A_233 {strides = array<i32>} : memref<80xf32, #tpu.memory_space<vmem>>, vector<16xf32>,
      %get3A_236 = arith.constant 112 : index
      %get3A_237 = tpu.vector_load %arg14[%get3A_236] {strides = array<i32>} : memref<400xf32, #tpu.memory_space<vmem>>, vector<16xf32>,
      %sub3A_238 = arith.subf %get3A_237, %scan3A_7 : vector<16xf32>
      %exp3A_239 = math.exp %sub3A_238 : vector<16xf32>
      %mul3A_240 = arith.mulf %exp3A_239, %div3A_18 : vector<16xf32>
      %swap3A_241 = arith.constant 32 : index
      %swap3A_242 = tpu.vector_load %arg15[%swap3A_241] {strides = array<i32>} : memref<80xf32, #tpu.memory_space<vmem>>, vector<16xf32>,
      tpu.vector_store %arg15[%swap3A_241], %mul3A_240 {strides = array<i32>} : memref<80xf32, #tpu.memory_space<vmem>>, vector<16xf32>,
      %get3A_243 = arith.constant 128 : index
      %get3A_244 = tpu.vector_load %arg14[%get3A_243] {strides = array<i32>} : memref<400xf32, #tpu.memory_space<vmem>>, vector<16xf32>,
      %sub3A_245 = arith.subf %get3A_244, %scan3A_7 : vector<16xf32>
      %exp3A_246 = math.exp %sub3A_245 : vector<16xf32>
      %mul3A_247 = arith.mulf %exp3A_246, %div3A_18 : vector<16xf32>
      %swap3A_248 = arith.constant 48 : index
      %swap3A_249 = tpu.vector_load %arg15[%swap3A_248] {strides = array<i32>} : memref<80xf32, #tpu.memory_space<vmem>>, vector<16xf32>,
      tpu.vector_store %arg15[%swap3A_248], %mul3A_247 {strides = array<i32>} : memref<80xf32, #tpu.memory_space<vmem>>, vector<16xf32>,
      %get3A_250 = arith.constant 144 : index
      %get3A_251 = tpu.vector_load %arg14[%get3A_250] {strides = array<i32>} : memref<400xf32, #tpu.memory_space<vmem>>, vector<16xf32>,
      %sub3A_252 = arith.subf %get3A_251, %scan3A_7 : vector<16xf32>
      %exp3A_253 = math.exp %sub3A_252 : vector<16xf32>
      %mul3A_254 = arith.mulf %exp3A_253, %div3A_18 : vector<16xf32>
      %swap3A_255 = arith.constant 64 : index
      %swap3A_256 = tpu.vector_load %arg15[%swap3A_255] {strides = array<i32>} : memref<80xf32, #tpu.memory_space<vmem>>, vector<16xf32>,
      tpu.vector_store %arg15[%swap3A_255], %mul3A_254 {strides = array<i32>} : memref<80xf32, #tpu.memory_space<vmem>>, vector<16xf32>,
      %scan3A_257 = arith.constant 0 : i32
      %scan3A_258 = arith.constant 0 : i32
      %scan3A_259 = arith.constant 80 : i32
      %scan3A_260 = arith.addi %scan3A_258, %scan3A_259 : i32
      %scan3A_261 = arith.constant 1 : i32
      %scan3A_262 = scf.for %scan3A_526 = %scan3A_258 to %scan3A_260 step %scan3A_261 iter_args(%scan3A_527 = %scan3A_257) -> (i32)  : i32 {
        %broadcast_in_dim3A_528 = vector.broadcast %scan3A_526 : i32 to vector<16xi32>
        %gather3A = tpu.vector_load_idx %arg15[%broadcast_in_dim3A_528] : memref<80xf32, #tpu.memory_space<vmem>>[vector<16xi32>], vector<16xf32>,
        %get3A_529 = arith.index_cast %scan3A_526 : i32 to index
        %get3A_530 = arith.constant 0 : index
        %get3A_531 = tpu.vector_load %arg20[%get3A_529, %get3A_530] {strides = array<i32>} : memref<80x128xf32, #tpu.memory_space<vmem>>, vector<16xf32>,
        %mul3A_532 = arith.mulf %get3A_531, %gather3A : vector<16xf32>
        %swap3A_533 = arith.index_cast %scan3A_526 : i32 to index
        %swap3A_534 = arith.constant 0 : index
        %swap3A_535 = tpu.vector_load %arg20[%swap3A_533, %swap3A_534] {strides = array<i32>} : memref<80x128xf32, #tpu.memory_space<vmem>>, vector<16xf32>,
        tpu.vector_store %arg20[%swap3A_533, %swap3A_534], %mul3A_532 {strides = array<i32>} : memref<80x128xf32, #tpu.memory_space<vmem>>, vector<16xf32>,
        %get3A_536 = arith.index_cast %scan3A_526 : i32 to index
        %get3A_537 = arith.constant 16 : index
        %get3A_538 = tpu.vector_load %arg20[%get3A_536, %get3A_537] {strides = array<i32>} : memref<80x128xf32, #tpu.memory_space<vmem>>, vector<16xf32>,
        %mul3A_539 = arith.mulf %get3A_538, %gather3A : vector<16xf32>
        %swap3A_540 = arith.index_cast %scan3A_526 : i32 to index
        %swap3A_541 = arith.constant 16 : index
        %swap3A_542 = tpu.vector_load %arg20[%swap3A_540, %swap3A_541] {strides = array<i32>} : memref<80x128xf32, #tpu.memory_space<vmem>>, vector<16xf32>,
        tpu.vector_store %arg20[%swap3A_540, %swap3A_541], %mul3A_539 {strides = array<i32>} : memref<80x128xf32, #tpu.memory_space<vmem>>, vector<16xf32>,
        %get3A_543 = arith.index_cast %scan3A_526 : i32 to index
        %get3A_544 = arith.constant 32 : index
        %get3A_545 = tpu.vector_load %arg20[%get3A_543, %get3A_544] {strides = array<i32>} : memref<80x128xf32, #tpu.memory_space<vmem>>, vector<16xf32>,
        %mul3A_546 = arith.mulf %get3A_545, %gather3A : vector<16xf32>
        %swap3A_547 = arith.index_cast %scan3A_526 : i32 to index
        %swap3A_548 = arith.constant 32 : index
        %swap3A_549 = tpu.vector_load %arg20[%swap3A_547, %swap3A_548] {strides = array<i32>} : memref<80x128xf32, #tpu.memory_space<vmem>>, vector<16xf32>,
        tpu.vector_store %arg20[%swap3A_547, %swap3A_548], %mul3A_546 {strides = array<i32>} : memref<80x128xf32, #tpu.memory_space<vmem>>, vector<16xf32>,
        %get3A_550 = arith.index_cast %scan3A_526 : i32 to index
        %get3A_551 = arith.constant 48 : index
        %get3A_552 = tpu.vector_load %arg20[%get3A_550, %get3A_551] {strides = array<i32>} : memref<80x128xf32, #tpu.memory_space<vmem>>, vector<16xf32>,
        %mul3A_553 = arith.mulf %get3A_552, %gather3A : vector<16xf32>
        %swap3A_554 = arith.index_cast %scan3A_526 : i32 to index
        %swap3A_555 = arith.constant 48 : index
        %swap3A_556 = tpu.vector_load %arg20[%swap3A_554, %swap3A_555] {strides = array<i32>} : memref<80x128xf32, #tpu.memory_space<vmem>>, vector<16xf32>,
        tpu.vector_store %arg20[%swap3A_554, %swap3A_555], %mul3A_553 {strides = array<i32>} : memref<80x128xf32, #tpu.memory_space<vmem>>, vector<16xf32>,
        %get3A_557 = arith.index_cast %scan3A_526 : i32 to index
        %get3A_558 = arith.constant 64 : index
        %get3A_559 = tpu.vector_load %arg20[%get3A_557, %get3A_558] {strides = array<i32>} : memref<80x128xf32, #tpu.memory_space<vmem>>, vector<16xf32>,
        %mul3A_560 = arith.mulf %get3A_559, %gather3A : vector<16xf32>
        %swap3A_561 = arith.index_cast %scan3A_526 : i32 to index
        %swap3A_562 = arith.constant 64 : index
        %swap3A_563 = tpu.vector_load %arg20[%swap3A_561, %swap3A_562] {strides = array<i32>} : memref<80x128xf32, #tpu.memory_space<vmem>>, vector<16xf32>,
        tpu.vector_store %arg20[%swap3A_561, %swap3A_562], %mul3A_560 {strides = array<i32>} : memref<80x128xf32, #tpu.memory_space<vmem>>, vector<16xf32>,
        %get3A_564 = arith.index_cast %scan3A_526 : i32 to index
        %get3A_565 = arith.constant 80 : index
        %get3A_566 = tpu.vector_load %arg20[%get3A_564, %get3A_565] {strides = array<i32>} : memref<80x128xf32, #tpu.memory_space<vmem>>, vector<16xf32>,
        %mul3A_567 = arith.mulf %get3A_566, %gather3A : vector<16xf32>
        %swap3A_568 = arith.index_cast %scan3A_526 : i32 to index
        %swap3A_569 = arith.constant 80 : index
        %swap3A_570 = tpu.vector_load %arg20[%swap3A_568, %swap3A_569] {strides = array<i32>} : memref<80x128xf32, #tpu.memory_space<vmem>>, vector<16xf32>,
        tpu.vector_store %arg20[%swap3A_568, %swap3A_569], %mul3A_567 {strides = array<i32>} : memref<80x128xf32, #tpu.memory_space<vmem>>, vector<16xf32>,
        %get3A_571 = arith.index_cast %scan3A_526 : i32 to index
        %get3A_572 = arith.constant 96 : index
        %get3A_573 = tpu.vector_load %arg20[%get3A_571, %get3A_572] {strides = array<i32>} : memref<80x128xf32, #tpu.memory_space<vmem>>, vector<16xf32>,
        %mul3A_574 = arith.mulf %get3A_573, %gather3A : vector<16xf32>
        %swap3A_575 = arith.index_cast %scan3A_526 : i32 to index
        %swap3A_576 = arith.constant 96 : index
        %swap3A_577 = tpu.vector_load %arg20[%swap3A_575, %swap3A_576] {strides = array<i32>} : memref<80x128xf32, #tpu.memory_space<vmem>>, vector<16xf32>,
        tpu.vector_store %arg20[%swap3A_575, %swap3A_576], %mul3A_574 {strides = array<i32>} : memref<80x128xf32, #tpu.memory_space<vmem>>, vector<16xf32>,
        %get3A_578 = arith.index_cast %scan3A_526 : i32 to index
        %get3A_579 = arith.constant 112 : index
        %get3A_580 = tpu.vector_load %arg20[%get3A_578, %get3A_579] {strides = array<i32>} : memref<80x128xf32, #tpu.memory_space<vmem>>, vector<16xf32>,
        %mul3A_581 = arith.mulf %get3A_580, %gather3A : vector<16xf32>
        %swap3A_582 = arith.index_cast %scan3A_526 : i32 to index
        %swap3A_583 = arith.constant 112 : index
        %swap3A_584 = tpu.vector_load %arg20[%swap3A_582, %swap3A_583] {strides = array<i32>} : memref<80x128xf32, #tpu.memory_space<vmem>>, vector<16xf32>,
        tpu.vector_store %arg20[%swap3A_582, %swap3A_583], %mul3A_581 {strides = array<i32>} : memref<80x128xf32, #tpu.memory_space<vmem>>, vector<16xf32>,
        %scan3A_585 = arith.constant 0 : i32
        scf.yield %scan3A_585 : i32
      }
      %scan3A_263 = arith.constant 80 : i32
      %get3A_264 = arith.constant 80 : index
      %get3A_265 = tpu.vector_load %arg13[%get3A_264] {strides = array<i32>} : memref<400xi32, #tpu.memory_space<vmem>>, vector<16xi32>,
      %swap3A_266 = arith.constant 0 : index
      %swap3A_267 = tpu.vector_load %arg18[%swap3A_266] {strides = array<i32>} : memref<80xi32, #tpu.memory_space<vmem>>, vector<16xi32>,
      tpu.vector_store %arg18[%swap3A_266], %get3A_265 {strides = array<i32>} : memref<80xi32, #tpu.memory_space<vmem>>, vector<16xi32>,
      %get3A_268 = arith.constant 96 : index
      %get3A_269 = tpu.vector_load %arg13[%get3A_268] {strides = array<i32>} : memref<400xi32, #tpu.memory_space<vmem>>, vector<16xi32>,
      %swap3A_270 = arith.constant 16 : index
      %swap3A_271 = tpu.vector_load %arg18[%swap3A_270] {strides = array<i32>} : memref<80xi32, #tpu.memory_space<vmem>>, vector<16xi32>,
      tpu.vector_store %arg18[%swap3A_270], %get3A_269 {strides = array<i32>} : memref<80xi32, #tpu.memory_space<vmem>>, vector<16xi32>,
      %get3A_272 = arith.constant 112 : index
      %get3A_273 = tpu.vector_load %arg13[%get3A_272] {strides = array<i32>} : memref<400xi32, #tpu.memory_space<vmem>>, vector<16xi32>,
      %swap3A_274 = arith.constant 32 : index
      %swap3A_275 = tpu.vector_load %arg18[%swap3A_274] {strides = array<i32>} : memref<80xi32, #tpu.memory_space<vmem>>, vector<16xi32>,
      tpu.vector_store %arg18[%swap3A_274], %get3A_273 {strides = array<i32>} : memref<80xi32, #tpu.memory_space<vmem>>, vector<16xi32>,
      %get3A_276 = arith.constant 128 : index
      %get3A_277 = tpu.vector_load %arg13[%get3A_276] {strides = array<i32>} : memref<400xi32, #tpu.memory_space<vmem>>, vector<16xi32>,
      %swap3A_278 = arith.constant 48 : index
      %swap3A_279 = tpu.vector_load %arg18[%swap3A_278] {strides = array<i32>} : memref<80xi32, #tpu.memory_space<vmem>>, vector<16xi32>,
      tpu.vector_store %arg18[%swap3A_278], %get3A_277 {strides = array<i32>} : memref<80xi32, #tpu.memory_space<vmem>>, vector<16xi32>,
      %get3A_280 = arith.constant 144 : index
      %get3A_281 = tpu.vector_load %arg13[%get3A_280] {strides = array<i32>} : memref<400xi32, #tpu.memory_space<vmem>>, vector<16xi32>,
      %swap3A_282 = arith.constant 64 : index
      %swap3A_283 = tpu.vector_load %arg18[%swap3A_282] {strides = array<i32>} : memref<80xi32, #tpu.memory_space<vmem>>, vector<16xi32>,
      tpu.vector_store %arg18[%swap3A_282], %get3A_281 {strides = array<i32>} : memref<80xi32, #tpu.memory_space<vmem>>, vector<16xi32>,
      "tpu.region"() ({
        %run_scoped3A = tpu.sem_alloc : memref<!tpu.dma_semaphore, #tpu.memory_space<semaphore_mem>>
        %dma_start3A_526 = arith.constant 0 : i32
        %dma_start3A_527 = arith.constant 0 : i32
        %dma_start3A_528 = tpu.memref_slice %arg9[%dma_start3A_526, %dma_start3A_527] : memref<10240x128xf32, #tpu.memory_space<vmem_shared>> -> memref<10240x128xf32, #tpu.memory_space<vmem_shared>>
        tpu.enqueue_indirect_dma source(%arg20 : memref<80x128xf32, #tpu.memory_space<vmem>>) target(%dma_start3A_528 : memref<10240x128xf32, #tpu.memory_space<vmem_shared>>) offsets(%arg18 : memref<80xi32, #tpu.memory_space<vmem>>) semaphore(%run_scoped3A : memref<!tpu.dma_semaphore, #tpu.memory_space<semaphore_mem>>) {add = true}
        %dma_wait3A_529 = arith.constant 0 : i32
        %dma_wait3A_530 = arith.constant 0 : i32
        %dma_wait3A_531 = tpu.memref_slice %arg9[%dma_wait3A_529, %dma_wait3A_530] : memref<10240x128xf32, #tpu.memory_space<vmem_shared>> -> memref<10240x128xf32, #tpu.memory_space<vmem_shared>>
        tpu.wait_indirect_dma semaphore(%run_scoped3A : memref<!tpu.dma_semaphore, #tpu.memory_space<semaphore_mem>>) src(%arg20 : memref<80x128xf32, #tpu.memory_space<vmem>>) dst(%dma_wait3A_531 : memref<10240x128xf32, #tpu.memory_space<vmem_shared>>)
        tpu.yield
      }) : () -> ()
      %dma_wait3A_284 = arith.constant 0 : i32
      %dma_wait3A_285 = arith.constant 0 : i32
      %dma_wait3A_286 = tpu.memref_slice %arg2[%dma_wait3A_284, %dma_wait3A_285] : memref<10000x128xf32, #tpu.memory_space<hbm>> -> memref<10000x128xf32, #tpu.memory_space<hbm>>
      tpu.wait_indirect_dma semaphore(%arg23 : memref<!tpu.dma_semaphore, #tpu.memory_space<semaphore_mem>>) src(%dma_wait3A_286 : memref<10000x128xf32, #tpu.memory_space<hbm>>) dst(%arg19 : memref<80x128xf32, #tpu.memory_space<vmem>>)
      %get3A_287 = arith.constant 240 : index
      %get3A_288 = tpu.vector_load %arg12[%get3A_287] {strides = array<i32>} : memref<400xi32, #tpu.memory_space<vmem>>, vector<16xi32>,
      %swap3A_289 = arith.constant 0 : index
      %swap3A_290 = tpu.vector_load %arg17[%swap3A_289] {strides = array<i32>} : memref<80xi32, #tpu.memory_space<vmem>>, vector<16xi32>,
      tpu.vector_store %arg17[%swap3A_289], %get3A_288 {strides = array<i32>} : memref<80xi32, #tpu.memory_space<vmem>>, vector<16xi32>,
      %get3A_291 = arith.constant 256 : index
      %get3A_292 = tpu.vector_load %arg12[%get3A_291] {strides = array<i32>} : memref<400xi32, #tpu.memory_space<vmem>>, vector<16xi32>,
      %swap3A_293 = arith.constant 16 : index
      %swap3A_294 = tpu.vector_load %arg17[%swap3A_293] {strides = array<i32>} : memref<80xi32, #tpu.memory_space<vmem>>, vector<16xi32>,
      tpu.vector_store %arg17[%swap3A_293], %get3A_292 {strides = array<i32>} : memref<80xi32, #tpu.memory_space<vmem>>, vector<16xi32>,
      %get3A_295 = arith.constant 272 : index
      %get3A_296 = tpu.vector_load %arg12[%get3A_295] {strides = array<i32>} : memref<400xi32, #tpu.memory_space<vmem>>, vector<16xi32>,
      %swap3A_297 = arith.constant 32 : index
      %swap3A_298 = tpu.vector_load %arg17[%swap3A_297] {strides = array<i32>} : memref<80xi32, #tpu.memory_space<vmem>>, vector<16xi32>,
      tpu.vector_store %arg17[%swap3A_297], %get3A_296 {strides = array<i32>} : memref<80xi32, #tpu.memory_space<vmem>>, vector<16xi32>,
      %get3A_299 = arith.constant 288 : index
      %get3A_300 = tpu.vector_load %arg12[%get3A_299] {strides = array<i32>} : memref<400xi32, #tpu.memory_space<vmem>>, vector<16xi32>,
      %swap3A_301 = arith.constant 48 : index
      %swap3A_302 = tpu.vector_load %arg17[%swap3A_301] {strides = array<i32>} : memref<80xi32, #tpu.memory_space<vmem>>, vector<16xi32>,
      tpu.vector_store %arg17[%swap3A_301], %get3A_300 {strides = array<i32>} : memref<80xi32, #tpu.memory_space<vmem>>, vector<16xi32>,
      %get3A_303 = arith.constant 304 : index
      %get3A_304 = tpu.vector_load %arg12[%get3A_303] {strides = array<i32>} : memref<400xi32, #tpu.memory_space<vmem>>, vector<16xi32>,
      %swap3A_305 = arith.constant 64 : index
      %swap3A_306 = tpu.vector_load %arg17[%swap3A_305] {strides = array<i32>} : memref<80xi32, #tpu.memory_space<vmem>>, vector<16xi32>,
      tpu.vector_store %arg17[%swap3A_305], %get3A_304 {strides = array<i32>} : memref<80xi32, #tpu.memory_space<vmem>>, vector<16xi32>,
      %dma_start3A_307 = arith.constant 0 : i32
      %dma_start3A_308 = arith.constant 0 : i32
      %dma_start3A_309 = tpu.memref_slice %arg2[%dma_start3A_307, %dma_start3A_308] : memref<10000x128xf32, #tpu.memory_space<hbm>> -> memref<10000x128xf32, #tpu.memory_space<hbm>>
      tpu.enqueue_indirect_dma source(%dma_start3A_309 : memref<10000x128xf32, #tpu.memory_space<hbm>>) target(%arg20 : memref<80x128xf32, #tpu.memory_space<vmem>>) offsets(%arg17 : memref<80xi32, #tpu.memory_space<vmem>>) semaphore(%arg24 : memref<!tpu.dma_semaphore, #tpu.memory_space<semaphore_mem>>)
      %get3A_310 = arith.constant 160 : index
      %get3A_311 = tpu.vector_load %arg14[%get3A_310] {strides = array<i32>} : memref<400xf32, #tpu.memory_space<vmem>>, vector<16xf32>,
      %sub3A_312 = arith.subf %get3A_311, %scan3A_7 : vector<16xf32>
      %exp3A_313 = math.exp %sub3A_312 : vector<16xf32>
      %mul3A_314 = arith.mulf %exp3A_313, %div3A_18 : vector<16xf32>
      %swap3A_315 = arith.constant 0 : index
      %swap3A_316 = tpu.vector_load %arg15[%swap3A_315] {strides = array<i32>} : memref<80xf32, #tpu.memory_space<vmem>>, vector<16xf32>,
      tpu.vector_store %arg15[%swap3A_315], %mul3A_314 {strides = array<i32>} : memref<80xf32, #tpu.memory_space<vmem>>, vector<16xf32>,
      %get3A_317 = arith.constant 176 : index
      %get3A_318 = tpu.vector_load %arg14[%get3A_317] {strides = array<i32>} : memref<400xf32, #tpu.memory_space<vmem>>, vector<16xf32>,
      %sub3A_319 = arith.subf %get3A_318, %scan3A_7 : vector<16xf32>
      %exp3A_320 = math.exp %sub3A_319 : vector<16xf32>
      %mul3A_321 = arith.mulf %exp3A_320, %div3A_18 : vector<16xf32>
      %swap3A_322 = arith.constant 16 : index
      %swap3A_323 = tpu.vector_load %arg15[%swap3A_322] {strides = array<i32>} : memref<80xf32, #tpu.memory_space<vmem>>, vector<16xf32>,
      tpu.vector_store %arg15[%swap3A_322], %mul3A_321 {strides = array<i32>} : memref<80xf32, #tpu.memory_space<vmem>>, vector<16xf32>,
      %get3A_324 = arith.constant 192 : index
      %get3A_325 = tpu.vector_load %arg14[%get3A_324] {strides = array<i32>} : memref<400xf32, #tpu.memory_space<vmem>>, vector<16xf32>,
      %sub3A_326 = arith.subf %get3A_325, %scan3A_7 : vector<16xf32>
      %exp3A_327 = math.exp %sub3A_326 : vector<16xf32>
      %mul3A_328 = arith.mulf %exp3A_327, %div3A_18 : vector<16xf32>
      %swap3A_329 = arith.constant 32 : index
      %swap3A_330 = tpu.vector_load %arg15[%swap3A_329] {strides = array<i32>} : memref<80xf32, #tpu.memory_space<vmem>>, vector<16xf32>,
      tpu.vector_store %arg15[%swap3A_329], %mul3A_328 {strides = array<i32>} : memref<80xf32, #tpu.memory_space<vmem>>, vector<16xf32>,
      %get3A_331 = arith.constant 208 : index
      %get3A_332 = tpu.vector_load %arg14[%get3A_331] {strides = array<i32>} : memref<400xf32, #tpu.memory_space<vmem>>, vector<16xf32>,
      %sub3A_333 = arith.subf %get3A_332, %scan3A_7 : vector<16xf32>
      %exp3A_334 = math.exp %sub3A_333 : vector<16xf32>
      %mul3A_335 = arith.mulf %exp3A_334, %div3A_18 : vector<16xf32>
      %swap3A_336 = arith.constant 48 : index
      %swap3A_337 = tpu.vector_load %arg15[%swap3A_336] {strides = array<i32>} : memref<80xf32, #tpu.memory_space<vmem>>, vector<16xf32>,
      tpu.vector_store %arg15[%swap3A_336], %mul3A_335 {strides = array<i32>} : memref<80xf32, #tpu.memory_space<vmem>>, vector<16xf32>,
      %get3A_338 = arith.constant 224 : index
      %get3A_339 = tpu.vector_load %arg14[%get3A_338] {strides = array<i32>} : memref<400xf32, #tpu.memory_space<vmem>>, vector<16xf32>,
      %sub3A_340 = arith.subf %get3A_339, %scan3A_7 : vector<16xf32>
      %exp3A_341 = math.exp %sub3A_340 : vector<16xf32>
      %mul3A_342 = arith.mulf %exp3A_341, %div3A_18 : vector<16xf32>
      %swap3A_343 = arith.constant 64 : index
      %swap3A_344 = tpu.vector_load %arg15[%swap3A_343] {strides = array<i32>} : memref<80xf32, #tpu.memory_space<vmem>>, vector<16xf32>,
      tpu.vector_store %arg15[%swap3A_343], %mul3A_342 {strides = array<i32>} : memref<80xf32, #tpu.memory_space<vmem>>, vector<16xf32>,
      %scan3A_345 = arith.constant 0 : i32
      %scan3A_346 = arith.constant 0 : i32
      %scan3A_347 = arith.constant 80 : i32
      %scan3A_348 = arith.addi %scan3A_346, %scan3A_347 : i32
      %scan3A_349 = arith.constant 1 : i32
      %scan3A_350 = scf.for %scan3A_526 = %scan3A_346 to %scan3A_348 step %scan3A_349 iter_args(%scan3A_527 = %scan3A_345) -> (i32)  : i32 {
        %broadcast_in_dim3A_528 = vector.broadcast %scan3A_526 : i32 to vector<16xi32>
        %gather3A = tpu.vector_load_idx %arg15[%broadcast_in_dim3A_528] : memref<80xf32, #tpu.memory_space<vmem>>[vector<16xi32>], vector<16xf32>,
        %get3A_529 = arith.index_cast %scan3A_526 : i32 to index
        %get3A_530 = arith.constant 0 : index
        %get3A_531 = tpu.vector_load %arg19[%get3A_529, %get3A_530] {strides = array<i32>} : memref<80x128xf32, #tpu.memory_space<vmem>>, vector<16xf32>,
        %mul3A_532 = arith.mulf %get3A_531, %gather3A : vector<16xf32>
        %swap3A_533 = arith.index_cast %scan3A_526 : i32 to index
        %swap3A_534 = arith.constant 0 : index
        %swap3A_535 = tpu.vector_load %arg19[%swap3A_533, %swap3A_534] {strides = array<i32>} : memref<80x128xf32, #tpu.memory_space<vmem>>, vector<16xf32>,
        tpu.vector_store %arg19[%swap3A_533, %swap3A_534], %mul3A_532 {strides = array<i32>} : memref<80x128xf32, #tpu.memory_space<vmem>>, vector<16xf32>,
        %get3A_536 = arith.index_cast %scan3A_526 : i32 to index
        %get3A_537 = arith.constant 16 : index
        %get3A_538 = tpu.vector_load %arg19[%get3A_536, %get3A_537] {strides = array<i32>} : memref<80x128xf32, #tpu.memory_space<vmem>>, vector<16xf32>,
        %mul3A_539 = arith.mulf %get3A_538, %gather3A : vector<16xf32>
        %swap3A_540 = arith.index_cast %scan3A_526 : i32 to index
        %swap3A_541 = arith.constant 16 : index
        %swap3A_542 = tpu.vector_load %arg19[%swap3A_540, %swap3A_541] {strides = array<i32>} : memref<80x128xf32, #tpu.memory_space<vmem>>, vector<16xf32>,
        tpu.vector_store %arg19[%swap3A_540, %swap3A_541], %mul3A_539 {strides = array<i32>} : memref<80x128xf32, #tpu.memory_space<vmem>>, vector<16xf32>,
        %get3A_543 = arith.index_cast %scan3A_526 : i32 to index
        %get3A_544 = arith.constant 32 : index
        %get3A_545 = tpu.vector_load %arg19[%get3A_543, %get3A_544] {strides = array<i32>} : memref<80x128xf32, #tpu.memory_space<vmem>>, vector<16xf32>,
        %mul3A_546 = arith.mulf %get3A_545, %gather3A : vector<16xf32>
        %swap3A_547 = arith.index_cast %scan3A_526 : i32 to index
        %swap3A_548 = arith.constant 32 : index
        %swap3A_549 = tpu.vector_load %arg19[%swap3A_547, %swap3A_548] {strides = array<i32>} : memref<80x128xf32, #tpu.memory_space<vmem>>, vector<16xf32>,
        tpu.vector_store %arg19[%swap3A_547, %swap3A_548], %mul3A_546 {strides = array<i32>} : memref<80x128xf32, #tpu.memory_space<vmem>>, vector<16xf32>,
        %get3A_550 = arith.index_cast %scan3A_526 : i32 to index
        %get3A_551 = arith.constant 48 : index
        %get3A_552 = tpu.vector_load %arg19[%get3A_550, %get3A_551] {strides = array<i32>} : memref<80x128xf32, #tpu.memory_space<vmem>>, vector<16xf32>,
        %mul3A_553 = arith.mulf %get3A_552, %gather3A : vector<16xf32>
        %swap3A_554 = arith.index_cast %scan3A_526 : i32 to index
        %swap3A_555 = arith.constant 48 : index
        %swap3A_556 = tpu.vector_load %arg19[%swap3A_554, %swap3A_555] {strides = array<i32>} : memref<80x128xf32, #tpu.memory_space<vmem>>, vector<16xf32>,
        tpu.vector_store %arg19[%swap3A_554, %swap3A_555], %mul3A_553 {strides = array<i32>} : memref<80x128xf32, #tpu.memory_space<vmem>>, vector<16xf32>,
        %get3A_557 = arith.index_cast %scan3A_526 : i32 to index
        %get3A_558 = arith.constant 64 : index
        %get3A_559 = tpu.vector_load %arg19[%get3A_557, %get3A_558] {strides = array<i32>} : memref<80x128xf32, #tpu.memory_space<vmem>>, vector<16xf32>,
        %mul3A_560 = arith.mulf %get3A_559, %gather3A : vector<16xf32>
        %swap3A_561 = arith.index_cast %scan3A_526 : i32 to index
        %swap3A_562 = arith.constant 64 : index
        %swap3A_563 = tpu.vector_load %arg19[%swap3A_561, %swap3A_562] {strides = array<i32>} : memref<80x128xf32, #tpu.memory_space<vmem>>, vector<16xf32>,
        tpu.vector_store %arg19[%swap3A_561, %swap3A_562], %mul3A_560 {strides = array<i32>} : memref<80x128xf32, #tpu.memory_space<vmem>>, vector<16xf32>,
        %get3A_564 = arith.index_cast %scan3A_526 : i32 to index
        %get3A_565 = arith.constant 80 : index
        %get3A_566 = tpu.vector_load %arg19[%get3A_564, %get3A_565] {strides = array<i32>} : memref<80x128xf32, #tpu.memory_space<vmem>>, vector<16xf32>,
        %mul3A_567 = arith.mulf %get3A_566, %gather3A : vector<16xf32>
        %swap3A_568 = arith.index_cast %scan3A_526 : i32 to index
        %swap3A_569 = arith.constant 80 : index
        %swap3A_570 = tpu.vector_load %arg19[%swap3A_568, %swap3A_569] {strides = array<i32>} : memref<80x128xf32, #tpu.memory_space<vmem>>, vector<16xf32>,
        tpu.vector_store %arg19[%swap3A_568, %swap3A_569], %mul3A_567 {strides = array<i32>} : memref<80x128xf32, #tpu.memory_space<vmem>>, vector<16xf32>,
        %get3A_571 = arith.index_cast %scan3A_526 : i32 to index
        %get3A_572 = arith.constant 96 : index
        %get3A_573 = tpu.vector_load %arg19[%get3A_571, %get3A_572] {strides = array<i32>} : memref<80x128xf32, #tpu.memory_space<vmem>>, vector<16xf32>,
        %mul3A_574 = arith.mulf %get3A_573, %gather3A : vector<16xf32>
        %swap3A_575 = arith.index_cast %scan3A_526 : i32 to index
        %swap3A_576 = arith.constant 96 : index
        %swap3A_577 = tpu.vector_load %arg19[%swap3A_575, %swap3A_576] {strides = array<i32>} : memref<80x128xf32, #tpu.memory_space<vmem>>, vector<16xf32>,
        tpu.vector_store %arg19[%swap3A_575, %swap3A_576], %mul3A_574 {strides = array<i32>} : memref<80x128xf32, #tpu.memory_space<vmem>>, vector<16xf32>,
        %get3A_578 = arith.index_cast %scan3A_526 : i32 to index
        %get3A_579 = arith.constant 112 : index
        %get3A_580 = tpu.vector_load %arg19[%get3A_578, %get3A_579] {strides = array<i32>} : memref<80x128xf32, #tpu.memory_space<vmem>>, vector<16xf32>,
        %mul3A_581 = arith.mulf %get3A_580, %gather3A : vector<16xf32>
        %swap3A_582 = arith.index_cast %scan3A_526 : i32 to index
        %swap3A_583 = arith.constant 112 : index
        %swap3A_584 = tpu.vector_load %arg19[%swap3A_582, %swap3A_583] {strides = array<i32>} : memref<80x128xf32, #tpu.memory_space<vmem>>, vector<16xf32>,
        tpu.vector_store %arg19[%swap3A_582, %swap3A_583], %mul3A_581 {strides = array<i32>} : memref<80x128xf32, #tpu.memory_space<vmem>>, vector<16xf32>,
        %scan3A_585 = arith.constant 0 : i32
        scf.yield %scan3A_585 : i32
      }
      %scan3A_351 = arith.constant 80 : i32
      %get3A_352 = arith.constant 160 : index
      %get3A_353 = tpu.vector_load %arg13[%get3A_352] {strides = array<i32>} : memref<400xi32, #tpu.memory_space<vmem>>, vector<16xi32>,
      %swap3A_354 = arith.constant 0 : index
      %swap3A_355 = tpu.vector_load %arg18[%swap3A_354] {strides = array<i32>} : memref<80xi32, #tpu.memory_space<vmem>>, vector<16xi32>,
      tpu.vector_store %arg18[%swap3A_354], %get3A_353 {strides = array<i32>} : memref<80xi32, #tpu.memory_space<vmem>>, vector<16xi32>,
      %get3A_356 = arith.constant 176 : index
      %get3A_357 = tpu.vector_load %arg13[%get3A_356] {strides = array<i32>} : memref<400xi32, #tpu.memory_space<vmem>>, vector<16xi32>,
      %swap3A_358 = arith.constant 16 : index
      %swap3A_359 = tpu.vector_load %arg18[%swap3A_358] {strides = array<i32>} : memref<80xi32, #tpu.memory_space<vmem>>, vector<16xi32>,
      tpu.vector_store %arg18[%swap3A_358], %get3A_357 {strides = array<i32>} : memref<80xi32, #tpu.memory_space<vmem>>, vector<16xi32>,
      %get3A_360 = arith.constant 192 : index
      %get3A_361 = tpu.vector_load %arg13[%get3A_360] {strides = array<i32>} : memref<400xi32, #tpu.memory_space<vmem>>, vector<16xi32>,
      %swap3A_362 = arith.constant 32 : index
      %swap3A_363 = tpu.vector_load %arg18[%swap3A_362] {strides = array<i32>} : memref<80xi32, #tpu.memory_space<vmem>>, vector<16xi32>,
      tpu.vector_store %arg18[%swap3A_362], %get3A_361 {strides = array<i32>} : memref<80xi32, #tpu.memory_space<vmem>>, vector<16xi32>,
      %get3A_364 = arith.constant 208 : index
      %get3A_365 = tpu.vector_load %arg13[%get3A_364] {strides = array<i32>} : memref<400xi32, #tpu.memory_space<vmem>>, vector<16xi32>,
      %swap3A_366 = arith.constant 48 : index
      %swap3A_367 = tpu.vector_load %arg18[%swap3A_366] {strides = array<i32>} : memref<80xi32, #tpu.memory_space<vmem>>, vector<16xi32>,
      tpu.vector_store %arg18[%swap3A_366], %get3A_365 {strides = array<i32>} : memref<80xi32, #tpu.memory_space<vmem>>, vector<16xi32>,
      %get3A_368 = arith.constant 224 : index
      %get3A_369 = tpu.vector_load %arg13[%get3A_368] {strides = array<i32>} : memref<400xi32, #tpu.memory_space<vmem>>, vector<16xi32>,
      %swap3A_370 = arith.constant 64 : index
      %swap3A_371 = tpu.vector_load %arg18[%swap3A_370] {strides = array<i32>} : memref<80xi32, #tpu.memory_space<vmem>>, vector<16xi32>,
      tpu.vector_store %arg18[%swap3A_370], %get3A_369 {strides = array<i32>} : memref<80xi32, #tpu.memory_space<vmem>>, vector<16xi32>,
      "tpu.region"() ({
        %run_scoped3A = tpu.sem_alloc : memref<!tpu.dma_semaphore, #tpu.memory_space<semaphore_mem>>
        %dma_start3A_526 = arith.constant 0 : i32
        %dma_start3A_527 = arith.constant 0 : i32
        %dma_start3A_528 = tpu.memref_slice %arg9[%dma_start3A_526, %dma_start3A_527] : memref<10240x128xf32, #tpu.memory_space<vmem_shared>> -> memref<10240x128xf32, #tpu.memory_space<vmem_shared>>
        tpu.enqueue_indirect_dma source(%arg19 : memref<80x128xf32, #tpu.memory_space<vmem>>) target(%dma_start3A_528 : memref<10240x128xf32, #tpu.memory_space<vmem_shared>>) offsets(%arg18 : memref<80xi32, #tpu.memory_space<vmem>>) semaphore(%run_scoped3A : memref<!tpu.dma_semaphore, #tpu.memory_space<semaphore_mem>>) {add = true}
        %dma_wait3A_529 = arith.constant 0 : i32
        %dma_wait3A_530 = arith.constant 0 : i32
        %dma_wait3A_531 = tpu.memref_slice %arg9[%dma_wait3A_529, %dma_wait3A_530] : memref<10240x128xf32, #tpu.memory_space<vmem_shared>> -> memref<10240x128xf32, #tpu.memory_space<vmem_shared>>
        tpu.wait_indirect_dma semaphore(%run_scoped3A : memref<!tpu.dma_semaphore, #tpu.memory_space<semaphore_mem>>) src(%arg19 : memref<80x128xf32, #tpu.memory_space<vmem>>) dst(%dma_wait3A_531 : memref<10240x128xf32, #tpu.memory_space<vmem_shared>>)
        tpu.yield
      }) : () -> ()
      %dma_wait3A_372 = arith.constant 0 : i32
      %dma_wait3A_373 = arith.constant 0 : i32
      %dma_wait3A_374 = tpu.memref_slice %arg2[%dma_wait3A_372, %dma_wait3A_373] : memref<10000x128xf32, #tpu.memory_space<hbm>> -> memref<10000x128xf32, #tpu.memory_space<hbm>>
      tpu.wait_indirect_dma semaphore(%arg24 : memref<!tpu.dma_semaphore, #tpu.memory_space<semaphore_mem>>) src(%dma_wait3A_374 : memref<10000x128xf32, #tpu.memory_space<hbm>>) dst(%arg20 : memref<80x128xf32, #tpu.memory_space<vmem>>)
      %get3A_375 = arith.constant 320 : index
      %get3A_376 = tpu.vector_load %arg12[%get3A_375] {strides = array<i32>} : memref<400xi32, #tpu.memory_space<vmem>>, vector<16xi32>,
      %swap3A_377 = arith.constant 0 : index
      %swap3A_378 = tpu.vector_load %arg16[%swap3A_377] {strides = array<i32>} : memref<80xi32, #tpu.memory_space<vmem>>, vector<16xi32>,
      tpu.vector_store %arg16[%swap3A_377], %get3A_376 {strides = array<i32>} : memref<80xi32, #tpu.memory_space<vmem>>, vector<16xi32>,
      %get3A_379 = arith.constant 336 : index
      %get3A_380 = tpu.vector_load %arg12[%get3A_379] {strides = array<i32>} : memref<400xi32, #tpu.memory_space<vmem>>, vector<16xi32>,
      %swap3A_381 = arith.constant 16 : index
      %swap3A_382 = tpu.vector_load %arg16[%swap3A_381] {strides = array<i32>} : memref<80xi32, #tpu.memory_space<vmem>>, vector<16xi32>,
      tpu.vector_store %arg16[%swap3A_381], %get3A_380 {strides = array<i32>} : memref<80xi32, #tpu.memory_space<vmem>>, vector<16xi32>,
      %get3A_383 = arith.constant 352 : index
      %get3A_384 = tpu.vector_load %arg12[%get3A_383] {strides = array<i32>} : memref<400xi32, #tpu.memory_space<vmem>>, vector<16xi32>,
      %swap3A_385 = arith.constant 32 : index
      %swap3A_386 = tpu.vector_load %arg16[%swap3A_385] {strides = array<i32>} : memref<80xi32, #tpu.memory_space<vmem>>, vector<16xi32>,
      tpu.vector_store %arg16[%swap3A_385], %get3A_384 {strides = array<i32>} : memref<80xi32, #tpu.memory_space<vmem>>, vector<16xi32>,
      %get3A_387 = arith.constant 368 : index
      %get3A_388 = tpu.vector_load %arg12[%get3A_387] {strides = array<i32>} : memref<400xi32, #tpu.memory_space<vmem>>, vector<16xi32>,
      %swap3A_389 = arith.constant 48 : index
      %swap3A_390 = tpu.vector_load %arg16[%swap3A_389] {strides = array<i32>} : memref<80xi32, #tpu.memory_space<vmem>>, vector<16xi32>,
      tpu.vector_store %arg16[%swap3A_389], %get3A_388 {strides = array<i32>} : memref<80xi32, #tpu.memory_space<vmem>>, vector<16xi32>,
      %get3A_391 = arith.constant 384 : index
      %get3A_392 = tpu.vector_load %arg12[%get3A_391] {strides = array<i32>} : memref<400xi32, #tpu.memory_space<vmem>>, vector<16xi32>,
      %swap3A_393 = arith.constant 64 : index
      %swap3A_394 = tpu.vector_load %arg16[%swap3A_393] {strides = array<i32>} : memref<80xi32, #tpu.memory_space<vmem>>, vector<16xi32>,
      tpu.vector_store %arg16[%swap3A_393], %get3A_392 {strides = array<i32>} : memref<80xi32, #tpu.memory_space<vmem>>, vector<16xi32>,
      %dma_start3A_395 = arith.constant 0 : i32
      %dma_start3A_396 = arith.constant 0 : i32
      %dma_start3A_397 = tpu.memref_slice %arg2[%dma_start3A_395, %dma_start3A_396] : memref<10000x128xf32, #tpu.memory_space<hbm>> -> memref<10000x128xf32, #tpu.memory_space<hbm>>
      tpu.enqueue_indirect_dma source(%dma_start3A_397 : memref<10000x128xf32, #tpu.memory_space<hbm>>) target(%arg19 : memref<80x128xf32, #tpu.memory_space<vmem>>) offsets(%arg16 : memref<80xi32, #tpu.memory_space<vmem>>) semaphore(%arg23 : memref<!tpu.dma_semaphore, #tpu.memory_space<semaphore_mem>>)
      %get3A_398 = arith.constant 240 : index
      %get3A_399 = tpu.vector_load %arg14[%get3A_398] {strides = array<i32>} : memref<400xf32, #tpu.memory_space<vmem>>, vector<16xf32>,
      %sub3A_400 = arith.subf %get3A_399, %scan3A_7 : vector<16xf32>
      %exp3A_401 = math.exp %sub3A_400 : vector<16xf32>
      %mul3A_402 = arith.mulf %exp3A_401, %div3A_18 : vector<16xf32>
      %swap3A_403 = arith.constant 0 : index
      %swap3A_404 = tpu.vector_load %arg15[%swap3A_403] {strides = array<i32>} : memref<80xf32, #tpu.memory_space<vmem>>, vector<16xf32>,
      tpu.vector_store %arg15[%swap3A_403], %mul3A_402 {strides = array<i32>} : memref<80xf32, #tpu.memory_space<vmem>>, vector<16xf32>,
      %get3A_405 = arith.constant 256 : index
      %get3A_406 = tpu.vector_load %arg14[%get3A_405] {strides = array<i32>} : memref<400xf32, #tpu.memory_space<vmem>>, vector<16xf32>,
      %sub3A_407 = arith.subf %get3A_406, %scan3A_7 : vector<16xf32>
      %exp3A_408 = math.exp %sub3A_407 : vector<16xf32>
      %mul3A_409 = arith.mulf %exp3A_408, %div3A_18 : vector<16xf32>
      %swap3A_410 = arith.constant 16 : index
      %swap3A_411 = tpu.vector_load %arg15[%swap3A_410] {strides = array<i32>} : memref<80xf32, #tpu.memory_space<vmem>>, vector<16xf32>,
      tpu.vector_store %arg15[%swap3A_410], %mul3A_409 {strides = array<i32>} : memref<80xf32, #tpu.memory_space<vmem>>, vector<16xf32>,
      %get3A_412 = arith.constant 272 : index
      %get3A_413 = tpu.vector_load %arg14[%get3A_412] {strides = array<i32>} : memref<400xf32, #tpu.memory_space<vmem>>, vector<16xf32>,
      %sub3A_414 = arith.subf %get3A_413, %scan3A_7 : vector<16xf32>
      %exp3A_415 = math.exp %sub3A_414 : vector<16xf32>
      %mul3A_416 = arith.mulf %exp3A_415, %div3A_18 : vector<16xf32>
      %swap3A_417 = arith.constant 32 : index
      %swap3A_418 = tpu.vector_load %arg15[%swap3A_417] {strides = array<i32>} : memref<80xf32, #tpu.memory_space<vmem>>, vector<16xf32>,
      tpu.vector_store %arg15[%swap3A_417], %mul3A_416 {strides = array<i32>} : memref<80xf32, #tpu.memory_space<vmem>>, vector<16xf32>,
      %get3A_419 = arith.constant 288 : index
      %get3A_420 = tpu.vector_load %arg14[%get3A_419] {strides = array<i32>} : memref<400xf32, #tpu.memory_space<vmem>>, vector<16xf32>,
      %sub3A_421 = arith.subf %get3A_420, %scan3A_7 : vector<16xf32>
      %exp3A_422 = math.exp %sub3A_421 : vector<16xf32>
      %mul3A_423 = arith.mulf %exp3A_422, %div3A_18 : vector<16xf32>
      %swap3A_424 = arith.constant 48 : index
      %swap3A_425 = tpu.vector_load %arg15[%swap3A_424] {strides = array<i32>} : memref<80xf32, #tpu.memory_space<vmem>>, vector<16xf32>,
      tpu.vector_store %arg15[%swap3A_424], %mul3A_423 {strides = array<i32>} : memref<80xf32, #tpu.memory_space<vmem>>, vector<16xf32>,
      %get3A_426 = arith.constant 304 : index
      %get3A_427 = tpu.vector_load %arg14[%get3A_426] {strides = array<i32>} : memref<400xf32, #tpu.memory_space<vmem>>, vector<16xf32>,
      %sub3A_428 = arith.subf %get3A_427, %scan3A_7 : vector<16xf32>
      %exp3A_429 = math.exp %sub3A_428 : vector<16xf32>
      %mul3A_430 = arith.mulf %exp3A_429, %div3A_18 : vector<16xf32>
      %swap3A_431 = arith.constant 64 : index
      %swap3A_432 = tpu.vector_load %arg15[%swap3A_431] {strides = array<i32>} : memref<80xf32, #tpu.memory_space<vmem>>, vector<16xf32>,
      tpu.vector_store %arg15[%swap3A_431], %mul3A_430 {strides = array<i32>} : memref<80xf32, #tpu.memory_space<vmem>>, vector<16xf32>,
      %scan3A_433 = arith.constant 0 : i32
      %scan3A_434 = arith.constant 0 : i32
      %scan3A_435 = arith.constant 80 : i32
      %scan3A_436 = arith.addi %scan3A_434, %scan3A_435 : i32
      %scan3A_437 = arith.constant 1 : i32
      %scan3A_438 = scf.for %scan3A_526 = %scan3A_434 to %scan3A_436 step %scan3A_437 iter_args(%scan3A_527 = %scan3A_433) -> (i32)  : i32 {
        %broadcast_in_dim3A_528 = vector.broadcast %scan3A_526 : i32 to vector<16xi32>
        %gather3A = tpu.vector_load_idx %arg15[%broadcast_in_dim3A_528] : memref<80xf32, #tpu.memory_space<vmem>>[vector<16xi32>], vector<16xf32>,
        %get3A_529 = arith.index_cast %scan3A_526 : i32 to index
        %get3A_530 = arith.constant 0 : index
        %get3A_531 = tpu.vector_load %arg20[%get3A_529, %get3A_530] {strides = array<i32>} : memref<80x128xf32, #tpu.memory_space<vmem>>, vector<16xf32>,
        %mul3A_532 = arith.mulf %get3A_531, %gather3A : vector<16xf32>
        %swap3A_533 = arith.index_cast %scan3A_526 : i32 to index
        %swap3A_534 = arith.constant 0 : index
        %swap3A_535 = tpu.vector_load %arg20[%swap3A_533, %swap3A_534] {strides = array<i32>} : memref<80x128xf32, #tpu.memory_space<vmem>>, vector<16xf32>,
        tpu.vector_store %arg20[%swap3A_533, %swap3A_534], %mul3A_532 {strides = array<i32>} : memref<80x128xf32, #tpu.memory_space<vmem>>, vector<16xf32>,
        %get3A_536 = arith.index_cast %scan3A_526 : i32 to index
        %get3A_537 = arith.constant 16 : index
        %get3A_538 = tpu.vector_load %arg20[%get3A_536, %get3A_537] {strides = array<i32>} : memref<80x128xf32, #tpu.memory_space<vmem>>, vector<16xf32>,
        %mul3A_539 = arith.mulf %get3A_538, %gather3A : vector<16xf32>
        %swap3A_540 = arith.index_cast %scan3A_526 : i32 to index
        %swap3A_541 = arith.constant 16 : index
        %swap3A_542 = tpu.vector_load %arg20[%swap3A_540, %swap3A_541] {strides = array<i32>} : memref<80x128xf32, #tpu.memory_space<vmem>>, vector<16xf32>,
        tpu.vector_store %arg20[%swap3A_540, %swap3A_541], %mul3A_539 {strides = array<i32>} : memref<80x128xf32, #tpu.memory_space<vmem>>, vector<16xf32>,
        %get3A_543 = arith.index_cast %scan3A_526 : i32 to index
        %get3A_544 = arith.constant 32 : index
        %get3A_545 = tpu.vector_load %arg20[%get3A_543, %get3A_544] {strides = array<i32>} : memref<80x128xf32, #tpu.memory_space<vmem>>, vector<16xf32>,
        %mul3A_546 = arith.mulf %get3A_545, %gather3A : vector<16xf32>
        %swap3A_547 = arith.index_cast %scan3A_526 : i32 to index
        %swap3A_548 = arith.constant 32 : index
        %swap3A_549 = tpu.vector_load %arg20[%swap3A_547, %swap3A_548] {strides = array<i32>} : memref<80x128xf32, #tpu.memory_space<vmem>>, vector<16xf32>,
        tpu.vector_store %arg20[%swap3A_547, %swap3A_548], %mul3A_546 {strides = array<i32>} : memref<80x128xf32, #tpu.memory_space<vmem>>, vector<16xf32>,
        %get3A_550 = arith.index_cast %scan3A_526 : i32 to index
        %get3A_551 = arith.constant 48 : index
        %get3A_552 = tpu.vector_load %arg20[%get3A_550, %get3A_551] {strides = array<i32>} : memref<80x128xf32, #tpu.memory_space<vmem>>, vector<16xf32>,
        %mul3A_553 = arith.mulf %get3A_552, %gather3A : vector<16xf32>
        %swap3A_554 = arith.index_cast %scan3A_526 : i32 to index
        %swap3A_555 = arith.constant 48 : index
        %swap3A_556 = tpu.vector_load %arg20[%swap3A_554, %swap3A_555] {strides = array<i32>} : memref<80x128xf32, #tpu.memory_space<vmem>>, vector<16xf32>,
        tpu.vector_store %arg20[%swap3A_554, %swap3A_555], %mul3A_553 {strides = array<i32>} : memref<80x128xf32, #tpu.memory_space<vmem>>, vector<16xf32>,
        %get3A_557 = arith.index_cast %scan3A_526 : i32 to index
        %get3A_558 = arith.constant 64 : index
        %get3A_559 = tpu.vector_load %arg20[%get3A_557, %get3A_558] {strides = array<i32>} : memref<80x128xf32, #tpu.memory_space<vmem>>, vector<16xf32>,
        %mul3A_560 = arith.mulf %get3A_559, %gather3A : vector<16xf32>
        %swap3A_561 = arith.index_cast %scan3A_526 : i32 to index
        %swap3A_562 = arith.constant 64 : index
        %swap3A_563 = tpu.vector_load %arg20[%swap3A_561, %swap3A_562] {strides = array<i32>} : memref<80x128xf32, #tpu.memory_space<vmem>>, vector<16xf32>,
        tpu.vector_store %arg20[%swap3A_561, %swap3A_562], %mul3A_560 {strides = array<i32>} : memref<80x128xf32, #tpu.memory_space<vmem>>, vector<16xf32>,
        %get3A_564 = arith.index_cast %scan3A_526 : i32 to index
        %get3A_565 = arith.constant 80 : index
        %get3A_566 = tpu.vector_load %arg20[%get3A_564, %get3A_565] {strides = array<i32>} : memref<80x128xf32, #tpu.memory_space<vmem>>, vector<16xf32>,
        %mul3A_567 = arith.mulf %get3A_566, %gather3A : vector<16xf32>
        %swap3A_568 = arith.index_cast %scan3A_526 : i32 to index
        %swap3A_569 = arith.constant 80 : index
        %swap3A_570 = tpu.vector_load %arg20[%swap3A_568, %swap3A_569] {strides = array<i32>} : memref<80x128xf32, #tpu.memory_space<vmem>>, vector<16xf32>,
        tpu.vector_store %arg20[%swap3A_568, %swap3A_569], %mul3A_567 {strides = array<i32>} : memref<80x128xf32, #tpu.memory_space<vmem>>, vector<16xf32>,
        %get3A_571 = arith.index_cast %scan3A_526 : i32 to index
        %get3A_572 = arith.constant 96 : index
        %get3A_573 = tpu.vector_load %arg20[%get3A_571, %get3A_572] {strides = array<i32>} : memref<80x128xf32, #tpu.memory_space<vmem>>, vector<16xf32>,
        %mul3A_574 = arith.mulf %get3A_573, %gather3A : vector<16xf32>
        %swap3A_575 = arith.index_cast %scan3A_526 : i32 to index
        %swap3A_576 = arith.constant 96 : index
        %swap3A_577 = tpu.vector_load %arg20[%swap3A_575, %swap3A_576] {strides = array<i32>} : memref<80x128xf32, #tpu.memory_space<vmem>>, vector<16xf32>,
        tpu.vector_store %arg20[%swap3A_575, %swap3A_576], %mul3A_574 {strides = array<i32>} : memref<80x128xf32, #tpu.memory_space<vmem>>, vector<16xf32>,
        %get3A_578 = arith.index_cast %scan3A_526 : i32 to index
        %get3A_579 = arith.constant 112 : index
        %get3A_580 = tpu.vector_load %arg20[%get3A_578, %get3A_579] {strides = array<i32>} : memref<80x128xf32, #tpu.memory_space<vmem>>, vector<16xf32>,
        %mul3A_581 = arith.mulf %get3A_580, %gather3A : vector<16xf32>
        %swap3A_582 = arith.index_cast %scan3A_526 : i32 to index
        %swap3A_583 = arith.constant 112 : index
        %swap3A_584 = tpu.vector_load %arg20[%swap3A_582, %swap3A_583] {strides = array<i32>} : memref<80x128xf32, #tpu.memory_space<vmem>>, vector<16xf32>,
        tpu.vector_store %arg20[%swap3A_582, %swap3A_583], %mul3A_581 {strides = array<i32>} : memref<80x128xf32, #tpu.memory_space<vmem>>, vector<16xf32>,
        %scan3A_585 = arith.constant 0 : i32
        scf.yield %scan3A_585 : i32
      }
      %scan3A_439 = arith.constant 80 : i32
      %get3A_440 = arith.constant 240 : index
      %get3A_441 = tpu.vector_load %arg13[%get3A_440] {strides = array<i32>} : memref<400xi32, #tpu.memory_space<vmem>>, vector<16xi32>,
      %swap3A_442 = arith.constant 0 : index
      %swap3A_443 = tpu.vector_load %arg18[%swap3A_442] {strides = array<i32>} : memref<80xi32, #tpu.memory_space<vmem>>, vector<16xi32>,
      tpu.vector_store %arg18[%swap3A_442], %get3A_441 {strides = array<i32>} : memref<80xi32, #tpu.memory_space<vmem>>, vector<16xi32>,
      %get3A_444 = arith.constant 256 : index
      %get3A_445 = tpu.vector_load %arg13[%get3A_444] {strides = array<i32>} : memref<400xi32, #tpu.memory_space<vmem>>, vector<16xi32>,
      %swap3A_446 = arith.constant 16 : index
      %swap3A_447 = tpu.vector_load %arg18[%swap3A_446] {strides = array<i32>} : memref<80xi32, #tpu.memory_space<vmem>>, vector<16xi32>,
      tpu.vector_store %arg18[%swap3A_446], %get3A_445 {strides = array<i32>} : memref<80xi32, #tpu.memory_space<vmem>>, vector<16xi32>,
      %get3A_448 = arith.constant 272 : index
      %get3A_449 = tpu.vector_load %arg13[%get3A_448] {strides = array<i32>} : memref<400xi32, #tpu.memory_space<vmem>>, vector<16xi32>,
      %swap3A_450 = arith.constant 32 : index
      %swap3A_451 = tpu.vector_load %arg18[%swap3A_450] {strides = array<i32>} : memref<80xi32, #tpu.memory_space<vmem>>, vector<16xi32>,
      tpu.vector_store %arg18[%swap3A_450], %get3A_449 {strides = array<i32>} : memref<80xi32, #tpu.memory_space<vmem>>, vector<16xi32>,
      %get3A_452 = arith.constant 288 : index
      %get3A_453 = tpu.vector_load %arg13[%get3A_452] {strides = array<i32>} : memref<400xi32, #tpu.memory_space<vmem>>, vector<16xi32>,
      %swap3A_454 = arith.constant 48 : index
      %swap3A_455 = tpu.vector_load %arg18[%swap3A_454] {strides = array<i32>} : memref<80xi32, #tpu.memory_space<vmem>>, vector<16xi32>,
      tpu.vector_store %arg18[%swap3A_454], %get3A_453 {strides = array<i32>} : memref<80xi32, #tpu.memory_space<vmem>>, vector<16xi32>,
      %get3A_456 = arith.constant 304 : index
      %get3A_457 = tpu.vector_load %arg13[%get3A_456] {strides = array<i32>} : memref<400xi32, #tpu.memory_space<vmem>>, vector<16xi32>,
      %swap3A_458 = arith.constant 64 : index
      %swap3A_459 = tpu.vector_load %arg18[%swap3A_458] {strides = array<i32>} : memref<80xi32, #tpu.memory_space<vmem>>, vector<16xi32>,
      tpu.vector_store %arg18[%swap3A_458], %get3A_457 {strides = array<i32>} : memref<80xi32, #tpu.memory_space<vmem>>, vector<16xi32>,
      "tpu.region"() ({
        %run_scoped3A = tpu.sem_alloc : memref<!tpu.dma_semaphore, #tpu.memory_space<semaphore_mem>>
        %dma_start3A_526 = arith.constant 0 : i32
        %dma_start3A_527 = arith.constant 0 : i32
        %dma_start3A_528 = tpu.memref_slice %arg9[%dma_start3A_526, %dma_start3A_527] : memref<10240x128xf32, #tpu.memory_space<vmem_shared>> -> memref<10240x128xf32, #tpu.memory_space<vmem_shared>>
        tpu.enqueue_indirect_dma source(%arg20 : memref<80x128xf32, #tpu.memory_space<vmem>>) target(%dma_start3A_528 : memref<10240x128xf32, #tpu.memory_space<vmem_shared>>) offsets(%arg18 : memref<80xi32, #tpu.memory_space<vmem>>) semaphore(%run_scoped3A : memref<!tpu.dma_semaphore, #tpu.memory_space<semaphore_mem>>) {add = true}
        %dma_wait3A_529 = arith.constant 0 : i32
        %dma_wait3A_530 = arith.constant 0 : i32
        %dma_wait3A_531 = tpu.memref_slice %arg9[%dma_wait3A_529, %dma_wait3A_530] : memref<10240x128xf32, #tpu.memory_space<vmem_shared>> -> memref<10240x128xf32, #tpu.memory_space<vmem_shared>>
        tpu.wait_indirect_dma semaphore(%run_scoped3A : memref<!tpu.dma_semaphore, #tpu.memory_space<semaphore_mem>>) src(%arg20 : memref<80x128xf32, #tpu.memory_space<vmem>>) dst(%dma_wait3A_531 : memref<10240x128xf32, #tpu.memory_space<vmem_shared>>)
        tpu.yield
      }) : () -> ()
      %dma_wait3A_460 = arith.constant 0 : i32
      %dma_wait3A_461 = arith.constant 0 : i32
      %dma_wait3A_462 = tpu.memref_slice %arg2[%dma_wait3A_460, %dma_wait3A_461] : memref<10000x128xf32, #tpu.memory_space<hbm>> -> memref<10000x128xf32, #tpu.memory_space<hbm>>
      tpu.wait_indirect_dma semaphore(%arg23 : memref<!tpu.dma_semaphore, #tpu.memory_space<semaphore_mem>>) src(%dma_wait3A_462 : memref<10000x128xf32, #tpu.memory_space<hbm>>) dst(%arg19 : memref<80x128xf32, #tpu.memory_space<vmem>>)
      %get3A_463 = arith.constant 320 : index
      %get3A_464 = tpu.vector_load %arg14[%get3A_463] {strides = array<i32>} : memref<400xf32, #tpu.memory_space<vmem>>, vector<16xf32>,
      %sub3A_465 = arith.subf %get3A_464, %scan3A_7 : vector<16xf32>
      %exp3A_466 = math.exp %sub3A_465 : vector<16xf32>
      %mul3A_467 = arith.mulf %exp3A_466, %div3A_18 : vector<16xf32>
      %swap3A_468 = arith.constant 0 : index
      %swap3A_469 = tpu.vector_load %arg15[%swap3A_468] {strides = array<i32>} : memref<80xf32, #tpu.memory_space<vmem>>, vector<16xf32>,
      tpu.vector_store %arg15[%swap3A_468], %mul3A_467 {strides = array<i32>} : memref<80xf32, #tpu.memory_space<vmem>>, vector<16xf32>,
      %get3A_470 = arith.constant 336 : index
      %get3A_471 = tpu.vector_load %arg14[%get3A_470] {strides = array<i32>} : memref<400xf32, #tpu.memory_space<vmem>>, vector<16xf32>,
      %sub3A_472 = arith.subf %get3A_471, %scan3A_7 : vector<16xf32>
      %exp3A_473 = math.exp %sub3A_472 : vector<16xf32>
      %mul3A_474 = arith.mulf %exp3A_473, %div3A_18 : vector<16xf32>
      %swap3A_475 = arith.constant 16 : index
      %swap3A_476 = tpu.vector_load %arg15[%swap3A_475] {strides = array<i32>} : memref<80xf32, #tpu.memory_space<vmem>>, vector<16xf32>,
      tpu.vector_store %arg15[%swap3A_475], %mul3A_474 {strides = array<i32>} : memref<80xf32, #tpu.memory_space<vmem>>, vector<16xf32>,
      %get3A_477 = arith.constant 352 : index
      %get3A_478 = tpu.vector_load %arg14[%get3A_477] {strides = array<i32>} : memref<400xf32, #tpu.memory_space<vmem>>, vector<16xf32>,
      %sub3A_479 = arith.subf %get3A_478, %scan3A_7 : vector<16xf32>
      %exp3A_480 = math.exp %sub3A_479 : vector<16xf32>
      %mul3A_481 = arith.mulf %exp3A_480, %div3A_18 : vector<16xf32>
      %swap3A_482 = arith.constant 32 : index
      %swap3A_483 = tpu.vector_load %arg15[%swap3A_482] {strides = array<i32>} : memref<80xf32, #tpu.memory_space<vmem>>, vector<16xf32>,
      tpu.vector_store %arg15[%swap3A_482], %mul3A_481 {strides = array<i32>} : memref<80xf32, #tpu.memory_space<vmem>>, vector<16xf32>,
      %get3A_484 = arith.constant 368 : index
      %get3A_485 = tpu.vector_load %arg14[%get3A_484] {strides = array<i32>} : memref<400xf32, #tpu.memory_space<vmem>>, vector<16xf32>,
      %sub3A_486 = arith.subf %get3A_485, %scan3A_7 : vector<16xf32>
      %exp3A_487 = math.exp %sub3A_486 : vector<16xf32>
      %mul3A_488 = arith.mulf %exp3A_487, %div3A_18 : vector<16xf32>
      %swap3A_489 = arith.constant 48 : index
      %swap3A_490 = tpu.vector_load %arg15[%swap3A_489] {strides = array<i32>} : memref<80xf32, #tpu.memory_space<vmem>>, vector<16xf32>,
      tpu.vector_store %arg15[%swap3A_489], %mul3A_488 {strides = array<i32>} : memref<80xf32, #tpu.memory_space<vmem>>, vector<16xf32>,
      %get3A_491 = arith.constant 384 : index
      %get3A_492 = tpu.vector_load %arg14[%get3A_491] {strides = array<i32>} : memref<400xf32, #tpu.memory_space<vmem>>, vector<16xf32>,
      %sub3A_493 = arith.subf %get3A_492, %scan3A_7 : vector<16xf32>
      %exp3A_494 = math.exp %sub3A_493 : vector<16xf32>
      %mul3A_495 = arith.mulf %exp3A_494, %div3A_18 : vector<16xf32>
      %swap3A_496 = arith.constant 64 : index
      %swap3A_497 = tpu.vector_load %arg15[%swap3A_496] {strides = array<i32>} : memref<80xf32, #tpu.memory_space<vmem>>, vector<16xf32>,
      tpu.vector_store %arg15[%swap3A_496], %mul3A_495 {strides = array<i32>} : memref<80xf32, #tpu.memory_space<vmem>>, vector<16xf32>,
      %scan3A_498 = arith.constant 0 : i32
      %scan3A_499 = arith.constant 0 : i32
      %scan3A_500 = arith.constant 80 : i32
      %scan3A_501 = arith.addi %scan3A_499, %scan3A_500 : i32
      %scan3A_502 = arith.constant 1 : i32
      %scan3A_503 = scf.for %scan3A_526 = %scan3A_499 to %scan3A_501 step %scan3A_502 iter_args(%scan3A_527 = %scan3A_498) -> (i32)  : i32 {
        %broadcast_in_dim3A_528 = vector.broadcast %scan3A_526 : i32 to vector<16xi32>
        %gather3A = tpu.vector_load_idx %arg15[%broadcast_in_dim3A_528] : memref<80xf32, #tpu.memory_space<vmem>>[vector<16xi32>], vector<16xf32>,
        %get3A_529 = arith.index_cast %scan3A_526 : i32 to index
        %get3A_530 = arith.constant 0 : index
        %get3A_531 = tpu.vector_load %arg19[%get3A_529, %get3A_530] {strides = array<i32>} : memref<80x128xf32, #tpu.memory_space<vmem>>, vector<16xf32>,
        %mul3A_532 = arith.mulf %get3A_531, %gather3A : vector<16xf32>
        %swap3A_533 = arith.index_cast %scan3A_526 : i32 to index
        %swap3A_534 = arith.constant 0 : index
        %swap3A_535 = tpu.vector_load %arg19[%swap3A_533, %swap3A_534] {strides = array<i32>} : memref<80x128xf32, #tpu.memory_space<vmem>>, vector<16xf32>,
        tpu.vector_store %arg19[%swap3A_533, %swap3A_534], %mul3A_532 {strides = array<i32>} : memref<80x128xf32, #tpu.memory_space<vmem>>, vector<16xf32>,
        %get3A_536 = arith.index_cast %scan3A_526 : i32 to index
        %get3A_537 = arith.constant 16 : index
        %get3A_538 = tpu.vector_load %arg19[%get3A_536, %get3A_537] {strides = array<i32>} : memref<80x128xf32, #tpu.memory_space<vmem>>, vector<16xf32>,
        %mul3A_539 = arith.mulf %get3A_538, %gather3A : vector<16xf32>
        %swap3A_540 = arith.index_cast %scan3A_526 : i32 to index
        %swap3A_541 = arith.constant 16 : index
        %swap3A_542 = tpu.vector_load %arg19[%swap3A_540, %swap3A_541] {strides = array<i32>} : memref<80x128xf32, #tpu.memory_space<vmem>>, vector<16xf32>,
        tpu.vector_store %arg19[%swap3A_540, %swap3A_541], %mul3A_539 {strides = array<i32>} : memref<80x128xf32, #tpu.memory_space<vmem>>, vector<16xf32>,
        %get3A_543 = arith.index_cast %scan3A_526 : i32 to index
        %get3A_544 = arith.constant 32 : index
        %get3A_545 = tpu.vector_load %arg19[%get3A_543, %get3A_544] {strides = array<i32>} : memref<80x128xf32, #tpu.memory_space<vmem>>, vector<16xf32>,
        %mul3A_546 = arith.mulf %get3A_545, %gather3A : vector<16xf32>
        %swap3A_547 = arith.index_cast %scan3A_526 : i32 to index
        %swap3A_548 = arith.constant 32 : index
        %swap3A_549 = tpu.vector_load %arg19[%swap3A_547, %swap3A_548] {strides = array<i32>} : memref<80x128xf32, #tpu.memory_space<vmem>>, vector<16xf32>,
        tpu.vector_store %arg19[%swap3A_547, %swap3A_548], %mul3A_546 {strides = array<i32>} : memref<80x128xf32, #tpu.memory_space<vmem>>, vector<16xf32>,
        %get3A_550 = arith.index_cast %scan3A_526 : i32 to index
        %get3A_551 = arith.constant 48 : index
        %get3A_552 = tpu.vector_load %arg19[%get3A_550, %get3A_551] {strides = array<i32>} : memref<80x128xf32, #tpu.memory_space<vmem>>, vector<16xf32>,
        %mul3A_553 = arith.mulf %get3A_552, %gather3A : vector<16xf32>
        %swap3A_554 = arith.index_cast %scan3A_526 : i32 to index
        %swap3A_555 = arith.constant 48 : index
        %swap3A_556 = tpu.vector_load %arg19[%swap3A_554, %swap3A_555] {strides = array<i32>} : memref<80x128xf32, #tpu.memory_space<vmem>>, vector<16xf32>,
        tpu.vector_store %arg19[%swap3A_554, %swap3A_555], %mul3A_553 {strides = array<i32>} : memref<80x128xf32, #tpu.memory_space<vmem>>, vector<16xf32>,
        %get3A_557 = arith.index_cast %scan3A_526 : i32 to index
        %get3A_558 = arith.constant 64 : index
        %get3A_559 = tpu.vector_load %arg19[%get3A_557, %get3A_558] {strides = array<i32>} : memref<80x128xf32, #tpu.memory_space<vmem>>, vector<16xf32>,
        %mul3A_560 = arith.mulf %get3A_559, %gather3A : vector<16xf32>
        %swap3A_561 = arith.index_cast %scan3A_526 : i32 to index
        %swap3A_562 = arith.constant 64 : index
        %swap3A_563 = tpu.vector_load %arg19[%swap3A_561, %swap3A_562] {strides = array<i32>} : memref<80x128xf32, #tpu.memory_space<vmem>>, vector<16xf32>,
        tpu.vector_store %arg19[%swap3A_561, %swap3A_562], %mul3A_560 {strides = array<i32>} : memref<80x128xf32, #tpu.memory_space<vmem>>, vector<16xf32>,
        %get3A_564 = arith.index_cast %scan3A_526 : i32 to index
        %get3A_565 = arith.constant 80 : index
        %get3A_566 = tpu.vector_load %arg19[%get3A_564, %get3A_565] {strides = array<i32>} : memref<80x128xf32, #tpu.memory_space<vmem>>, vector<16xf32>,
        %mul3A_567 = arith.mulf %get3A_566, %gather3A : vector<16xf32>
        %swap3A_568 = arith.index_cast %scan3A_526 : i32 to index
        %swap3A_569 = arith.constant 80 : index
        %swap3A_570 = tpu.vector_load %arg19[%swap3A_568, %swap3A_569] {strides = array<i32>} : memref<80x128xf32, #tpu.memory_space<vmem>>, vector<16xf32>,
        tpu.vector_store %arg19[%swap3A_568, %swap3A_569], %mul3A_567 {strides = array<i32>} : memref<80x128xf32, #tpu.memory_space<vmem>>, vector<16xf32>,
        %get3A_571 = arith.index_cast %scan3A_526 : i32 to index
        %get3A_572 = arith.constant 96 : index
        %get3A_573 = tpu.vector_load %arg19[%get3A_571, %get3A_572] {strides = array<i32>} : memref<80x128xf32, #tpu.memory_space<vmem>>, vector<16xf32>,
        %mul3A_574 = arith.mulf %get3A_573, %gather3A : vector<16xf32>
        %swap3A_575 = arith.index_cast %scan3A_526 : i32 to index
        %swap3A_576 = arith.constant 96 : index
        %swap3A_577 = tpu.vector_load %arg19[%swap3A_575, %swap3A_576] {strides = array<i32>} : memref<80x128xf32, #tpu.memory_space<vmem>>, vector<16xf32>,
        tpu.vector_store %arg19[%swap3A_575, %swap3A_576], %mul3A_574 {strides = array<i32>} : memref<80x128xf32, #tpu.memory_space<vmem>>, vector<16xf32>,
        %get3A_578 = arith.index_cast %scan3A_526 : i32 to index
        %get3A_579 = arith.constant 112 : index
        %get3A_580 = tpu.vector_load %arg19[%get3A_578, %get3A_579] {strides = array<i32>} : memref<80x128xf32, #tpu.memory_space<vmem>>, vector<16xf32>,
        %mul3A_581 = arith.mulf %get3A_580, %gather3A : vector<16xf32>
        %swap3A_582 = arith.index_cast %scan3A_526 : i32 to index
        %swap3A_583 = arith.constant 112 : index
        %swap3A_584 = tpu.vector_load %arg19[%swap3A_582, %swap3A_583] {strides = array<i32>} : memref<80x128xf32, #tpu.memory_space<vmem>>, vector<16xf32>,
        tpu.vector_store %arg19[%swap3A_582, %swap3A_583], %mul3A_581 {strides = array<i32>} : memref<80x128xf32, #tpu.memory_space<vmem>>, vector<16xf32>,
        %scan3A_585 = arith.constant 0 : i32
        scf.yield %scan3A_585 : i32
      }
      %scan3A_504 = arith.constant 80 : i32
      %get3A_505 = arith.constant 320 : index
      %get3A_506 = tpu.vector_load %arg13[%get3A_505] {strides = array<i32>} : memref<400xi32, #tpu.memory_space<vmem>>, vector<16xi32>,
      %swap3A_507 = arith.constant 0 : index
      %swap3A_508 = tpu.vector_load %arg18[%swap3A_507] {strides = array<i32>} : memref<80xi32, #tpu.memory_space<vmem>>, vector<16xi32>,
      tpu.vector_store %arg18[%swap3A_507], %get3A_506 {strides = array<i32>} : memref<80xi32, #tpu.memory_space<vmem>>, vector<16xi32>,
      %get3A_509 = arith.constant 336 : index
      %get3A_510 = tpu.vector_load %arg13[%get3A_509] {strides = array<i32>} : memref<400xi32, #tpu.memory_space<vmem>>, vector<16xi32>,
      %swap3A_511 = arith.constant 16 : index
      %swap3A_512 = tpu.vector_load %arg18[%swap3A_511] {strides = array<i32>} : memref<80xi32, #tpu.memory_space<vmem>>, vector<16xi32>,
      tpu.vector_store %arg18[%swap3A_511], %get3A_510 {strides = array<i32>} : memref<80xi32, #tpu.memory_space<vmem>>, vector<16xi32>,
      %get3A_513 = arith.constant 352 : index
      %get3A_514 = tpu.vector_load %arg13[%get3A_513] {strides = array<i32>} : memref<400xi32, #tpu.memory_space<vmem>>, vector<16xi32>,
      %swap3A_515 = arith.constant 32 : index
      %swap3A_516 = tpu.vector_load %arg18[%swap3A_515] {strides = array<i32>} : memref<80xi32, #tpu.memory_space<vmem>>, vector<16xi32>,
      tpu.vector_store %arg18[%swap3A_515], %get3A_514 {strides = array<i32>} : memref<80xi32, #tpu.memory_space<vmem>>, vector<16xi32>,
      %get3A_517 = arith.constant 368 : index
      %get3A_518 = tpu.vector_load %arg13[%get3A_517] {strides = array<i32>} : memref<400xi32, #tpu.memory_space<vmem>>, vector<16xi32>,
      %swap3A_519 = arith.constant 48 : index
      %swap3A_520 = tpu.vector_load %arg18[%swap3A_519] {strides = array<i32>} : memref<80xi32, #tpu.memory_space<vmem>>, vector<16xi32>,
      tpu.vector_store %arg18[%swap3A_519], %get3A_518 {strides = array<i32>} : memref<80xi32, #tpu.memory_space<vmem>>, vector<16xi32>,
      %get3A_521 = arith.constant 384 : index
      %get3A_522 = tpu.vector_load %arg13[%get3A_521] {strides = array<i32>} : memref<400xi32, #tpu.memory_space<vmem>>, vector<16xi32>,
      %swap3A_523 = arith.constant 64 : index
      %swap3A_524 = tpu.vector_load %arg18[%swap3A_523] {strides = array<i32>} : memref<80xi32, #tpu.memory_space<vmem>>, vector<16xi32>,
      tpu.vector_store %arg18[%swap3A_523], %get3A_522 {strides = array<i32>} : memref<80xi32, #tpu.memory_space<vmem>>, vector<16xi32>,
      "tpu.region"() ({
        %run_scoped3A = tpu.sem_alloc : memref<!tpu.dma_semaphore, #tpu.memory_space<semaphore_mem>>
        %dma_start3A_526 = arith.constant 0 : i32
        %dma_start3A_527 = arith.constant 0 : i32
        %dma_start3A_528 = tpu.memref_slice %arg9[%dma_start3A_526, %dma_start3A_527] : memref<10240x128xf32, #tpu.memory_space<vmem_shared>> -> memref<10240x128xf32, #tpu.memory_space<vmem_shared>>
        tpu.enqueue_indirect_dma source(%arg19 : memref<80x128xf32, #tpu.memory_space<vmem>>) target(%dma_start3A_528 : memref<10240x128xf32, #tpu.memory_space<vmem_shared>>) offsets(%arg18 : memref<80xi32, #tpu.memory_space<vmem>>) semaphore(%run_scoped3A : memref<!tpu.dma_semaphore, #tpu.memory_space<semaphore_mem>>) {add = true}
        %dma_wait3A_529 = arith.constant 0 : i32
        %dma_wait3A_530 = arith.constant 0 : i32
        %dma_wait3A_531 = tpu.memref_slice %arg9[%dma_wait3A_529, %dma_wait3A_530] : memref<10240x128xf32, #tpu.memory_space<vmem_shared>> -> memref<10240x128xf32, #tpu.memory_space<vmem_shared>>
        tpu.wait_indirect_dma semaphore(%run_scoped3A : memref<!tpu.dma_semaphore, #tpu.memory_space<semaphore_mem>>) src(%arg19 : memref<80x128xf32, #tpu.memory_space<vmem>>) dst(%dma_wait3A_531 : memref<10240x128xf32, #tpu.memory_space<vmem_shared>>)
        tpu.yield
      }) : () -> ()
      %scan3A_525 = arith.constant 0 : i32
      scf.yield %scan3A_525 : i32
    }
    %scan3A_52 = arith.constant 25 : i32
    %barrier3A_53 = arith.constant 0 : index
    tpu.barrier barrier_id(%barrier3A_53)
    %mul3A_54 = arith.constant 640 : i32
    %mul3A_55 = arith.muli %arg1, %mul3A_54 : i32
    %add3A_56 = arith.constant 0 : i32
    %add3A_57 = arith.addi %mul3A_55, %add3A_56 : i32
    "tpu.region"() ({
      %run_scoped3A = tpu.sem_alloc : memref<!tpu.dma_semaphore, #tpu.memory_space<semaphore_mem>>
      %dma_start3A = arith.constant 0 : i32
      %dma_start3A_74 = tpu.memref_slice %arg8[%arg0, %add3A_57, %dma_start3A] : memref<2x10240x128xf32, #tpu.memory_space<hbm>> -> memref<1x128x128xf32, #tpu.memory_space<hbm>>
      %dma_start3A_75 = tpu.memref_squeeze %dma_start3A_74 : memref<1x128x128xf32, #tpu.memory_space<hbm>> -> memref<128x128xf32, #tpu.memory_space<hbm>>
      %dma_start3A_76 = arith.constant 0 : i32
      %dma_start3A_77 = tpu.memref_slice %arg9[%add3A_57, %dma_start3A_76] : memref<10240x128xf32, #tpu.memory_space<vmem_shared>> -> memref<128x128xf32, #tpu.memory_space<vmem_shared>>
      tpu.enqueue_dma source(%dma_start3A_77 : memref<128x128xf32, #tpu.memory_space<vmem_shared>>) target(%dma_start3A_75 : memref<128x128xf32, #tpu.memory_space<hbm>>) target_semaphore(%run_scoped3A : memref<!tpu.dma_semaphore, #tpu.memory_space<semaphore_mem>>)
      %dma_wait3A = arith.constant 0 : i32
      %dma_wait3A_78 = tpu.memref_slice %arg8[%arg0, %add3A_57, %dma_wait3A] : memref<2x10240x128xf32, #tpu.memory_space<hbm>> -> memref<1x128x128xf32, #tpu.memory_space<hbm>>
      %dma_wait3A_79 = tpu.memref_squeeze %dma_wait3A_78 : memref<1x128x128xf32, #tpu.memory_space<hbm>> -> memref<128x128xf32, #tpu.memory_space<hbm>>
      %dma_wait3A_80 = arith.constant 0 : i32
      %dma_wait3A_81 = tpu.memref_slice %arg9[%add3A_57, %dma_wait3A_80] : memref<10240x128xf32, #tpu.memory_space<vmem_shared>> -> memref<128x128xf32, #tpu.memory_space<vmem_shared>>
      tpu.wait_dma2 semaphore(%run_scoped3A : memref<!tpu.dma_semaphore, #tpu.memory_space<semaphore_mem>>) src(%dma_wait3A_81 : memref<128x128xf32, #tpu.memory_space<vmem_shared>>) dst(%dma_wait3A_79 : memref<128x128xf32, #tpu.memory_space<hbm>>)
      tpu.yield
    }) : () -> ()
    %mul3A_58 = arith.constant 640 : i32
    %mul3A_59 = arith.muli %arg1, %mul3A_58 : i32
    %add3A_60 = arith.constant 128 : i32
    %add3A_61 = arith.addi %mul3A_59, %add3A_60 : i32
    "tpu.region"() ({
      %run_scoped3A = tpu.sem_alloc : memref<!tpu.dma_semaphore, #tpu.memory_space<semaphore_mem>>
      %dma_start3A = arith.constant 0 : i32
      %dma_start3A_74 = tpu.memref_slice %arg8[%arg0, %add3A_61, %dma_start3A] : memref<2x10240x128xf32, #tpu.memory_space<hbm>> -> memref<1x128x128xf32, #tpu.memory_space<hbm>>
      %dma_start3A_75 = tpu.memref_squeeze %dma_start3A_74 : memref<1x128x128xf32, #tpu.memory_space<hbm>> -> memref<128x128xf32, #tpu.memory_space<hbm>>
      %dma_start3A_76 = arith.constant 0 : i32
      %dma_start3A_77 = tpu.memref_slice %arg9[%add3A_61, %dma_start3A_76] : memref<10240x128xf32, #tpu.memory_space<vmem_shared>> -> memref<128x128xf32, #tpu.memory_space<vmem_shared>>
      tpu.enqueue_dma source(%dma_start3A_77 : memref<128x128xf32, #tpu.memory_space<vmem_shared>>) target(%dma_start3A_75 : memref<128x128xf32, #tpu.memory_space<hbm>>) target_semaphore(%run_scoped3A : memref<!tpu.dma_semaphore, #tpu.memory_space<semaphore_mem>>)
      %dma_wait3A = arith.constant 0 : i32
      %dma_wait3A_78 = tpu.memref_slice %arg8[%arg0, %add3A_61, %dma_wait3A] : memref<2x10240x128xf32, #tpu.memory_space<hbm>> -> memref<1x128x128xf32, #tpu.memory_space<hbm>>
      %dma_wait3A_79 = tpu.memref_squeeze %dma_wait3A_78 : memref<1x128x128xf32, #tpu.memory_space<hbm>> -> memref<128x128xf32, #tpu.memory_space<hbm>>
      %dma_wait3A_80 = arith.constant 0 : i32
      %dma_wait3A_81 = tpu.memref_slice %arg9[%add3A_61, %dma_wait3A_80] : memref<10240x128xf32, #tpu.memory_space<vmem_shared>> -> memref<128x128xf32, #tpu.memory_space<vmem_shared>>
      tpu.wait_dma2 semaphore(%run_scoped3A : memref<!tpu.dma_semaphore, #tpu.memory_space<semaphore_mem>>) src(%dma_wait3A_81 : memref<128x128xf32, #tpu.memory_space<vmem_shared>>) dst(%dma_wait3A_79 : memref<128x128xf32, #tpu.memory_space<hbm>>)
      tpu.yield
    }) : () -> ()
    %mul3A_62 = arith.constant 640 : i32
    %mul3A_63 = arith.muli %arg1, %mul3A_62 : i32
    %add3A_64 = arith.constant 256 : i32
    %add3A_65 = arith.addi %mul3A_63, %add3A_64 : i32
    "tpu.region"() ({
      %run_scoped3A = tpu.sem_alloc : memref<!tpu.dma_semaphore, #tpu.memory_space<semaphore_mem>>
      %dma_start3A = arith.constant 0 : i32
      %dma_start3A_74 = tpu.memref_slice %arg8[%arg0, %add3A_65, %dma_start3A] : memref<2x10240x128xf32, #tpu.memory_space<hbm>> -> memref<1x128x128xf32, #tpu.memory_space<hbm>>
      %dma_start3A_75 = tpu.memref_squeeze %dma_start3A_74 : memref<1x128x128xf32, #tpu.memory_space<hbm>> -> memref<128x128xf32, #tpu.memory_space<hbm>>
      %dma_start3A_76 = arith.constant 0 : i32
      %dma_start3A_77 = tpu.memref_slice %arg9[%add3A_65, %dma_start3A_76] : memref<10240x128xf32, #tpu.memory_space<vmem_shared>> -> memref<128x128xf32, #tpu.memory_space<vmem_shared>>
      tpu.enqueue_dma source(%dma_start3A_77 : memref<128x128xf32, #tpu.memory_space<vmem_shared>>) target(%dma_start3A_75 : memref<128x128xf32, #tpu.memory_space<hbm>>) target_semaphore(%run_scoped3A : memref<!tpu.dma_semaphore, #tpu.memory_space<semaphore_mem>>)
      %dma_wait3A = arith.constant 0 : i32
      %dma_wait3A_78 = tpu.memref_slice %arg8[%arg0, %add3A_65, %dma_wait3A] : memref<2x10240x128xf32, #tpu.memory_space<hbm>> -> memref<1x128x128xf32, #tpu.memory_space<hbm>>
      %dma_wait3A_79 = tpu.memref_squeeze %dma_wait3A_78 : memref<1x128x128xf32, #tpu.memory_space<hbm>> -> memref<128x128xf32, #tpu.memory_space<hbm>>
      %dma_wait3A_80 = arith.constant 0 : i32
      %dma_wait3A_81 = tpu.memref_slice %arg9[%add3A_65, %dma_wait3A_80] : memref<10240x128xf32, #tpu.memory_space<vmem_shared>> -> memref<128x128xf32, #tpu.memory_space<vmem_shared>>
      tpu.wait_dma2 semaphore(%run_scoped3A : memref<!tpu.dma_semaphore, #tpu.memory_space<semaphore_mem>>) src(%dma_wait3A_81 : memref<128x128xf32, #tpu.memory_space<vmem_shared>>) dst(%dma_wait3A_79 : memref<128x128xf32, #tpu.memory_space<hbm>>)
      tpu.yield
    }) : () -> ()
    %mul3A_66 = arith.constant 640 : i32
    %mul3A_67 = arith.muli %arg1, %mul3A_66 : i32
    %add3A_68 = arith.constant 384 : i32
    %add3A_69 = arith.addi %mul3A_67, %add3A_68 : i32
    "tpu.region"() ({
      %run_scoped3A = tpu.sem_alloc : memref<!tpu.dma_semaphore, #tpu.memory_space<semaphore_mem>>
      %dma_start3A = arith.constant 0 : i32
      %dma_start3A_74 = tpu.memref_slice %arg8[%arg0, %add3A_69, %dma_start3A] : memref<2x10240x128xf32, #tpu.memory_space<hbm>> -> memref<1x128x128xf32, #tpu.memory_space<hbm>>
      %dma_start3A_75 = tpu.memref_squeeze %dma_start3A_74 : memref<1x128x128xf32, #tpu.memory_space<hbm>> -> memref<128x128xf32, #tpu.memory_space<hbm>>
      %dma_start3A_76 = arith.constant 0 : i32
      %dma_start3A_77 = tpu.memref_slice %arg9[%add3A_69, %dma_start3A_76] : memref<10240x128xf32, #tpu.memory_space<vmem_shared>> -> memref<128x128xf32, #tpu.memory_space<vmem_shared>>
      tpu.enqueue_dma source(%dma_start3A_77 : memref<128x128xf32, #tpu.memory_space<vmem_shared>>) target(%dma_start3A_75 : memref<128x128xf32, #tpu.memory_space<hbm>>) target_semaphore(%run_scoped3A : memref<!tpu.dma_semaphore, #tpu.memory_space<semaphore_mem>>)
      %dma_wait3A = arith.constant 0 : i32
      %dma_wait3A_78 = tpu.memref_slice %arg8[%arg0, %add3A_69, %dma_wait3A] : memref<2x10240x128xf32, #tpu.memory_space<hbm>> -> memref<1x128x128xf32, #tpu.memory_space<hbm>>
      %dma_wait3A_79 = tpu.memref_squeeze %dma_wait3A_78 : memref<1x128x128xf32, #tpu.memory_space<hbm>> -> memref<128x128xf32, #tpu.memory_space<hbm>>
      %dma_wait3A_80 = arith.constant 0 : i32
      %dma_wait3A_81 = tpu.memref_slice %arg9[%add3A_69, %dma_wait3A_80] : memref<10240x128xf32, #tpu.memory_space<vmem_shared>> -> memref<128x128xf32, #tpu.memory_space<vmem_shared>>
      tpu.wait_dma2 semaphore(%run_scoped3A : memref<!tpu.dma_semaphore, #tpu.memory_space<semaphore_mem>>) src(%dma_wait3A_81 : memref<128x128xf32, #tpu.memory_space<vmem_shared>>) dst(%dma_wait3A_79 : memref<128x128xf32, #tpu.memory_space<hbm>>)
      tpu.yield
    }) : () -> ()
    %mul3A_70 = arith.constant 640 : i32
    %mul3A_71 = arith.muli %arg1, %mul3A_70 : i32
    %add3A_72 = arith.constant 512 : i32
    %add3A_73 = arith.addi %mul3A_71, %add3A_72 : i32
    "tpu.region"() ({
      %run_scoped3A = tpu.sem_alloc : memref<!tpu.dma_semaphore, #tpu.memory_space<semaphore_mem>>
      %dma_start3A = arith.constant 0 : i32
      %dma_start3A_74 = tpu.memref_slice %arg8[%arg0, %add3A_73, %dma_start3A] : memref<2x10240x128xf32, #tpu.memory_space<hbm>> -> memref<1x128x128xf32, #tpu.memory_space<hbm>>
      %dma_start3A_75 = tpu.memref_squeeze %dma_start3A_74 : memref<1x128x128xf32, #tpu.memory_space<hbm>> -> memref<128x128xf32, #tpu.memory_space<hbm>>
      %dma_start3A_76 = arith.constant 0 : i32
      %dma_start3A_77 = tpu.memref_slice %arg9[%add3A_73, %dma_start3A_76] : memref<10240x128xf32, #tpu.memory_space<vmem_shared>> -> memref<128x128xf32, #tpu.memory_space<vmem_shared>>
      tpu.enqueue_dma source(%dma_start3A_77 : memref<128x128xf32, #tpu.memory_space<vmem_shared>>) target(%dma_start3A_75 : memref<128x128xf32, #tpu.memory_space<hbm>>) target_semaphore(%run_scoped3A : memref<!tpu.dma_semaphore, #tpu.memory_space<semaphore_mem>>)
      %dma_wait3A = arith.constant 0 : i32
      %dma_wait3A_78 = tpu.memref_slice %arg8[%arg0, %add3A_73, %dma_wait3A] : memref<2x10240x128xf32, #tpu.memory_space<hbm>> -> memref<1x128x128xf32, #tpu.memory_space<hbm>>
      %dma_wait3A_79 = tpu.memref_squeeze %dma_wait3A_78 : memref<1x128x128xf32, #tpu.memory_space<hbm>> -> memref<128x128xf32, #tpu.memory_space<hbm>>
      %dma_wait3A_80 = arith.constant 0 : i32
      %dma_wait3A_81 = tpu.memref_slice %arg9[%add3A_73, %dma_wait3A_80] : memref<10240x128xf32, #tpu.memory_space<vmem_shared>> -> memref<128x128xf32, #tpu.memory_space<vmem_shared>>
      tpu.wait_dma2 semaphore(%run_scoped3A : memref<!tpu.dma_semaphore, #tpu.memory_space<semaphore_mem>>) src(%dma_wait3A_81 : memref<128x128xf32, #tpu.memory_space<vmem_shared>>) dst(%dma_wait3A_79 : memref<128x128xf32, #tpu.memory_space<hbm>>)
      tpu.yield
    }) : () -> ()
    return
  }
}

#map = affine_map<(d0, d1) -> (0, 0)>
#map1 = affine_map<(d0, d1) -> (0)>
module attributes {stable_mosaic.version = 14 : i64} {
  func.func @_edge_body(%arg0: i32, %arg1: i32, %arg2: memref<8x10000xf32, #tpu.memory_space<hbm>>, %arg3: memref<320000xi32, #tpu.memory_space<hbm>>, %arg4: memref<320000xi32, #tpu.memory_space<hbm>>, %arg5: memref<320000xf32, #tpu.memory_space<hbm>>, %arg6: memref<32x16xf32, #tpu.memory_space<hbm>>, %arg7: memref<32x16xf32, #tpu.memory_space<hbm>>, %arg8: memref<10000xf32, #tpu.memory_space<vmem>>, %arg9: memref<10000xf32, #tpu.memory_space<vmem>>, %arg10: memref<10000xi32, #tpu.memory_space<vmem>>, %arg11: memref<10000xi32, #tpu.memory_space<vmem>>, %arg12: memref<10000xf32, #tpu.memory_space<vmem>>, %arg13: memref<16xf32, #tpu.memory_space<vmem>>) attributes {dimension_semantics = [#tpu.dimension_semantics<core_parallel>, #tpu.dimension_semantics<subcore_parallel>], iteration_bounds = array<i64: 2, 16>, scalar_prefetch = 0 : i64, scratch_operands = 6 : i64, tpu.core_type = #tpu.core_type<sc_vector_subcore>, window_params = [{transform_indices = #map}, {transform_indices = #map1}, {transform_indices = #map1}, {transform_indices = #map1}, {transform_indices = #map}, {transform_indices = #map}]} {
    %mul3A = arith.constant 2 : i32
    %mul3A_0 = arith.muli %arg1, %mul3A : i32
    %add3A = arith.addi %mul3A_0, %arg0 : i32
    %mul3A_1 = arith.constant 10000 : i32
    %mul3A_2 = arith.muli %add3A, %mul3A_1 : i32
    %run_scoped3A = arith.constant 0 : i32
    "tpu.region"() ({
      %run_scoped3A_29 = tpu.sem_alloc : memref<!tpu.dma_semaphore, #tpu.memory_space<semaphore_mem>>
      %dma_start3A = arith.constant 0 : i32
      %dma_start3A_30 = tpu.memref_slice %arg2[%run_scoped3A, %dma_start3A] : memref<8x10000xf32, #tpu.memory_space<hbm>> -> memref<1x10000xf32, #tpu.memory_space<hbm>>
      %dma_start3A_31 = tpu.memref_squeeze %dma_start3A_30 : memref<1x10000xf32, #tpu.memory_space<hbm>> -> memref<10000xf32, #tpu.memory_space<hbm>>
      %dma_start3A_32 = arith.constant 0 : i32
      %dma_start3A_33 = tpu.memref_slice %arg2[%run_scoped3A, %dma_start3A_32] : memref<8x10000xf32, #tpu.memory_space<hbm>> -> memref<1x10000xf32, #tpu.memory_space<hbm>>
      %dma_start3A_34 = tpu.memref_squeeze %dma_start3A_33 : memref<1x10000xf32, #tpu.memory_space<hbm>> -> memref<10000xf32, #tpu.memory_space<hbm>>
      tpu.enqueue_dma source(%dma_start3A_34 : memref<10000xf32, #tpu.memory_space<hbm>>) target(%arg8 : memref<10000xf32, #tpu.memory_space<vmem>>) target_semaphore(%run_scoped3A_29 : memref<!tpu.dma_semaphore, #tpu.memory_space<semaphore_mem>>)
      %dma_wait3A = arith.constant 0 : i32
      %dma_wait3A_35 = tpu.memref_slice %arg2[%run_scoped3A, %dma_wait3A] : memref<8x10000xf32, #tpu.memory_space<hbm>> -> memref<1x10000xf32, #tpu.memory_space<hbm>>
      %dma_wait3A_36 = tpu.memref_squeeze %dma_wait3A_35 : memref<1x10000xf32, #tpu.memory_space<hbm>> -> memref<10000xf32, #tpu.memory_space<hbm>>
      %dma_wait3A_37 = arith.constant 0 : i32
      %dma_wait3A_38 = tpu.memref_slice %arg2[%run_scoped3A, %dma_wait3A_37] : memref<8x10000xf32, #tpu.memory_space<hbm>> -> memref<1x10000xf32, #tpu.memory_space<hbm>>
      %dma_wait3A_39 = tpu.memref_squeeze %dma_wait3A_38 : memref<1x10000xf32, #tpu.memory_space<hbm>> -> memref<10000xf32, #tpu.memory_space<hbm>>
      tpu.wait_dma2 semaphore(%run_scoped3A_29 : memref<!tpu.dma_semaphore, #tpu.memory_space<semaphore_mem>>) src(%dma_wait3A_39 : memref<10000xf32, #tpu.memory_space<hbm>>) dst(%arg8 : memref<10000xf32, #tpu.memory_space<vmem>>)
      tpu.yield
    }) : () -> ()
    %run_scoped3A_3 = arith.constant 1 : i32
    "tpu.region"() ({
      %run_scoped3A_29 = tpu.sem_alloc : memref<!tpu.dma_semaphore, #tpu.memory_space<semaphore_mem>>
      %dma_start3A = arith.constant 0 : i32
      %dma_start3A_30 = tpu.memref_slice %arg2[%run_scoped3A_3, %dma_start3A] : memref<8x10000xf32, #tpu.memory_space<hbm>> -> memref<1x10000xf32, #tpu.memory_space<hbm>>
      %dma_start3A_31 = tpu.memref_squeeze %dma_start3A_30 : memref<1x10000xf32, #tpu.memory_space<hbm>> -> memref<10000xf32, #tpu.memory_space<hbm>>
      %dma_start3A_32 = arith.constant 0 : i32
      %dma_start3A_33 = tpu.memref_slice %arg2[%run_scoped3A_3, %dma_start3A_32] : memref<8x10000xf32, #tpu.memory_space<hbm>> -> memref<1x10000xf32, #tpu.memory_space<hbm>>
      %dma_start3A_34 = tpu.memref_squeeze %dma_start3A_33 : memref<1x10000xf32, #tpu.memory_space<hbm>> -> memref<10000xf32, #tpu.memory_space<hbm>>
      tpu.enqueue_dma source(%dma_start3A_34 : memref<10000xf32, #tpu.memory_space<hbm>>) target(%arg9 : memref<10000xf32, #tpu.memory_space<vmem>>) target_semaphore(%run_scoped3A_29 : memref<!tpu.dma_semaphore, #tpu.memory_space<semaphore_mem>>)
      %dma_wait3A = arith.constant 0 : i32
      %dma_wait3A_35 = tpu.memref_slice %arg2[%run_scoped3A_3, %dma_wait3A] : memref<8x10000xf32, #tpu.memory_space<hbm>> -> memref<1x10000xf32, #tpu.memory_space<hbm>>
      %dma_wait3A_36 = tpu.memref_squeeze %dma_wait3A_35 : memref<1x10000xf32, #tpu.memory_space<hbm>> -> memref<10000xf32, #tpu.memory_space<hbm>>
      %dma_wait3A_37 = arith.constant 0 : i32
      %dma_wait3A_38 = tpu.memref_slice %arg2[%run_scoped3A_3, %dma_wait3A_37] : memref<8x10000xf32, #tpu.memory_space<hbm>> -> memref<1x10000xf32, #tpu.memory_space<hbm>>
      %dma_wait3A_39 = tpu.memref_squeeze %dma_wait3A_38 : memref<1x10000xf32, #tpu.memory_space<hbm>> -> memref<10000xf32, #tpu.memory_space<hbm>>
      tpu.wait_dma2 semaphore(%run_scoped3A_29 : memref<!tpu.dma_semaphore, #tpu.memory_space<semaphore_mem>>) src(%dma_wait3A_39 : memref<10000xf32, #tpu.memory_space<hbm>>) dst(%arg9 : memref<10000xf32, #tpu.memory_space<vmem>>)
      tpu.yield
    }) : () -> ()
    "tpu.region"() ({
      %run_scoped3A_29 = tpu.sem_alloc : memref<!tpu.dma_semaphore, #tpu.memory_space<semaphore_mem>>
      %dma_start3A = tpu.memref_slice %arg3[%mul3A_2] : memref<320000xi32, #tpu.memory_space<hbm>> -> memref<10000xi32, #tpu.memory_space<hbm>>
      %dma_start3A_30 = tpu.memref_slice %arg3[%mul3A_2] : memref<320000xi32, #tpu.memory_space<hbm>> -> memref<10000xi32, #tpu.memory_space<hbm>>
      tpu.enqueue_dma source(%dma_start3A_30 : memref<10000xi32, #tpu.memory_space<hbm>>) target(%arg10 : memref<10000xi32, #tpu.memory_space<vmem>>) target_semaphore(%run_scoped3A_29 : memref<!tpu.dma_semaphore, #tpu.memory_space<semaphore_mem>>)
      %dma_wait3A = tpu.memref_slice %arg3[%mul3A_2] : memref<320000xi32, #tpu.memory_space<hbm>> -> memref<10000xi32, #tpu.memory_space<hbm>>
      %dma_wait3A_31 = tpu.memref_slice %arg3[%mul3A_2] : memref<320000xi32, #tpu.memory_space<hbm>> -> memref<10000xi32, #tpu.memory_space<hbm>>
      tpu.wait_dma2 semaphore(%run_scoped3A_29 : memref<!tpu.dma_semaphore, #tpu.memory_space<semaphore_mem>>) src(%dma_wait3A_31 : memref<10000xi32, #tpu.memory_space<hbm>>) dst(%arg10 : memref<10000xi32, #tpu.memory_space<vmem>>)
      tpu.yield
    }) : () -> ()
    "tpu.region"() ({
      %run_scoped3A_29 = tpu.sem_alloc : memref<!tpu.dma_semaphore, #tpu.memory_space<semaphore_mem>>
      %dma_start3A = tpu.memref_slice %arg4[%mul3A_2] : memref<320000xi32, #tpu.memory_space<hbm>> -> memref<10000xi32, #tpu.memory_space<hbm>>
      %dma_start3A_30 = tpu.memref_slice %arg4[%mul3A_2] : memref<320000xi32, #tpu.memory_space<hbm>> -> memref<10000xi32, #tpu.memory_space<hbm>>
      tpu.enqueue_dma source(%dma_start3A_30 : memref<10000xi32, #tpu.memory_space<hbm>>) target(%arg11 : memref<10000xi32, #tpu.memory_space<vmem>>) target_semaphore(%run_scoped3A_29 : memref<!tpu.dma_semaphore, #tpu.memory_space<semaphore_mem>>)
      %dma_wait3A = tpu.memref_slice %arg4[%mul3A_2] : memref<320000xi32, #tpu.memory_space<hbm>> -> memref<10000xi32, #tpu.memory_space<hbm>>
      %dma_wait3A_31 = tpu.memref_slice %arg4[%mul3A_2] : memref<320000xi32, #tpu.memory_space<hbm>> -> memref<10000xi32, #tpu.memory_space<hbm>>
      tpu.wait_dma2 semaphore(%run_scoped3A_29 : memref<!tpu.dma_semaphore, #tpu.memory_space<semaphore_mem>>) src(%dma_wait3A_31 : memref<10000xi32, #tpu.memory_space<hbm>>) dst(%arg11 : memref<10000xi32, #tpu.memory_space<vmem>>)
      tpu.yield
    }) : () -> ()
    %broadcast_in_dim3A = arith.constant 0xFF800000 : f32
    %broadcast_in_dim3A_4 = vector.broadcast %broadcast_in_dim3A : f32 to vector<16xf32>
    %scan3A = arith.constant 0 : i32
    %scan3A_5 = arith.constant 625 : i32
    %scan3A_6 = arith.addi %scan3A, %scan3A_5 : i32
    %scan3A_7 = arith.constant 1 : i32
    %scan3A_8 = scf.for %scan3A_29 = %scan3A to %scan3A_6 step %scan3A_7 iter_args(%scan3A_30 = %broadcast_in_dim3A_4) -> (vector<16xf32>)  : i32 {
      %mul3A_31 = arith.constant 16 : i32
      %mul3A_32 = arith.muli %scan3A_29, %mul3A_31 : i32
      %get3A = arith.index_cast %mul3A_32 : i32 to index
      %get3A_33 = tpu.vector_load %arg10[%get3A] {strides = array<i32>} : memref<10000xi32, #tpu.memory_space<vmem>>, vector<16xi32>,
      %gather3A = tpu.vector_load_idx %arg8[%get3A_33] : memref<10000xf32, #tpu.memory_space<vmem>>[vector<16xi32>], vector<16xf32>,
      %mul3A_34 = arith.constant 16 : i32
      %mul3A_35 = arith.muli %scan3A_29, %mul3A_34 : i32
      %get3A_36 = arith.index_cast %mul3A_35 : i32 to index
      %get3A_37 = tpu.vector_load %arg11[%get3A_36] {strides = array<i32>} : memref<10000xi32, #tpu.memory_space<vmem>>, vector<16xi32>,
      %gather3A_38 = tpu.vector_load_idx %arg9[%get3A_37] : memref<10000xf32, #tpu.memory_space<vmem>>[vector<16xi32>], vector<16xf32>,
      %add3A_39 = arith.addf %gather3A, %gather3A_38 : vector<16xf32>
      %mul3A_40 = arith.constant 0.00999999977 : f32
      %mul3A_41 = vector.broadcast %mul3A_40 : f32 to vector<16xf32>
      %mul3A_42 = arith.mulf %mul3A_41, %add3A_39 : vector<16xf32>
      %max3A = arith.maximumf %add3A_39, %mul3A_42 : vector<16xf32>
      %mul3A_43 = arith.constant 16 : i32
      %mul3A_44 = arith.muli %scan3A_29, %mul3A_43 : i32
      %swap3A_45 = arith.index_cast %mul3A_44 : i32 to index
      %swap3A_46 = tpu.vector_load %arg12[%swap3A_45] {strides = array<i32>} : memref<10000xf32, #tpu.memory_space<vmem>>, vector<16xf32>,
      tpu.vector_store %arg12[%swap3A_45], %max3A {strides = array<i32>} : memref<10000xf32, #tpu.memory_space<vmem>>, vector<16xf32>,
      %max3A_47 = arith.maximumf %scan3A_30, %max3A : vector<16xf32>
      scf.yield %max3A_47 : vector<16xf32>
    }
    %scan3A_9 = arith.constant 625 : i32
    %reduce_max3A = arith.constant true
    %reduce_max3A_10 = vector.broadcast %reduce_max3A : i1 to vector<16xi1>
    %reduce_max3A_11 = tpu.scan <max>, %scan3A_8 masked %reduce_max3A_10 : vector<16xf32>, vector<16xi1> -> vector<16xf32>
    %reduce_max3A_12 = vector.extract %reduce_max3A_11[15] : f32 from vector<16xf32>
    %broadcast_in_dim3A_13 = vector.broadcast %reduce_max3A_12 : f32 to vector<16xf32>
    %broadcast_in_dim3A_14 = arith.constant 0.000000e+00 : f32
    %broadcast_in_dim3A_15 = vector.broadcast %broadcast_in_dim3A_14 : f32 to vector<16xf32>
    %scan3A_16 = arith.constant 0 : i32
    %scan3A_17 = arith.constant 625 : i32
    %scan3A_18 = arith.addi %scan3A_16, %scan3A_17 : i32
    %scan3A_19 = arith.constant 1 : i32
    %scan3A_20 = scf.for %scan3A_29 = %scan3A_16 to %scan3A_18 step %scan3A_19 iter_args(%scan3A_30 = %broadcast_in_dim3A_15) -> (vector<16xf32>)  : i32 {
      %mul3A_31 = arith.constant 16 : i32
      %mul3A_32 = arith.muli %scan3A_29, %mul3A_31 : i32
      %get3A = arith.index_cast %mul3A_32 : i32 to index
      %get3A_33 = tpu.vector_load %arg12[%get3A] {strides = array<i32>} : memref<10000xf32, #tpu.memory_space<vmem>>, vector<16xf32>,
      %sub3A = arith.subf %get3A_33, %broadcast_in_dim3A_13 : vector<16xf32>
      %exp3A = math.exp %sub3A : vector<16xf32>
      %add3A_34 = arith.addf %scan3A_30, %exp3A : vector<16xf32>
      scf.yield %add3A_34 : vector<16xf32>
    }
    %scan3A_21 = arith.constant 625 : i32
    %reduce_sum3A = arith.constant true
    %reduce_sum3A_22 = vector.broadcast %reduce_sum3A : i1 to vector<16xi1>
    %reduce_sum3A_23 = tpu.scan <sum>, %scan3A_20 masked %reduce_sum3A_22 : vector<16xf32>, vector<16xi1> -> vector<16xf32>
    %reduce_sum3A_24 = vector.extract %reduce_sum3A_23[15] : f32 from vector<16xf32>
    "tpu.region"() ({
      %run_scoped3A_29 = tpu.sem_alloc : memref<!tpu.dma_semaphore, #tpu.memory_space<semaphore_mem>>
      %dma_start3A = tpu.memref_slice %arg5[%mul3A_2] : memref<320000xf32, #tpu.memory_space<hbm>> -> memref<10000xf32, #tpu.memory_space<hbm>>
      %dma_start3A_30 = tpu.memref_slice %arg5[%mul3A_2] : memref<320000xf32, #tpu.memory_space<hbm>> -> memref<10000xf32, #tpu.memory_space<hbm>>
      tpu.enqueue_dma source(%arg12 : memref<10000xf32, #tpu.memory_space<vmem>>) target(%dma_start3A_30 : memref<10000xf32, #tpu.memory_space<hbm>>) target_semaphore(%run_scoped3A_29 : memref<!tpu.dma_semaphore, #tpu.memory_space<semaphore_mem>>)
      %dma_wait3A = tpu.memref_slice %arg5[%mul3A_2] : memref<320000xf32, #tpu.memory_space<hbm>> -> memref<10000xf32, #tpu.memory_space<hbm>>
      %dma_wait3A_31 = tpu.memref_slice %arg5[%mul3A_2] : memref<320000xf32, #tpu.memory_space<hbm>> -> memref<10000xf32, #tpu.memory_space<hbm>>
      tpu.wait_dma2 semaphore(%run_scoped3A_29 : memref<!tpu.dma_semaphore, #tpu.memory_space<semaphore_mem>>) src(%arg12 : memref<10000xf32, #tpu.memory_space<vmem>>) dst(%dma_wait3A_31 : memref<10000xf32, #tpu.memory_space<hbm>>)
      tpu.yield
    }) : () -> ()
    %swap3A = arith.constant 0 : index
    %swap3A_25 = tpu.vector_load %arg13[%swap3A] {strides = array<i32>} : memref<16xf32, #tpu.memory_space<vmem>>, vector<16xf32>,
    tpu.vector_store %arg13[%swap3A], %broadcast_in_dim3A_13 {strides = array<i32>} : memref<16xf32, #tpu.memory_space<vmem>>, vector<16xf32>,
    "tpu.region"() ({
      %run_scoped3A_29 = tpu.sem_alloc : memref<!tpu.dma_semaphore, #tpu.memory_space<semaphore_mem>>
      %dma_start3A = arith.constant 0 : i32
      %dma_start3A_30 = tpu.memref_slice %arg6[%add3A, %dma_start3A] : memref<32x16xf32, #tpu.memory_space<hbm>> -> memref<1x16xf32, #tpu.memory_space<hbm>>
      %dma_start3A_31 = tpu.memref_squeeze %dma_start3A_30 : memref<1x16xf32, #tpu.memory_space<hbm>> -> memref<16xf32, #tpu.memory_space<hbm>>
      %dma_start3A_32 = arith.constant 0 : i32
      %dma_start3A_33 = tpu.memref_slice %arg6[%add3A, %dma_start3A_32] : memref<32x16xf32, #tpu.memory_space<hbm>> -> memref<1x16xf32, #tpu.memory_space<hbm>>
      %dma_start3A_34 = tpu.memref_squeeze %dma_start3A_33 : memref<1x16xf32, #tpu.memory_space<hbm>> -> memref<16xf32, #tpu.memory_space<hbm>>
      tpu.enqueue_dma source(%arg13 : memref<16xf32, #tpu.memory_space<vmem>>) target(%dma_start3A_34 : memref<16xf32, #tpu.memory_space<hbm>>) target_semaphore(%run_scoped3A_29 : memref<!tpu.dma_semaphore, #tpu.memory_space<semaphore_mem>>)
      %dma_wait3A = arith.constant 0 : i32
      %dma_wait3A_35 = tpu.memref_slice %arg6[%add3A, %dma_wait3A] : memref<32x16xf32, #tpu.memory_space<hbm>> -> memref<1x16xf32, #tpu.memory_space<hbm>>
      %dma_wait3A_36 = tpu.memref_squeeze %dma_wait3A_35 : memref<1x16xf32, #tpu.memory_space<hbm>> -> memref<16xf32, #tpu.memory_space<hbm>>
      %dma_wait3A_37 = arith.constant 0 : i32
      %dma_wait3A_38 = tpu.memref_slice %arg6[%add3A, %dma_wait3A_37] : memref<32x16xf32, #tpu.memory_space<hbm>> -> memref<1x16xf32, #tpu.memory_space<hbm>>
      %dma_wait3A_39 = tpu.memref_squeeze %dma_wait3A_38 : memref<1x16xf32, #tpu.memory_space<hbm>> -> memref<16xf32, #tpu.memory_space<hbm>>
      tpu.wait_dma2 semaphore(%run_scoped3A_29 : memref<!tpu.dma_semaphore, #tpu.memory_space<semaphore_mem>>) src(%arg13 : memref<16xf32, #tpu.memory_space<vmem>>) dst(%dma_wait3A_39 : memref<16xf32, #tpu.memory_space<hbm>>)
      tpu.yield
    }) : () -> ()
    %broadcast_in_dim3A_26 = vector.broadcast %reduce_sum3A_24 : f32 to vector<16xf32>
    %swap3A_27 = arith.constant 0 : index
    %swap3A_28 = tpu.vector_load %arg13[%swap3A_27] {strides = array<i32>} : memref<16xf32, #tpu.memory_space<vmem>>, vector<16xf32>,
    tpu.vector_store %arg13[%swap3A_27], %broadcast_in_dim3A_26 {strides = array<i32>} : memref<16xf32, #tpu.memory_space<vmem>>, vector<16xf32>,
    "tpu.region"() ({
      %run_scoped3A_29 = tpu.sem_alloc : memref<!tpu.dma_semaphore, #tpu.memory_space<semaphore_mem>>
      %dma_start3A = arith.constant 0 : i32
      %dma_start3A_30 = tpu.memref_slice %arg7[%add3A, %dma_start3A] : memref<32x16xf32, #tpu.memory_space<hbm>> -> memref<1x16xf32, #tpu.memory_space<hbm>>
      %dma_start3A_31 = tpu.memref_squeeze %dma_start3A_30 : memref<1x16xf32, #tpu.memory_space<hbm>> -> memref<16xf32, #tpu.memory_space<hbm>>
      %dma_start3A_32 = arith.constant 0 : i32
      %dma_start3A_33 = tpu.memref_slice %arg7[%add3A, %dma_start3A_32] : memref<32x16xf32, #tpu.memory_space<hbm>> -> memref<1x16xf32, #tpu.memory_space<hbm>>
      %dma_start3A_34 = tpu.memref_squeeze %dma_start3A_33 : memref<1x16xf32, #tpu.memory_space<hbm>> -> memref<16xf32, #tpu.memory_space<hbm>>
      tpu.enqueue_dma source(%arg13 : memref<16xf32, #tpu.memory_space<vmem>>) target(%dma_start3A_34 : memref<16xf32, #tpu.memory_space<hbm>>) target_semaphore(%run_scoped3A_29 : memref<!tpu.dma_semaphore, #tpu.memory_space<semaphore_mem>>)
      %dma_wait3A = arith.constant 0 : i32
      %dma_wait3A_35 = tpu.memref_slice %arg7[%add3A, %dma_wait3A] : memref<32x16xf32, #tpu.memory_space<hbm>> -> memref<1x16xf32, #tpu.memory_space<hbm>>
      %dma_wait3A_36 = tpu.memref_squeeze %dma_wait3A_35 : memref<1x16xf32, #tpu.memory_space<hbm>> -> memref<16xf32, #tpu.memory_space<hbm>>
      %dma_wait3A_37 = arith.constant 0 : i32
      %dma_wait3A_38 = tpu.memref_slice %arg7[%add3A, %dma_wait3A_37] : memref<32x16xf32, #tpu.memory_space<hbm>> -> memref<1x16xf32, #tpu.memory_space<hbm>>
      %dma_wait3A_39 = tpu.memref_squeeze %dma_wait3A_38 : memref<1x16xf32, #tpu.memory_space<hbm>> -> memref<16xf32, #tpu.memory_space<hbm>>
      tpu.wait_dma2 semaphore(%run_scoped3A_29 : memref<!tpu.dma_semaphore, #tpu.memory_space<semaphore_mem>>) src(%arg13 : memref<16xf32, #tpu.memory_space<vmem>>) dst(%dma_wait3A_39 : memref<16xf32, #tpu.memory_space<hbm>>)
      tpu.yield
    }) : () -> ()
    return
  }
}

module attributes {stable_mosaic.version = 14 : i64} {
  func.func @_scores_body(%arg0: memref<10000x128xf32, #tpu.memory_space<vmem>>, %arg1: memref<128x128xf32, #tpu.memory_space<vmem>>, %arg2: memref<8x128xf32, #tpu.memory_space<vmem>>, %arg3: memref<128x1xf32, #tpu.memory_space<vmem>>, %arg4: memref<1x1xf32, #tpu.memory_space<vmem>>, %arg5: memref<8x10000xf32, #tpu.memory_space<vmem>>) attributes {dimension_semantics = [], scalar_prefetch = 0 : i64, scratch_operands = 0 : i64, tpu.core_type = #tpu.core_type<tc>} {
    %get3A = arith.constant 0 : index
    %get3A_0 = arith.constant 0 : index
    %get3A_1 = vector.load %arg2[%get3A, %get3A_0] : memref<8x128xf32, #tpu.memory_space<vmem>>, vector<8x128xf32>
    %get3A_2 = arith.constant 0 : index
    %get3A_3 = arith.constant 0 : index
    %get3A_4 = vector.load %arg1[%get3A_2, %get3A_3] : memref<128x128xf32, #tpu.memory_space<vmem>>, vector<128x128xf32>
    %dot_general3A = arith.constant dense<0.000000e+00> : vector<8x128xf32>
    %dot_general3A_5 = tpu.matmul %get3A_1, %get3A_4, %dot_general3A {dimension_numbers = #tpu.dot_dimension_numbers<[1], [0], [0], [1], [0, 0, 1, 1], [], []>, transpose_lhs_hint = false} : vector<8x128xf32>, vector<128x128xf32>, vector<8x128xf32> -> vector<8x128xf32>
    %get3A_6 = arith.constant 0 : index
    %get3A_7 = arith.constant 0 : index
    %get3A_8 = vector.load %arg0[%get3A_6, %get3A_7] : memref<10000x128xf32, #tpu.memory_space<vmem>>, vector<10000x128xf32>
    %dot_general3A_9 = arith.constant dense<0.000000e+00> : vector<8x10000xf32>
    %dot_general3A_10 = tpu.matmul %dot_general3A_5, %get3A_8, %dot_general3A_9 {dimension_numbers = #tpu.dot_dimension_numbers<[1], [1], [0], [0], [0, 0, 1, 0], [], []>, transpose_lhs_hint = false} : vector<8x128xf32>, vector<10000x128xf32>, vector<8x10000xf32> -> vector<8x10000xf32>
    %get3A_11 = arith.constant 0 : index
    %get3A_12 = arith.constant 0 : index
    %get3A_13 = vector.load %arg2[%get3A_11, %get3A_12] : memref<8x128xf32, #tpu.memory_space<vmem>>, vector<8x128xf32>
    %get3A_14 = arith.constant 0 : index
    %get3A_15 = arith.constant 0 : index
    %get3A_16 = vector.load %arg3[%get3A_14, %get3A_15] : memref<128x1xf32, #tpu.memory_space<vmem>>, vector<128x1xf32>
    %dot_general3A_17 = arith.constant dense<0.000000e+00> : vector<8x1xf32>
    %dot_general3A_18 = tpu.matmul %get3A_13, %get3A_16, %dot_general3A_17 {dimension_numbers = #tpu.dot_dimension_numbers<[1], [0], [0], [1], [0, 0, 1, 1], [], []>, transpose_lhs_hint = false} : vector<8x128xf32>, vector<128x1xf32>, vector<8x1xf32> -> vector<8x1xf32>
    %iota3A = tpu.iota {dimensions = array<i32: 0>} : vector<8x1xi32>
    %eq3A = arith.constant 0 : i32
    %eq3A_19 = vector.broadcast %eq3A : i32 to vector<8x1xi32>
    %eq3A_20 = arith.cmpi eq, %iota3A, %eq3A_19 : vector<8x1xi32>
    %get3A_21 = arith.constant 0 : index
    %get3A_22 = arith.constant 0 : index
    %get3A_23 = vector.load %arg4[%get3A_21, %get3A_22] : memref<1x1xf32, #tpu.memory_space<vmem>>, vector<1x1xf32>
    %jit3A = arith.constant 0.000000e+00 : f32
    %broadcast_in_dim3A = vector.shape_cast %get3A_23 : vector<1x1xf32> to vector<1x1xf32>
    %broadcast_in_dim3A_24 = vector.broadcast %broadcast_in_dim3A : vector<1x1xf32> to vector<8x1xf32>
    %broadcast_in_dim3A_25 = vector.broadcast %jit3A : f32 to vector<8x1xf32>
    %select_n3A = arith.select %eq3A_20, %broadcast_in_dim3A_24, %broadcast_in_dim3A_25 : vector<8x1xi1>, vector<8x1xf32>
    %add3A = arith.addf %dot_general3A_18, %select_n3A : vector<8x1xf32>
    %add3A_26 = vector.broadcast %add3A : vector<8x1xf32> to vector<8x10000xf32>
    %add3A_27 = arith.addf %dot_general3A_10, %add3A_26 : vector<8x10000xf32>
    %swap3A = arith.constant 0 : index
    %swap3A_28 = arith.constant 0 : index
    %swap3A_29 = vector.load %arg5[%swap3A, %swap3A_28] : memref<8x10000xf32, #tpu.memory_space<vmem>>, vector<8x10000xf32>
    tpu.vector_store %arg5[%swap3A, %swap3A_28], %add3A_27 {strides = array<i32>} : memref<8x10000xf32, #tpu.memory_space<vmem>>, vector<8x10000xf32>,
    return
  }
}

module attributes {stable_mosaic.version = 14 : i64} {
  func.func @_combine_body(%arg0: i32, %arg1: memref<2x1000x128xf32, #tpu.memory_space<vmem>>, %arg2: memref<1000x128xf32, #tpu.memory_space<vmem>>) attributes {dimension_semantics = [#tpu.dimension_semantics<arbitrary>], iteration_bounds = array<i64: 10>, scalar_prefetch = 0 : i64, scratch_operands = 0 : i64, tpu.core_type = #tpu.core_type<tc>, window_params = [{transform_indices = @transform_0, window_bounds = array<i64: 2, 1000, 128>}, {transform_indices = @transform_1, window_bounds = array<i64: 1000, 128>}]} {
    %get3A = arith.constant 0 : index
    %get3A_0 = arith.constant 0 : index
    %get3A_1 = arith.constant 0 : index
    %get3A_2 = vector.load %arg1[%get3A, %get3A_0, %get3A_1] : memref<2x1000x128xf32, #tpu.memory_space<vmem>>, vector<1x1000x128xf32>
    %get3A_3 = vector.shape_cast %get3A_2 : vector<1x1000x128xf32> to vector<1000x128xf32>
    %get3A_4 = arith.constant 1 : index
    %get3A_5 = arith.constant 0 : index
    %get3A_6 = arith.constant 0 : index
    %get3A_7 = vector.load %arg1[%get3A_4, %get3A_5, %get3A_6] : memref<2x1000x128xf32, #tpu.memory_space<vmem>>, vector<1x1000x128xf32>
    %get3A_8 = vector.shape_cast %get3A_7 : vector<1x1000x128xf32> to vector<1000x128xf32>
    %add3A = arith.addf %get3A_3, %get3A_8 : vector<1000x128xf32>
    %max3A = arith.constant 0.000000e+00 : f32
    %max3A_9 = vector.broadcast %max3A : f32 to vector<1000x128xf32>
    %max3A_10 = arith.maximumf %add3A, %max3A_9 : vector<1000x128xf32>
    %swap3A = arith.constant 0 : index
    %swap3A_11 = arith.constant 0 : index
    %swap3A_12 = vector.load %arg2[%swap3A, %swap3A_11] : memref<1000x128xf32, #tpu.memory_space<vmem>>, vector<1000x128xf32>
    tpu.vector_store %arg2[%swap3A, %swap3A_11], %max3A_10 {strides = array<i32>} : memref<1000x128xf32, #tpu.memory_space<vmem>>, vector<1000x128xf32>,
    return
  }
  func.func @transform_0(%arg0: i32) -> (i32, i32, i32) {
    %c0_i32 = arith.constant 0 : i32
    %c0_i32_0 = arith.constant 0 : i32
    %c0_i32_1 = arith.constant 0 : i32
    return %c0_i32, %arg0, %c0_i32_0 : i32, i32, i32
  }
  func.func @transform_1(%arg0: i32) -> (i32, i32) {
    %c0_i32 = arith.constant 0 : i32
    %c0_i32_0 = arith.constant 0 : i32
    return %arg0, %c0_i32 : i32, i32
  }
}

</mosaic_0001>

<sc_bundles>
// kernel: kernel.6.cloned.1.call-start
scs
__scs_entry_jumppad:
0x0: {  	(pc) =	sbr.rel $0x88, $3  }
0x1: {  	(tag) =	ssettag $0x0;
	lr =	simm.s32 $0x1  }
0x2: {  	[smem:$0x3F9B] =	sst lr;
	_ =	strace $0xD0000000  }
0x3: {  	_ = 	snop  }
0x4: {  	_ = 	snop  }
0x5: {  	_ = 	snop  }
0x6: {  	_ = 	snop  }
0x7: {  	_ = 	snop  }
__scs_overlays_trampoline_lowered:
0x8: {  	[smem:$0x3FAA] =	sst s0  }
0x9: {  	[smem:$0x3FAB] =	sst s1  }
0xa: {  	[smem:$0x3FAC] =	sst s2  }
0xb: {  	[smem:$0x3FAD] =	sst s3  }
0xc: {  	[smem:$0x3FAE] =	sst s4  }
0xd: {  	[smem:$0x3FAF] =	sst s5  }
0xe: {  	[smem:$0x3FB0] =	sst s6  }
0xf: {  	[smem:$0x3FB1] =	sst s7  }
0x10: {  	[smem:$0x3FB2] =	sst s8  }
0x11: {  	[smem:$0x3FB3] =	sst s9;
	s0 =	simm.s32 @!p0 $0x0  }
0x12: {  	s1 =	sld [smem:$0x3F99];
	s0 =	simm.s32 @p0 $0x1  }
0x13: {  	[smem:$0x3FB4] =	sst s0;
	s0 =	simm.s32 @!p1 $0x0  }
0x14: {  	s2 =	sld [smem:$0x3F98];
	s0 =	simm.s32 @p1 $0x1  }
0x15: {  	[smem:$0x3FB5] =	sst s0;
	s0 =	simm.s32 @!p2 $0x0  }
0x16: {  	s3 =	sld [smem:$0x3FDB];
	s0 =	simm.s32 @p2 $0x1  }
0x17: {  	s4 =	simm.s32 $0x1BF5;
	[smem:$0x3FB7] =	sst s0  }
0x18: {  	s0 =	sld [smem:$0x3F9A];
	_ =	swait.ge [sflag:s4], $0x0  }
0x19: {  	s7 =	sld [smem:$0x3F9B]  }
0x1a: {  	s8 =	sadd.s32 $0xFFFFE003, lr  }
0x1b: {  	s9 =	sadd.s32 $0xFFFFFEF7, lr;
	s5 =	simm.s32 $0xFFFFFFFF;
	p2 =	slt.u32 s8, $0xFFFFF086  }
0x1c: {  	p1 =	slt.u32 s9, $0xF7A;
	s5 =	simm.s32 @!p2 $0x0  }
0x1d: {  	s5 =	simm.s32 @p1 $0x1;
	p0 =	seq.s32 s7, s2  }
0x1e: {  	s7 =	smul.u32 @!p0 $0xF7A, s2;
	p2 =	seq.s32 @!p0 s5, $0x0  }
0x1f: {  	s9 =	smul.u32 $0xF7A, s1;
	s8 =	simm.s32 @!p0 $0x1BF5;
	p2 =	por !p2, p0  }
0x20: {  	[sflag:s8] =	ssyncset.s32 @!p0 $0xFFFFF086;
	s6 =	sadd.s32 @!p0 s3, s7;
	s7 =	simm.s32 @!p0 $0x108  }
0x21: {  	s3 =	sadd.s32 s3, s9;
	s6 =	sadd.s32 @!p0 $0x88, s6;
	s7 =	simm.s32 @p2 $0x1082  }
0x22: {  	[simem:s7], [sflag:s8] =	dma.local @!p0 [hbm:s6], $0xF7A  }
0x23: {  	s9 =	sor.u32 $0xD0000000, s2;
	s6 =	simm.s32 $0x108;
	_ =	swait.ge @!p0 [sflag:s8], $0x0  }
0x24: {  	s3 =	sadd.s32 $0x88, s3;
	s6 =	simm.s32 @!p1 $0x1082;
	[sflag:s4] =	ssyncset.s32 $0xFFFFF086  }
0x25: {  	[simem:s6], [sflag:s4] =	dma.local [hbm:s3], $0xF7A  }
0x26: {  	[smem:$0x3F9B] =	sst s1;
	(tag) =	ssettag s2;
	_ =	strace s9  }
0x27: {  	s1 =	sld [smem:$0x3FAB]  }
0x28: {  	s2 =	sld [smem:$0x3FAC]  }
0x29: {  	s4 =	sld [smem:$0x3FAE]  }
0x2a: {  	p0 =	seq.s32 s5, $0x0;
	s5 =	sld [smem:$0x3FAF]  }
0x2b: {  	s6 =	sld [smem:$0x3FB0]  }
0x2c: {  	s7 =	sld [smem:$0x3FB1]  }
0x2d: {  	s3 =	simm.s32 $0x108;
	s8 =	sld [smem:$0x3FB2]  }
0x2e: {  	s3 =	simm.s32 @!p0 $0x1082;
	s9 =	sld [smem:$0x3FB3]  }
0x2f: {  	lr =	sadd.s32 s0, s3;
	s0 =	sld [smem:$0x3FAA]  }
0x30: {  	s3 =	sld [smem:$0x3FAD]  }
0x31: {  	[smem:$0x3FB6] =	sst s10  }
0x32: {  	s10 =	sld [smem:$0x3FB4];
	_ =	sdelay $0x3  }
0x33: {  	p0 =	seq.s32 s10, $0x1;
	s10 =	sld [smem:$0x3FB6];
	_ =	sdelay $0x3  }
0x34: {  	[smem:$0x3FB6] =	sst s10  }
0x35: {  	s10 =	sld [smem:$0x3FB5];
	_ =	sdelay $0x3  }
0x36: {  	p1 =	seq.s32 s10, $0x1;
	s10 =	sld [smem:$0x3FB6];
	_ =	sdelay $0x3  }
0x37: {  	[smem:$0x3FB6] =	sst s10  }
0x38: {  	s10 =	sld [smem:$0x3FB7]  }
0x39: {  	_ = 	snop;
	(pc) =	sbr.ind lr, $3  }
0x3a: {  	_ = 	snop  }
0x3b: {  	_ = 	snop  }
0x3c: {  	p2 =	seq.s32 s10, $0x1;
	s10 =	sld [smem:$0x3FB6]  }
0x3d: {  	_ =	shalt  }
0x3e: {  	_ =	shalt  }
0x3f: {  	_ =	shalt  }
0x40: {  	_ =	shalt  }
0x41: {  	_ =	shalt  }
0x42: {  	_ =	shalt  }
0x43: {  	_ =	shalt  }
0x44: {  	_ =	shalt  }
0x45: {  	_ =	shalt  }
0x46: {  	_ =	shalt  }
0x47: {  	_ =	shalt  }
0x48: {  	_ =	shalt  }
0x49: {  	_ =	shalt  }
0x4a: {  	_ =	shalt  }
0x4b: {  	_ =	shalt  }
0x4c: {  	_ =	shalt  }
0x4d: {  	_ =	shalt  }
0x4e: {  	_ =	shalt  }
0x4f: {  	_ =	shalt  }
0x50: {  	_ =	shalt  }
0x51: {  	_ =	shalt  }
0x52: {  	_ =	shalt  }
0x53: {  	_ =	shalt  }
0x54: {  	_ =	shalt  }
0x55: {  	_ =	shalt  }
0x56: {  	_ =	shalt  }
0x57: {  	_ =	shalt  }
0x58: {  	_ =	shalt  }
0x59: {  	_ =	shalt  }
0x5a: {  	_ =	shalt  }
0x5b: {  	_ =	shalt  }
0x5c: {  	_ =	shalt  }
0x5d: {  	_ =	shalt  }
0x5e: {  	_ =	shalt  }
0x5f: {  	_ =	shalt  }
0x60: {  	_ =	shalt  }
0x61: {  	_ =	shalt  }
0x62: {  	_ =	shalt  }
0x63: {  	_ =	shalt  }
0x64: {  	_ =	shalt  }
0x65: {  	_ =	shalt  }
0x66: {  	_ =	shalt  }
0x67: {  	_ =	shalt  }
0x68: {  	_ =	shalt  }
0x69: {  	_ =	shalt  }
0x6a: {  	_ =	shalt  }
0x6b: {  	_ =	shalt  }
0x6c: {  	_ =	shalt  }
0x6d: {  	_ =	shalt  }
0x6e: {  	_ =	shalt  }
0x6f: {  	_ =	shalt  }
0x70: {  	_ =	shalt  }
0x71: {  	_ =	shalt  }
0x72: {  	_ =	shalt  }
0x73: {  	_ =	shalt  }
0x74: {  	_ =	shalt  }
0x75: {  	_ =	shalt  }
0x76: {  	_ =	shalt  }
0x77: {  	_ =	shalt  }
0x78: {  	_ =	shalt  }
0x79: {  	_ =	shalt  }
0x7a: {  	_ =	shalt  }
0x7b: {  	_ =	shalt  }
0x7c: {  	_ =	shalt  }
0x7d: {  	_ =	shalt  }
0x7e: {  	_ =	shalt  }
0x7f: {  	_ =	shalt  }
0x80: {  	_ =	shalt  }
0x81: {  	_ =	shalt  }
0x82: {  	_ =	shalt  }
0x83: {  	_ =	shalt  }
0x84: {  	_ =	shalt  }
0x85: {  	_ =	shalt  }
0x86: {  	_ =	shalt  }
0x87: {  	_ =	shalt  }
.Lfunc_end0:
.L_simem_size_0:
called_computation_lowered:
.L_overlay_start_0:
0x88: {  	s2 =	sld [smem:$0x3FD9]  }
0x89: {  	s3 =	sld [smem:$0x3FFE];
	_ =	sdelay $0x1  }
0x8a: {  	s1 =	srdreg.scid  }
0x8b: {  	s0 =	sand.u32 $0x1, s1  }
0x8c: {  	s17 =	sshll.u32 s0, $0xA;
	s2 =	sadd.s32 s3, s2  }
0x8d: {  	s2 =	sadd.s32 s2, s17  }
0x8e: {  	[smem:$0x3FC2] =	sst s2  }
0x8f: {  	_ = 	snop  }
0x90: {  	s2 =	sld [smem:$0x3FD0];
	(tm) =	ssettm $0x1  }
0x91: {  	s18 =	sld [smem:$0x3FFB];
	_ =	sdelay $0x3  }
0x92: {  	_ =	strace s18  }
0x93: {  	s3 =	sld [smem:$0x3FFC];
	_ =	sdelay $0x3  }
0x94: {  	_ =	strace s3  }
0x95: {  	s3 =	sld [smem:$0x3FFD];
	_ =	sdelay $0x3  }
0x96: {  	_ =	strace s3  }
0x97: {  	_ =	strace $0x8FFFFFFF  }
0x98: {  	s19 =	sld [smem:$0x3FDB];
	_ =	sdelay $0x1  }
0x99: {  	s4 =	simm.s32 $_scs_section_size  }
0x9a: {  	s5 =	simm.s32 $_size__tile_overlayer_lowered;
	s6 =	simm.s32 $_tile_overlayer_lowered  }
0x9b: {  	s22 =	simm.s32 $0x1BFF;
	s21 =	sshll.u32 s6, $0x1;
	s3 =	sadd.s32 s4, s19  }
0x9c: {  	s7 =	simm.s32 $0x0;
	s20 =	sshll.u32 s5, $0x1;
	s5 =	sadd.s32 s21, s3  }
0x9d: {  	[timem:s7], [sflag:s22] =	dma.local [hbm:s5], s20  }
0x9e: {  	_ =	swait.ge [sflag:s22], s20  }
0x9f: {  	s4 =	ssub.s32 $0x0, s20;
	[sflag:s22] =	ssyncset.done $0x0  }
0xa0: {  	[sflag:s22] =	ssyncadd.s32 s4;
	_ =	sdelay $0x1  }
0xa1: {  	s23 =	simm.s32 $0x1B8B  }
0xa2: {  	_ =	swait.ge [sflag:s23], $0x1  }
0xa3: {  	[sflag:s23] =	ssyncset.done $0x0  }
0xa4: {  	s25 =	simm.s32 $0x1B8E;
	s24 =	sld [smem:$0x3FFE];
	[sflag:s23] =	ssyncadd.s32 $0xFFFFFFFF  }
0xa5: {  	s26 =	simm.s32 $execute0_lowered;
	[smem:$0x3FD2] =	sst s25  }
0xa6: {  	s5 =	sshll.u32 s26, $0x1;
	_ =	strace $0x80000046;
	[dreg:$0x1] =	wrdreg $0xFFFFFFFF  }
0xa7: {  	s28 =	simm.s32 $_size_execute0_lowered;
	s3 =	sadd.s32 s3, s5;
	[dreg:$0x0] =	wrdreg $0x0  }
0xa8: {  	s5 =	sshll.u32 s28, $0x1;
	[dreg:$0x2] =	wrdreg s3  }
0xa9: {  	[dreg:$0x3] =	wrdreg s5  }
0xaa: {  	[dreg:$0x4] =	wrdreg $0xC0  }
0xab: {  	_ =	task [dreg:s7], $0x5FFFF  }
0xac: {  	[dreg:$0x1] =	wrdreg $0xFFFFFFFF  }
0xad: {  	[dreg:$0x0] =	wrdreg $0x60  }
0xae: {  	[dreg:$0x2] =	wrdreg s24  }
0xaf: {  	[dreg:$0x3] =	wrdreg s2  }
0xb0: {  	[dreg:$0x4] =	wrdreg $0x9  }
0xb1: {  	_ =	task.clear_ibuf [dreg:s7], $0x5FFFF;
	_ =	strace $0x90000046  }
0xb2: {  	s29 =	simm.s32 $0x9;
	_ =	strace $0x80000048  }
0xb3: {  	_ =	swait.ge [sflag:s29], $0x1  }
0xb4: {  	[sflag:s29] =	ssyncadd.s32 $0xFFFFFFFF  }
0xb5: {  	_ =	strace $0x90000048  }
0xb6: {  	_ =	sfence  }
0xb7: {  	s30 =	sld [smem:$0x0];
	_ =	sdelay $0x2  }
0xb8: {  	s31 =	sshll.u32 s1, $0xD;
	s1 =	sshrl.u32 s1, $0x2  }
0xb9: {  	s3 =	sand.u32 $0x4000, s31;
	s1 =	sadd.s32 s1, s30  }
0xba: {  	s0 =	sor.u32 s3, s0;
	s1 =	sshll.u32 s1, $0x11  }
0xbb: {  	s0 =	sor.u32 s1, s0  }
0xbc: {  	s0 =	sadd.s32 $0x8F2B, s0  }
0xbd: {  	[sflag:s0] =	ssyncadd.remote.s32 $0x1  }
0xbe: {  	_ =	sfence.sel $0xFFFF  }
0xbf: {  	[dreg:$0x0] =	wrdreg $0xFFFFFFFF;
	(pc) =	sbr.abs _section_cstart, $3  }
0xc0: {  	[dreg:$0x1] =	wrdreg $0xFFFFFFFF  }
0xc1: {  	_ =	task.clear_ibuf [dreg:s7], $0x2FFFF;
	_ =	strace $0x9FFFFFFF  }
0xc2: {  	(tm) =	ssettm $0x7FFFFFFF  }
0xc3: {  	_ =	shalt  }
tec
execute0_lowered:
.L_overlay_start_1:
0x0: {  	(tag) =	ssettag $0x1  }
0x1: {  	s4 =	rddreg [dreg:$0x0];
	s1 =	srdreg.scid  }
0x2: {  	s0 =	stileid.u32;
	s6 =	rddreg [dreg:$0x1];
	s2 =	simm.s32 $0x0  }
0x3: {  	s12 =	simm.s32 $0x400;
	s13 =	simm.s32 $0x1;
	s14 =	simm.s32 $0x2780  }
0x4: {  	s15 =	simm.s32 $0x4F00;
	s16 =	simm.s32 $0x7680;
	s17 =	simm.s32 $0x9E00  }
0x5: {  	s18 =	simm.s32 $0xC580;
	s5 =	sand.u32 $0x1, s1;
	s1 =	rddreg [dreg:$0x2]  }
0x6: {  	s19 =	simm.s32 $0x0;
	s3 =	sshll.u32 s0, $0x1;
	[smem:$0x7FF] =	sst s2  }
0x7: {  	s7 =	sor.u32 s5, s3;
	_ =	strace $0x80000047;
	s5 =	ssub.s32 $0x2, s5  }
0x8: {  	s8 =	smul.u32 $0x4E2, s7;
	s7 =	sshll.u32 s7, $0x4;
	s10 =	sshrl.u32 s5, $0x1  }
0x9: {  	s3 =	sadd.s32 $0xAE00, s4;
	s11 =	sadd.s32 s7, s4;
	s10 =	ssub.s32 s5, s10  }
0xa: {  	s9 =	sadd.s32 s8, s4;
	s4 =	sadd.s32 $0xAE10, s4;
	s6 =	sadd.s32 s6, s8  }
0xb: {  	s8 =	sadd.s32 $0x17400, s11;
	s10 =	smax.u32 s10, $0x1;
	s5 =	sadd.s32 $0x1000, s9  }
0xc: {  	s7 =	sadd.s32 $0xD600, s9;
	s9 =	sadd.s32 $0x17600, s11;
	s11 =	simm.s32 $0x80  }
.LBB2_1:
0xd: {  	[tilespmem:s2], [sflag:$0x1] =	stream.strided.gather [hbm4b:s3+s11], $0x2780, s12, s11, $0x38;
	[tilespmem:$0xC600] =	vst v63  }
0xe: {  	_ =	swait.ge [sflag:s13], $0x2780  }
0xf: {  	[sflag:s13] =	ssyncset.done $0x0  }
0x10: {  	[sflag:s13] =	ssyncadd.s32 $0xFFFFD880  }
0x11: {  	[tilespmem:s14], [sflag:$0x1] =	stream.strided.gather [hbm4b:s4+s11], $0x2780, s12, s11, $0x38;
	[tilespmem:$0xC600] =	vst v63  }
0x12: {  	_ =	swait.ge [sflag:s13], $0x2780  }
0x13: {  	[sflag:s13] =	ssyncset.done $0x0  }
0x14: {  	[sflag:s13] =	ssyncadd.s32 $0xFFFFD880  }
0x15: {  	[tilespmem:s15], [sflag:$0x1] =	stream.linear.gather [hbm4b:s5+s2], $0x2710, $0x38;
	[tilespmem:$0xC600] =	vst v63  }
0x16: {  	_ =	swait.ge [sflag:s13], $0x2710  }
0x17: {  	[sflag:s13] =	ssyncset.done $0x0  }
0x18: {  	[sflag:s13] =	ssyncadd.s32 $0xFFFFD8F0  }
0x19: {  	[tilespmem:s16], [sflag:$0x1] =	stream.linear.gather [hbm4b:s6+s2], $0x2710, $0x38;
	[tilespmem:$0xC600] =	vst v63  }
0x1a: {  	_ =	swait.ge [sflag:s13], $0x2710  }
0x1b: {  	[sflag:s13] =	ssyncset.done $0x0  }
0x1c: {  	s20 =	simm.s32 $0x0;
	[sflag:s13] =	ssyncadd.s32 $0xFFFFD8F0  }
0x1d: {  	v0 =	vld [tilespmem:s20+$0x7680]  }
0x1e: {  	v1 =	vld [tilespmem:s20+$0x4F00];
	_ =	sdelay $0x6  }
0x1f: {  	v2 =	vld.idx.msk [tilespmem:v0+s14+$0x0], $0xffff  }
0x20: {  	v3 =	vld.idx.msk [tilespmem:v1+s2+$0x0], $0xffff;
	_ =	sdelay $0x1  }
0x21: {  	s21 =	simm.s32 $0x10  }
0x22: {  	s22 =	simm.s32 $0x80;
	v0 =	vimm.f32 $-Inf;
	v1 =	vld [tilespmem:s21+$0x7680]  }
.LBB2_2:
0x23: {  	p0 =	sne.s32 s22, $0x9C00;
	v4 =	vld [tilespmem:s21+$0x4F00]  }
0x24: {  	v2 =	vadd.f32 v2, v3;
	_ =	sdelay $0x1  }
0x25: {  	v3 =	vmul.f32 $9.999999770e-03, v2;
	_ =	sdelay $0x1  }
0x26: {  	v2 =	vmax.f32 v2, v3  }
0x27: {  	v0 =	vmax.f32 v0, v2;
	[tilespmem:s20+$0x9E00] =	vst v2;
	s20 =	smov.u32 s21  }
0x28: {  	v2 =	vld.idx.msk [tilespmem:v1+s14+$0x0], $0xffff  }
.Ltmp0:
0x29: {  	v3 =	vld.idx.msk [tilespmem:v4+s2+$0x0], $0xffff;
	(pc) =	sbr.rel @p0 .LBB2_2-.Ltmp0, $3  }
0x2a: {  	_ =	sdelay $0x1  }
0x2b: {  	s21 =	sshra.s32 s22, $0x2  }
0x2c: {  	s22 =	sadd.s32 $0x40, s22;
	v1 =	vld [tilespmem:s21+$0x7680]  }
0x2d: {  	_ = 	snop  }
0x2e: {  	v4 =	vld [tilespmem:s21+$0x4F00]  }
0x2f: {  	v2 =	vadd.f32 v2, v3;
	_ =	sdelay $0x1  }
0x30: {  	v3 =	vmul.f32 $9.999999770e-03, v2;
	_ =	sdelay $0x1  }
0x31: {  	v2 =	vmax.f32 v2, v3  }
0x32: {  	[tilespmem:s20+$0x9E00] =	vst v2  }
0x33: {  	v1 =	vld.idx.msk [tilespmem:v1+s14+$0x0], $0xffff  }
0x34: {  	v3 =	vld.idx.msk [tilespmem:v4+s2+$0x0], $0xffff;
	_ =	sdelay $0x4  }
0x35: {  	v1 =	vadd.f32 v1, v3;
	_ =	sdelay $0x1  }
0x36: {  	v3 =	vmul.f32 $9.999999770e-03, v1;
	_ =	sdelay $0x1  }
0x37: {  	v0 =	vmax.f32 v0, v2;
	v1 =	vmax.f32 v1, v3  }
0x38: {  	v0 =	vmax.f32 v0, v1  }
0x39: {  	(xrf0) =	vmax.scan.msk.f32 $0xffff, v0;
	_ =	sdelay $0x2  }
0x3a: {  	s29 =	simm.s32 $0x0;
	[tilespmem:s21+$0x9E00] =	vst v1  }
0x3b: {  	v1 =	vld [tilespmem:s29+$0x9E00];
	_ =	sdelay $0x1  }
0x3c: {  	s30 =	simm.s32 $0x10;
	v0, _, _ =	vpop (xrf0)  }
0x3d: {  	v2 =	vld [tilespmem:s30+$0x9E00];
	v0 =	vbroadcast v0, $0xF;
	_ =	sdelay $0x1  }
0x3e: {  	v1 =	vsub.f32 v1, v0;
	_ =	sdelay $0x1  }
0x3f: {  	v1 =	vmul.f32 $1.442695020e+00, v1  }
0x40: {  	v2 =	vsub.f32 v2, v0  }
0x41: {  	(erf) = vpow2.f32 v1  }
0x42: {  	v3 =	vmul.f32 $1.442695020e+00, v2  }
0x43: {  	s31 =	simm.s32 $0x20  }
0x44: {  	v2 =	vld [tilespmem:s31+$0x9E00];
	(erf) = vpow2.f32 v3;
	_ =	sdelay $0x2  }
0x45: {  	s20 =	simm.s32 $0xC0;
	v1 =	vimm.f32 $0.0e+00  }
.LBB2_4:
0x46: {  	p0 =	sne.s32 s20, $0x9C00  }
.Ltmp1:
0x47: {  	s21 =	sshra.s32 s20, $0x2;
	s20 =	sadd.s32 $0x40, s20;
	v3 =	vsub.f32 v2, v0;
	(pc) =	sbr.rel @p0 .LBB2_4-.Ltmp1, $3  }
0x48: {  	v2 =	vld [tilespmem:s21+$0x9E00];
	v4 =	vpop (erf)  }
0x49: {  	v3 =	vmul.f32 $1.442695020e+00, v3;
	v1 =	vadd.f32 v4, v1;
	_ =	sdelay $0x1  }
0x4a: {  	(erf) = vpow2.f32 v3  }
0x4b: {  	_ = 	snop  }
0x4c: {  	v2 =	vsub.f32 v2, v0;
	_ =	sdelay $0x1  }
0x4d: {  	v2 =	vmul.f32 $1.442695020e+00, v2;
	_ =	sdelay $0x1  }
0x4e: {  	(erf) = vpow2.f32 v2;
	_ =	sdelay $0x4  }
0x4f: {  	v60 =	vpop (erf)  }
0x50: {  	v1 =	vadd.f32 v60, v1  }
0x51: {  	v61 =	vpop (erf)  }
0x52: {  	v1 =	vadd.f32 v61, v1  }
0x53: {  	v62 =	vpop (erf)  }
0x54: {  	v1 =	vadd.f32 v62, v1;
	_ =	sdelay $0x1  }
0x55: {  	(xrf2) =	vadd.scan.msk.f32 $0xffff, v1;
	_ =	sdelay $0x9  }
0x56: {  	[hbm4b:s7+s2] =	stream.linear.scatter [tilespmem:s17], [sflag:$0x1], $0x2710, $0x38;
	v1, _, _ =	vpop (xrf2);
	[tilespmem:$0xC600] =	vst v63  }
0x57: {  	_ =	swait.ge [sflag:s13], $0x2710  }
0x58: {  	[sflag:s13] =	ssyncset.done $0x0  }
0x59: {  	[sflag:s13] =	ssyncadd.s32 $0xFFFFD8F0  }
0x5a: {  	[tilespmem:$0xC580] =	vst v0  }
0x5b: {  	[hbm4b:s8+s2] =	stream.linear.scatter [tilespmem:s18], [sflag:$0x1], $0x80, $0x38;
	[tilespmem:$0xC600] =	vst v63  }
0x5c: {  	_ =	swait.ge [sflag:s13], $0x80  }
0x5d: {  	s19 =	sadd.s32 $0x1, s19;
	v63 =	vbroadcast v1, $0xF;
	[sflag:s13] =	ssyncset.done $0x0  }
0x5e: {  	p0 =	sne.s32 s19, s10;
	[sflag:s13] =	ssyncadd.s32 $0xFFFFFF80  }
.Ltmp2:
0x5f: {  	[tilespmem:$0xC580] =	vst v63;
	(pc) =	sbr.rel @p0 .LBB2_1-.Ltmp2, $4  }
0x60: {  	[hbm4b:s9+s2] =	stream.linear.scatter [tilespmem:s18], [sflag:$0x1], $0x80, $0x38;
	[tilespmem:$0xC600] =	vst v63  }
0x61: {  	_ =	swait.ge [sflag:s13], $0x80  }
0x62: {  	[sflag:s13] =	ssyncset.done $0x0  }
0x63: {  	[sflag:s13] =	ssyncadd.s32 $0xFFFFFF80  }
0x64: {  	_ =	sfence.sel $0x180000  }
0x65: {  	[bflag:$0x0] =	sbarrier.arrive $0xFFFF  }
0x66: {  	p0 =	sne.s32 s0, $0x0;
	_ =	strace $0x90000047  }
0x67: {  	s0 =	sadd.s32 @!p0 $0x100000, s1;
	[bflag:$0x2] =	sbarrier.arrive $0xFFFF  }
0x68: {  	[sflag:s0] =	ssyncadd.tile.s32 @!p0 $0x1;
	_ =	shalt  }
.Lfunc_end2:
_tile_overlayer_lowered:
.L_overlay_start_2:
0x69: {  	(tag) =	ssettag $0x2  }
0x6a: {  	s0 =	rddreg [dreg:$0x0];
	s2 =	stileid.u32  }
0x6b: {  	s1 =	rddreg [dreg:$0x1];
	p0 =	sne.s32 s2, $0x0  }
0x6c: {  	s3 =	rddreg [dreg:$0x2];
	[bflag:$0x3] =	sbarrier.arrive $0xFFFF;
	s2 =	simm.s32 @!p0 $0x1C01  }
0x6d: {  	[timem:s3], [sflag:s2] =	dma.local @!p0 [hbm:s0], s1  }
0x6e: {  	s0 =	simm.s32 @!p0 $0x1  }
0x6f: {  	_ =	swait.ge @!p0 [sflag:s0], s1  }
0x70: {  	s1 =	ssub.s32 @!p0 $0x0, s1;
	[sflag:s0] =	ssyncset.done @!p0 $0x0  }
0x71: {  	[sflag:s0] =	ssyncadd.s32 @!p0 s1  }
0x72: {  	[bflag:$0x3] =	sbarrier.arrive $0xFFFF  }
0x73: {  	_ =	shalt  }

// kernel: kernel.9.cloned.1.call-start
scs
__scs_entry_jumppad:
0x0: {  	(pc) =	sbr.rel $0x88, $3  }
0x1: {  	(tag) =	ssettag $0x0;
	lr =	simm.s32 $0x1  }
0x2: {  	[smem:$0x3F9B] =	sst lr;
	_ =	strace $0xD0000000  }
0x3: {  	_ = 	snop  }
0x4: {  	_ = 	snop  }
0x5: {  	_ = 	snop  }
0x6: {  	_ = 	snop  }
0x7: {  	_ = 	snop  }
__scs_overlays_trampoline_lowered:
0x8: {  	[smem:$0x3FAA] =	sst s0  }
0x9: {  	[smem:$0x3FAB] =	sst s1  }
0xa: {  	[smem:$0x3FAC] =	sst s2  }
0xb: {  	[smem:$0x3FAD] =	sst s3  }
0xc: {  	[smem:$0x3FAE] =	sst s4  }
0xd: {  	[smem:$0x3FAF] =	sst s5  }
0xe: {  	[smem:$0x3FB0] =	sst s6  }
0xf: {  	[smem:$0x3FB1] =	sst s7  }
0x10: {  	[smem:$0x3FB2] =	sst s8  }
0x11: {  	[smem:$0x3FB3] =	sst s9;
	s0 =	simm.s32 @!p0 $0x0  }
0x12: {  	s1 =	sld [smem:$0x3F99];
	s0 =	simm.s32 @p0 $0x1  }
0x13: {  	[smem:$0x3FB4] =	sst s0;
	s0 =	simm.s32 @!p1 $0x0  }
0x14: {  	s2 =	sld [smem:$0x3F98];
	s0 =	simm.s32 @p1 $0x1  }
0x15: {  	[smem:$0x3FB5] =	sst s0;
	s0 =	simm.s32 @!p2 $0x0  }
0x16: {  	s3 =	sld [smem:$0x3FDB];
	s0 =	simm.s32 @p2 $0x1  }
0x17: {  	s4 =	simm.s32 $0x1BF5;
	[smem:$0x3FB7] =	sst s0  }
0x18: {  	s0 =	sld [smem:$0x3F9A];
	_ =	swait.ge [sflag:s4], $0x0  }
0x19: {  	s7 =	sld [smem:$0x3F9B]  }
0x1a: {  	s8 =	sadd.s32 $0xFFFFE003, lr  }
0x1b: {  	s9 =	sadd.s32 $0xFFFFFEF7, lr;
	s5 =	simm.s32 $0xFFFFFFFF;
	p2 =	slt.u32 s8, $0xFFFFF086  }
0x1c: {  	p1 =	slt.u32 s9, $0xF7A;
	s5 =	simm.s32 @!p2 $0x0  }
0x1d: {  	s5 =	simm.s32 @p1 $0x1;
	p0 =	seq.s32 s7, s2  }
0x1e: {  	s7 =	smul.u32 @!p0 $0xF7A, s2;
	p2 =	seq.s32 @!p0 s5, $0x0  }
0x1f: {  	s9 =	smul.u32 $0xF7A, s1;
	s8 =	simm.s32 @!p0 $0x1BF5;
	p2 =	por !p2, p0  }
0x20: {  	[sflag:s8] =	ssyncset.s32 @!p0 $0xFFFFF086;
	s6 =	sadd.s32 @!p0 s3, s7;
	s7 =	simm.s32 @!p0 $0x108  }
0x21: {  	s3 =	sadd.s32 s3, s9;
	s6 =	sadd.s32 @!p0 $0x88, s6;
	s7 =	simm.s32 @p2 $0x1082  }
0x22: {  	[simem:s7], [sflag:s8] =	dma.local @!p0 [hbm:s6], $0xF7A  }
0x23: {  	s9 =	sor.u32 $0xD0000000, s2;
	s6 =	simm.s32 $0x108;
	_ =	swait.ge @!p0 [sflag:s8], $0x0  }
0x24: {  	s3 =	sadd.s32 $0x88, s3;
	s6 =	simm.s32 @!p1 $0x1082;
	[sflag:s4] =	ssyncset.s32 $0xFFFFF086  }
0x25: {  	[simem:s6], [sflag:s4] =	dma.local [hbm:s3], $0xF7A  }
0x26: {  	[smem:$0x3F9B] =	sst s1;
	(tag) =	ssettag s2;
	_ =	strace s9  }
0x27: {  	s1 =	sld [smem:$0x3FAB]  }
0x28: {  	s2 =	sld [smem:$0x3FAC]  }
0x29: {  	s4 =	sld [smem:$0x3FAE]  }
0x2a: {  	p0 =	seq.s32 s5, $0x0;
	s5 =	sld [smem:$0x3FAF]  }
0x2b: {  	s6 =	sld [smem:$0x3FB0]  }
0x2c: {  	s7 =	sld [smem:$0x3FB1]  }
0x2d: {  	s3 =	simm.s32 $0x108;
	s8 =	sld [smem:$0x3FB2]  }
0x2e: {  	s3 =	simm.s32 @!p0 $0x1082;
	s9 =	sld [smem:$0x3FB3]  }
0x2f: {  	lr =	sadd.s32 s0, s3;
	s0 =	sld [smem:$0x3FAA]  }
0x30: {  	s3 =	sld [smem:$0x3FAD]  }
0x31: {  	[smem:$0x3FB6] =	sst s10  }
0x32: {  	s10 =	sld [smem:$0x3FB4];
	_ =	sdelay $0x3  }
0x33: {  	p0 =	seq.s32 s10, $0x1;
	s10 =	sld [smem:$0x3FB6];
	_ =	sdelay $0x3  }
0x34: {  	[smem:$0x3FB6] =	sst s10  }
0x35: {  	s10 =	sld [smem:$0x3FB5];
	_ =	sdelay $0x3  }
0x36: {  	p1 =	seq.s32 s10, $0x1;
	s10 =	sld [smem:$0x3FB6];
	_ =	sdelay $0x3  }
0x37: {  	[smem:$0x3FB6] =	sst s10  }
0x38: {  	s10 =	sld [smem:$0x3FB7]  }
0x39: {  	_ = 	snop;
	(pc) =	sbr.ind lr, $3  }
0x3a: {  	_ = 	snop  }
0x3b: {  	_ = 	snop  }
0x3c: {  	p2 =	seq.s32 s10, $0x1;
	s10 =	sld [smem:$0x3FB6]  }
0x3d: {  	_ =	shalt  }
0x3e: {  	_ =	shalt  }
0x3f: {  	_ =	shalt  }
0x40: {  	_ =	shalt  }
0x41: {  	_ =	shalt  }
0x42: {  	_ =	shalt  }
0x43: {  	_ =	shalt  }
0x44: {  	_ =	shalt  }
0x45: {  	_ =	shalt  }
0x46: {  	_ =	shalt  }
0x47: {  	_ =	shalt  }
0x48: {  	_ =	shalt  }
0x49: {  	_ =	shalt  }
0x4a: {  	_ =	shalt  }
0x4b: {  	_ =	shalt  }
0x4c: {  	_ =	shalt  }
0x4d: {  	_ =	shalt  }
0x4e: {  	_ =	shalt  }
0x4f: {  	_ =	shalt  }
0x50: {  	_ =	shalt  }
0x51: {  	_ =	shalt  }
0x52: {  	_ =	shalt  }
0x53: {  	_ =	shalt  }
0x54: {  	_ =	shalt  }
0x55: {  	_ =	shalt  }
0x56: {  	_ =	shalt  }
0x57: {  	_ =	shalt  }
0x58: {  	_ =	shalt  }
0x59: {  	_ =	shalt  }
0x5a: {  	_ =	shalt  }
0x5b: {  	_ =	shalt  }
0x5c: {  	_ =	shalt  }
0x5d: {  	_ =	shalt  }
0x5e: {  	_ =	shalt  }
0x5f: {  	_ =	shalt  }
0x60: {  	_ =	shalt  }
0x61: {  	_ =	shalt  }
0x62: {  	_ =	shalt  }
0x63: {  	_ =	shalt  }
0x64: {  	_ =	shalt  }
0x65: {  	_ =	shalt  }
0x66: {  	_ =	shalt  }
0x67: {  	_ =	shalt  }
0x68: {  	_ =	shalt  }
0x69: {  	_ =	shalt  }
0x6a: {  	_ =	shalt  }
0x6b: {  	_ =	shalt  }
0x6c: {  	_ =	shalt  }
0x6d: {  	_ =	shalt  }
0x6e: {  	_ =	shalt  }
0x6f: {  	_ =	shalt  }
0x70: {  	_ =	shalt  }
0x71: {  	_ =	shalt  }
0x72: {  	_ =	shalt  }
0x73: {  	_ =	shalt  }
0x74: {  	_ =	shalt  }
0x75: {  	_ =	shalt  }
0x76: {  	_ =	shalt  }
0x77: {  	_ =	shalt  }
0x78: {  	_ =	shalt  }
0x79: {  	_ =	shalt  }
0x7a: {  	_ =	shalt  }
0x7b: {  	_ =	shalt  }
0x7c: {  	_ =	shalt  }
0x7d: {  	_ =	shalt  }
0x7e: {  	_ =	shalt  }
0x7f: {  	_ =	shalt  }
0x80: {  	_ =	shalt  }
0x81: {  	_ =	shalt  }
0x82: {  	_ =	shalt  }
0x83: {  	_ =	shalt  }
0x84: {  	_ =	shalt  }
0x85: {  	_ =	shalt  }
0x86: {  	_ =	shalt  }
0x87: {  	_ =	shalt  }
.Lfunc_end0:
.L_simem_size_0:
called_computation.1_lowered:
.L_overlay_start_0:
0x88: {  	s2 =	sld [smem:$0x3FD9]  }
0x89: {  	s3 =	sld [smem:$0x3FFE];
	_ =	sdelay $0x1  }
0x8a: {  	s1 =	srdreg.scid  }
0x8b: {  	s0 =	sand.u32 $0x1, s1  }
0x8c: {  	s17 =	sshll.u32 s0, $0xA;
	s2 =	sadd.s32 s3, s2  }
0x8d: {  	s2 =	sadd.s32 s2, s17  }
0x8e: {  	[smem:$0x3FC2] =	sst s2  }
0x8f: {  	_ = 	snop  }
0x90: {  	s2 =	sld [smem:$0x3FC9]  }
0x91: {  	s18 =	sld [smem:$0x3FD0];
	(tm) =	ssettm $0x1  }
0x92: {  	s4 =	sld [smem:$0x3FFB];
	_ =	sdelay $0x3  }
0x93: {  	_ =	strace s4  }
0x94: {  	s4 =	sld [smem:$0x3FFC];
	_ =	sdelay $0x3  }
0x95: {  	_ =	strace s4  }
0x96: {  	s4 =	sld [smem:$0x3FFD];
	_ =	sdelay $0x3  }
0x97: {  	_ =	strace s4  }
0x98: {  	_ =	strace $0x8FFFFFFF  }
0x99: {  	s19 =	sld [smem:$0x3FDB];
	_ =	sdelay $0x1  }
0x9a: {  	s5 =	simm.s32 $_scs_section_size  }
0x9b: {  	s6 =	simm.s32 $_size__tile_overlayer_lowered;
	s7 =	simm.s32 $_tile_overlayer_lowered  }
0x9c: {  	s22 =	simm.s32 $0x1BFF;
	s21 =	sshll.u32 s7, $0x1;
	s4 =	sadd.s32 s5, s19  }
0x9d: {  	s8 =	simm.s32 $0x0;
	s20 =	sshll.u32 s6, $0x1;
	s6 =	sadd.s32 s21, s4  }
0x9e: {  	[timem:s8], [sflag:s22] =	dma.local [hbm:s6], s20  }
0x9f: {  	_ =	swait.ge [sflag:s22], s20  }
0xa0: {  	s5 =	ssub.s32 $0x0, s20;
	[sflag:s22] =	ssyncset.done $0x0  }
0xa1: {  	[sflag:s22] =	ssyncadd.s32 s5;
	_ =	sdelay $0x1  }
0xa2: {  	s23 =	simm.s32 $0x1B8B  }
0xa3: {  	_ =	swait.ge [sflag:s23], $0x1  }
0xa4: {  	[sflag:s23] =	ssyncset.done $0x0  }
0xa5: {  	s25 =	simm.s32 $0x1B8E;
	s24 =	sld [smem:$0x3FFE];
	[sflag:s23] =	ssyncadd.s32 $0xFFFFFFFF  }
0xa6: {  	s26 =	simm.s32 $execute0_lowered;
	[smem:$0x3FD2] =	sst s25  }
0xa7: {  	s6 =	sshll.u32 s26, $0x1;
	_ =	strace $0x80000049;
	[dreg:$0x1] =	wrdreg $0xFFFFFFFF  }
0xa8: {  	s28 =	simm.s32 $_size_execute0_lowered;
	s4 =	sadd.s32 s4, s6;
	[dreg:$0x0] =	wrdreg $0x0  }
0xa9: {  	s6 =	sshll.u32 s28, $0x1;
	[dreg:$0x2] =	wrdreg s4  }
0xaa: {  	[dreg:$0x3] =	wrdreg s6  }
0xab: {  	[dreg:$0x4] =	wrdreg $0xC0  }
0xac: {  	_ =	task [dreg:s8], $0x5FFFF  }
0xad: {  	[dreg:$0x1] =	wrdreg $0xFFFFFFFF  }
0xae: {  	[dreg:$0x0] =	wrdreg $0x60  }
0xaf: {  	[dreg:$0x2] =	wrdreg s2  }
0xb0: {  	[dreg:$0x3] =	wrdreg s24  }
0xb1: {  	[dreg:$0x4] =	wrdreg s18  }
0xb2: {  	[dreg:$0x5] =	wrdreg $0x0  }
0xb3: {  	[dreg:$0x6] =	wrdreg $0x9  }
0xb4: {  	_ =	task.clear_ibuf [dreg:s8], $0x7FFFF;
	_ =	strace $0x90000049  }
0xb5: {  	s29 =	simm.s32 $0x9;
	_ =	strace $0x8000004B  }
0xb6: {  	_ =	swait.ge [sflag:s29], $0x1  }
0xb7: {  	[sflag:s29] =	ssyncadd.s32 $0xFFFFFFFF  }
0xb8: {  	_ =	strace $0x9000004B  }
0xb9: {  	_ =	sfence  }
0xba: {  	s30 =	sld [smem:$0x0];
	_ =	sdelay $0x2  }
0xbb: {  	s31 =	sshll.u32 s1, $0xD;
	s1 =	sshrl.u32 s1, $0x2  }
0xbc: {  	s3 =	sand.u32 $0x4000, s31;
	s1 =	sadd.s32 s1, s30  }
0xbd: {  	s0 =	sor.u32 s3, s0;
	s1 =	sshll.u32 s1, $0x11  }
0xbe: {  	s0 =	sor.u32 s1, s0  }
0xbf: {  	s0 =	sadd.s32 $0x8F2B, s0  }
0xc0: {  	[sflag:s0] =	ssyncadd.remote.s32 $0x1  }
0xc1: {  	_ =	sfence.sel $0xFFFF  }
0xc2: {  	[dreg:$0x0] =	wrdreg $0xFFFFFFFF;
	(pc) =	sbr.abs _section_cstart, $3  }
0xc3: {  	[dreg:$0x1] =	wrdreg $0xFFFFFFFF  }
0xc4: {  	_ =	task.clear_ibuf [dreg:s8], $0x2FFFF;
	_ =	strace $0x9FFFFFFF  }
0xc5: {  	(tm) =	ssettm $0x7FFFFFFF  }
tec
execute0_lowered:
.L_overlay_start_1:
0x0: {  	(tag) =	ssettag $0x1  }
0x1: {  	s1 =	rddreg [dreg:$0x0]  }
0x2: {  	s0 =	rddreg [dreg:$0x1]  }
0x3: {  	s2 =	rddreg [dreg:$0x2]  }
0x4: {  	s3 =	rddreg [dreg:$0x3]  }
0x5: {  	s4 =	simm.s32 $0x0;
	s16 =	srdreg.scid;
	s11 =	stileid.u32  }
0x6: {  	s28 =	simm.s32 $0x16200;
	s29 =	simm.s32 $0x16400;
	s30 =	simm.s32 $0x1  }
0x7: {  	s31 =	simm.s32 $0x50;
	[smem:$0x7FF] =	sst s4;
	s5 =	sadd.s32 $0x1000, s0  }
0x8: {  	s7 =	sadd.s32 $0xD600, s0;
	s15 =	sadd.s32 $0x17400, s0;
	s6 =	sadd.s32 $0x17600, s0  }
0x9: {  	s4 =	sand.u32 $0x1, s16;
	s0 =	sadd.s32 $0x17800, s0;
	s8 =	smul.u32 $0x50000, s11  }
0xa: {  	s10 =	sshll.u32 s11, $0x1;
	_ =	strace $0x8000004A;
	[dreg:$0x5] =	wrdreg s15  }
0xb: {  	s11 =	smul.u32 $0x14000, s11;
	[dreg:$0x6] =	wrdreg s6;
	s17 =	ssub.s32 $0x2, s4  }
0xc: {  	s18 =	sor.u32 s4, s10;
	s4 =	smul.u32 $0x140000, s4;
	s9 =	sshrl.u32 s17, $0x1  }
0xd: {  	s8 =	sshrl.u32 s8, $0x2;
	s10 =	smul.u32 $0x2710, s18;
	s19 =	sadd.s32 $0x4000, s11  }
0xe: {  	s20 =	sadd.s32 $0x8000, s11;
	s16 =	sadd.s32 $0xC000, s11;
	s6 =	ssub.s32 s17, s9  }
0xf: {  	s21 =	sadd.s32 s8, s3;
	s12 =	sadd.s32 s19, s3;
	s22 =	sadd.s32 s20, s3  }
0x10: {  	s14 =	sadd.s32 s16, s3;
	s17 =	sadd.s32 $0x10000, s11;
	s11 =	sadd.s32 s11, s4  }
0x11: {  	s8 =	sadd.s32 s4, s19;
	s23 =	sadd.s32 s4, s20;
	s24 =	sadd.s32 s4, s16  }
0x12: {  	s9 =	simm.s32 $0x16780;
	s16 =	simm.s32 $0x3;
	[dreg:$0x7] =	wrdreg s12  }
0x13: {  	[dreg:$0x8] =	wrdreg s22;
	s15 =	sadd.s32 s17, s3;
	s11 =	sshrl.u32 s11, $0x3  }
0x14: {  	s8 =	sshrl.u32 s8, $0x3;
	s4 =	sadd.s32 s4, s17;
	s25 =	sshrl.u32 s24, $0x3  }
0x15: {  	s26 =	smax.u32 s6, $0x1;
	s22 =	simm.s32 $0x16800;
	s24 =	simm.s32 $0x2  }
0x16: {  	s6 =	simm.s32 $0x16700;
	s17 =	simm.s32 $0x0;
	s11 =	sadd.s32 s0, s11  }
0x17: {  	s8 =	sadd.s32 s0, s8;
	s4 =	sshrl.u32 s4, $0x3;
	[dreg:$0xe] =	wrdreg s26  }
0x18: {  	s26 =	simm.s32 $0x16000;
	[dreg:$0xa] =	wrdreg s8;
	s8 =	sshrl.u32 s23, $0x3  }
0x19: {  	[dreg:$0x9] =	wrdreg s11;
	s23 =	simm.s32 $0x4;
	s8 =	sadd.s32 s0, s8  }
0x1a: {  	[dreg:$0xb] =	wrdreg s8;
	s8 =	sadd.s32 s0, s25;
	s0 =	sadd.s32 s0, s4  }
0x1b: {  	s25 =	simm.s32 $0x1B800;
	s4 =	simm.s32 $0x19000;
	[dreg:$0xc] =	wrdreg s8  }
0x1c: {  	v0 =	vimm.f32 $0.0e+00;
	[dreg:$0xd] =	wrdreg s0;
	s0 =	simm.s32 $0x16680;
	s8 =	simm.s32 $0x16600  }
.LBB2_1:
0x1d: {  	s11 =	simm.s32 $0x0;
	s12 =	rddreg [dreg:$0x5];
	s13 =	simm.s32 $0x14000  }
0x1e: {  	[tilespmem:s13], [sflag:$0x4] =	stream.linear.gather [hbm4b:s12+s11], $0x1000, $0x38;
	[tilespmem:$0x1F800] =	vst v63  }
0x1f: {  	_ =	swait.ge [sflag:s23], $0x1000  }
0x20: {  	[sflag:s23] =	ssyncset.done $0x0  }
0x21: {  	s20 =	simm.s32 $0x15000;
	s19 =	rddreg [dreg:$0x6];
	[sflag:s23] =	ssyncadd.s32 $0xFFFFF000  }
0x22: {  	[tilespmem:s20], [sflag:$0x4] =	stream.linear.gather [hbm4b:s19+s11], $0x1000, $0x38;
	[tilespmem:$0x1F800] =	vst v63  }
0x23: {  	_ =	swait.ge [sflag:s23], $0x1000  }
0x24: {  	[sflag:s23] =	ssyncset.done $0x0  }
0x25: {  	[sflag:s23] =	ssyncadd.s32 $0xFFFFF000  }
0x26: {  	v1 =	vld [tilespmem:$0x14000]  }
0x27: {  	v2 =	vld [tilespmem:$0x14080]  }
0x28: {  	v3 =	vld [tilespmem:$0x14100]  }
0x29: {  	v4 =	vld [tilespmem:$0x14180]  }
0x2a: {  	v5 =	vld [tilespmem:$0x14200]  }
0x2b: {  	v6 =	vld [tilespmem:$0x14280]  }
0x2c: {  	v1 =	vmax.f32 v1, v2;
	v2 =	vld [tilespmem:$0x14300]  }
0x2d: {  	v1 =	vmax.f32 v1, v3;
	v3 =	vld [tilespmem:$0x14380]  }
0x2e: {  	v1 =	vmax.f32 v1, v4;
	v4 =	vld [tilespmem:$0x14400]  }
0x2f: {  	v1 =	vmax.f32 v1, v5;
	v5 =	vld [tilespmem:$0x14480]  }
0x30: {  	v1 =	vmax.f32 v1, v6;
	v6 =	vld [tilespmem:$0x14500]  }
0x31: {  	v1 =	vmax.f32 v1, v2;
	v2 =	vld [tilespmem:$0x14580]  }
0x32: {  	v1 =	vmax.f32 v1, v3;
	v3 =	vld [tilespmem:$0x14600]  }
0x33: {  	v1 =	vmax.f32 v1, v4;
	v4 =	vld [tilespmem:$0x14680]  }
0x34: {  	v1 =	vmax.f32 v1, v5;
	v5 =	vld [tilespmem:$0x14700]  }
0x35: {  	v1 =	vmax.f32 v1, v6;
	v6 =	vld [tilespmem:$0x14780]  }
0x36: {  	v1 =	vmax.f32 v1, v2;
	v2 =	vld [tilespmem:$0x14800]  }
0x37: {  	v1 =	vmax.f32 v1, v3;
	v3 =	vld [tilespmem:$0x14880]  }
0x38: {  	v1 =	vmax.f32 v1, v4;
	v4 =	vld [tilespmem:$0x14900]  }
0x39: {  	v1 =	vmax.f32 v1, v5;
	v5 =	vld [tilespmem:$0x14980]  }
0x3a: {  	v1 =	vmax.f32 v1, v6;
	v6 =	vld [tilespmem:$0x14A00]  }
0x3b: {  	v1 =	vmax.f32 v1, v2;
	v2 =	vld [tilespmem:$0x14A80]  }
0x3c: {  	v1 =	vmax.f32 v1, v3;
	v3 =	vld [tilespmem:$0x14B00]  }
0x3d: {  	v1 =	vmax.f32 v1, v4;
	v4 =	vld [tilespmem:$0x14B80]  }
0x3e: {  	v1 =	vmax.f32 v1, v5;
	v5 =	vld [tilespmem:$0x14C00]  }
0x3f: {  	v1 =	vmax.f32 v1, v6;
	v6 =	vld [tilespmem:$0x14C80]  }
0x40: {  	v1 =	vmax.f32 v1, v2;
	v2 =	vld [tilespmem:$0x14D00]  }
0x41: {  	v1 =	vmax.f32 v1, v3;
	v3 =	vld [tilespmem:$0x14D80]  }
0x42: {  	v1 =	vmax.f32 v1, v4;
	v4 =	vld [tilespmem:$0x14E00]  }
0x43: {  	v1 =	vmax.f32 v1, v5;
	v5 =	vld [tilespmem:$0x14E80]  }
0x44: {  	v1 =	vmax.f32 v1, v6;
	v6 =	vld [tilespmem:$0x14F00]  }
0x45: {  	s20 =	simm.s32 $0x0;
	v1 =	vmax.f32 v1, v2;
	v2 =	vld [tilespmem:$0x14F80]  }
0x46: {  	v1 =	vmax.f32 v1, v3;
	v3 =	vld [tilespmem:s20+$0x14000]  }
0x47: {  	v1 =	vmax.f32 v1, v4  }
0x48: {  	s11 =	simm.s32 $0x80;
	v1 =	vmax.f32 v1, v5  }
0x49: {  	v4 =	vld [tilespmem:s11+$0x14000];
	v1 =	vmax.f32 v1, v6  }
0x4a: {  	v1 =	vmax.f32 v1, v2  }
0x4b: {  	v2 =	vsub.f32 v3, v1;
	_ =	sdelay $0x1  }
0x4c: {  	v2 =	vmul.f32 $1.442695020e+00, v2  }
0x4d: {  	v3 =	vsub.f32 v4, v1  }
0x4e: {  	(erf) = vpow2.f32 v2  }
0x4f: {  	v5 =	vmul.f32 $1.442695020e+00, v3  }
0x50: {  	s18 =	simm.s32 $0x100  }
0x51: {  	v4 =	vld [tilespmem:s18+$0x14000];
	(erf) = vpow2.f32 v5;
	_ =	sdelay $0x1  }
0x52: {  	v3 =	vld [tilespmem:s20+$0x15000]  }
0x53: {  	s19 =	simm.s32 $0x600;
	v2 =	vimm.f32 $0.0e+00  }
.LBB2_2:
0x54: {  	p0 =	sne.s32 s19, $0x3E00  }
.Ltmp0:
0x55: {  	s20 =	sshra.s32 s19, $0x2;
	s19 =	sadd.s32 $0x200, s19;
	v5 =	vsub.f32 v4, v1;
	(pc) =	sbr.rel @p0 .LBB2_2-.Ltmp0, $4  }
0x56: {  	v4 =	vld [tilespmem:s20+$0x14000];
	v6 =	vpop (erf)  }
0x57: {  	v5 =	vmul.f32 $1.442695020e+00, v5;
	v6 =	vmul.f32 v6, v3  }
0x58: {  	v3 =	vld [tilespmem:s11+$0x15000];
	s11 =	smov.u32 s18;
	s18 =	smov.u32 s20  }
0x59: {  	(erf) = vpow2.f32 v5;
	v2 =	vadd.f32 v6, v2  }
0x5a: {  	_ = 	snop  }
0x5b: {  	v4 =	vsub.f32 v4, v1;
	_ =	sdelay $0x1  }
0x5c: {  	v4 =	vmul.f32 $1.442695020e+00, v4;
	_ =	sdelay $0x1  }
0x5d: {  	(erf) = vpow2.f32 v4;
	_ =	sdelay $0x2  }
0x5e: {  	v61 =	vld [tilespmem:s11+$0x15000];
	_ =	sdelay $0x1  }
0x5f: {  	v5 =	vpop (erf);
	v6 =	vld [tilespmem:s18+$0x15000]  }
0x60: {  	v3 =	vmul.f32 v5, v3  }
0x61: {  	v62 =	vpop (erf)  }
0x62: {  	v2 =	vadd.f32 v3, v2;
	v3 =	vmul.f32 v62, v61  }
0x63: {  	v63 =	vpop (erf)  }
0x64: {  	v2 =	vadd.f32 v3, v2;
	v3 =	vmul.f32 v63, v6;
	_ =	sdelay $0x1  }
0x65: {  	s11 =	simm.s32 $0x0;
	s18 =	simm.s32 $0x200;
	v2 =	vadd.f32 v3, v2  }
.LBB2_4:
0x66: {  	p0 =	sne.s32 s18, $0xFE00;
	[tilespmem:s11+$0x1B870] =	vst v0  }
0x67: {  	[tilespmem:s11+$0x1B800] =	vst v0  }
0x68: {  	[tilespmem:s11+$0x1B810] =	vst v0  }
.Ltmp1:
0x69: {  	[tilespmem:s11+$0x1B820] =	vst v0;
	(pc) =	sbr.rel @p0 .LBB2_4-.Ltmp1, $4  }
0x6a: {  	[tilespmem:s11+$0x1B830] =	vst v0  }
0x6b: {  	[tilespmem:s11+$0x1B840] =	vst v0  }
0x6c: {  	[tilespmem:s11+$0x1B850] =	vst v0  }
0x6d: {  	[tilespmem:s11+$0x1B860] =	vst v0;
	s11 =	sshra.s32 s18, $0x2;
	s18 =	sadd.s32 $0x200, s18  }
0x6e: {  	(erf) = vrcp.f32 v2  }
0x6f: {  	[tilespmem:s11+$0x1B870] =	vst v0  }
0x70: {  	[tilespmem:s11+$0x1B800] =	vst v0  }
0x71: {  	[tilespmem:s11+$0x1B810] =	vst v0  }
0x72: {  	[tilespmem:s11+$0x1B820] =	vst v0  }
0x73: {  	[tilespmem:s11+$0x1B830] =	vst v0  }
0x74: {  	[tilespmem:s11+$0x1B840] =	vst v0  }
0x75: {  	[tilespmem:s11+$0x1B850] =	vst v0  }
0x76: {  	[tilespmem:s11+$0x1B860] =	vst v0  }
0x77: {  	[spmem:s21] =	stream.linear.scatter [tilespmem:s25], [sflag:$0x4], $0x4000, $0x38;
	v2 =	vpop (erf);
	[tilespmem:$0x1F800] =	vst v63  }
0x78: {  	_ =	swait.ge [sflag:s23], $0x4000  }
0x79: {  	[sflag:s23] =	ssyncset.done $0x0  }
0x7a: {  	s20 =	rddreg [dreg:$0x7];
	[sflag:s23] =	ssyncadd.s32 $0xFFFFC000  }
0x7b: {  	[spmem:s20] =	stream.linear.scatter [tilespmem:s25], [sflag:$0x4], $0x4000, $0x38;
	[tilespmem:$0x1F800] =	vst v63  }
0x7c: {  	_ =	swait.ge [sflag:s23], $0x4000  }
0x7d: {  	[sflag:s23] =	ssyncset.done $0x0  }
0x7e: {  	s13 =	smov.u32 s21;
	s21 =	rddreg [dreg:$0x8];
	[sflag:s23] =	ssyncadd.s32 $0xFFFFC000  }
0x7f: {  	[spmem:s21] =	stream.linear.scatter [tilespmem:s25], [sflag:$0x4], $0x4000, $0x38;
	[tilespmem:$0x1F800] =	vst v63  }
0x80: {  	_ =	swait.ge [sflag:s23], $0x4000  }
0x81: {  	[sflag:s23] =	ssyncset.done $0x0  }
0x82: {  	[sflag:s23] =	ssyncadd.s32 $0xFFFFC000  }
0x83: {  	[spmem:s14] =	stream.linear.scatter [tilespmem:s25], [sflag:$0x4], $0x4000, $0x38;
	[tilespmem:$0x1F800] =	vst v63  }
0x84: {  	_ =	swait.ge [sflag:s23], $0x4000  }
0x85: {  	[sflag:s23] =	ssyncset.done $0x0  }
0x86: {  	[sflag:s23] =	ssyncadd.s32 $0xFFFFC000  }
0x87: {  	[spmem:s15] =	stream.linear.scatter [tilespmem:s25], [sflag:$0x4], $0x4000, $0x38;
	[tilespmem:$0x1F800] =	vst v63  }
0x88: {  	_ =	swait.ge [sflag:s23], $0x4000  }
0x89: {  	[sflag:s23] =	ssyncset.done $0x0  }
0x8a: {  	[sflag:s23] =	ssyncadd.s32 $0xFFFFC000  }
0x8b: {  	s18 =	simm.s32 $0x0;
	s19 =	simm.s32 $0x0;
	[bflag:$0x0] =	sbarrier.arrive $0xFFFF  }
.LBB2_6:
0x8c: {  	s11 =	smul.u32 $0x190, s19;
	_ =	sdelay $0x1  }
0x8d: {  	s11 =	sadd.s32 s10, s11  }
0x8e: {  	s11 =	sshrl.u32 s11, $0x3  }
0x8f: {  	s20 =	sadd.s32 s5, s11  }
0x90: {  	[tilespmem:s26], [sflag:$0x1] =	stream.linear.gather [hbm4b:s20+s18], $0x190, $0x38;
	[tilespmem:$0x1F800] =	vst v63  }
0x91: {  	s21 =	sadd.s32 s2, s11  }
0x92: {  	[tilespmem:s28], [sflag:$0x1] =	stream.linear.gather [hbm4b:s21+s18], $0x190, $0x38;
	[tilespmem:$0x1F800] =	vst v63  }
0x93: {  	s11 =	sadd.s32 s7, s11  }
0x94: {  	[tilespmem:s29], [sflag:$0x1] =	stream.linear.gather [hbm4b:s11+s18], $0x190, $0x38;
	[tilespmem:$0x1F800] =	vst v63  }
0x95: {  	_ =	swait.ge [sflag:s30], $0x190  }
0x96: {  	[sflag:s30] =	ssyncset.done $0x0  }
0x97: {  	[sflag:s30] =	ssyncadd.s32 $0xFFFFFE70  }
0x98: {  	_ =	swait.ge [sflag:s30], $0x190  }
0x99: {  	[sflag:s30] =	ssyncset.done $0x0  }
0x9a: {  	[sflag:s30] =	ssyncadd.s32 $0xFFFFFE70  }
0x9b: {  	_ =	swait.ge [sflag:s30], $0x190  }
0x9c: {  	[sflag:s30] =	ssyncset.done $0x0  }
0x9d: {  	[sflag:s30] =	ssyncadd.s32 $0xFFFFFE70  }
0x9e: {  	v3 =	vld [tilespmem:$0x16000]  }
0x9f: {  	v4 =	vld [tilespmem:$0x16010]  }
0xa0: {  	v5 =	vld [tilespmem:$0x16020]  }
0xa1: {  	v6 =	vld [tilespmem:$0x16030]  }
0xa2: {  	v7 =	vld [tilespmem:$0x16040]  }
0xa3: {  	[tilespmem:$0x16680] =	vst v3  }
0xa4: {  	[tilespmem:$0x16690] =	vst v4  }
0xa5: {  	[tilespmem:$0x166A0] =	vst v5  }
0xa6: {  	[tilespmem:$0x166B0] =	vst v6  }
0xa7: {  	[tilespmem:$0x166C0] =	vst v7  }
0xa8: {  	[tilespmem:s22], [sflag:$0x2] =	stream.indirect.gather [hbm4b:s1+s31], $0x80, s0, s31, $0xb8;
	[tilespmem:$0x1F800] =	vst v63  }
0xa9: {  	_ =	swait.ge [sflag:s24], $0x2800  }
0xaa: {  	[sflag:s24] =	ssyncset.done $0x0  }
0xab: {  	[sflag:s24] =	ssyncadd.s32 $0xFFFFD800  }
0xac: {  	v3 =	vld [tilespmem:$0x16050]  }
0xad: {  	v4 =	vld [tilespmem:$0x16060]  }
0xae: {  	v5 =	vld [tilespmem:$0x16070]  }
0xaf: {  	v6 =	vld [tilespmem:$0x16080]  }
0xb0: {  	v7 =	vld [tilespmem:$0x16090]  }
0xb1: {  	[tilespmem:$0x16700] =	vst v3  }
0xb2: {  	[tilespmem:$0x16710] =	vst v4  }
0xb3: {  	[tilespmem:$0x16720] =	vst v5  }
0xb4: {  	[tilespmem:$0x16730] =	vst v6  }
0xb5: {  	[tilespmem:$0x16740] =	vst v7  }
0xb6: {  	[tilespmem:s4], [sflag:$0x3] =	stream.indirect.gather [hbm4b:s1+s31], $0x80, s6, s31, $0xb8;
	[tilespmem:$0x1F800] =	vst v63  }
0xb7: {  	v3 =	vld [tilespmem:$0x16400]  }
0xb8: {  	v4 =	vld [tilespmem:$0x16410]  }
0xb9: {  	v5 =	vld [tilespmem:$0x16420]  }
0xba: {  	v6 =	vld [tilespmem:$0x16430]  }
0xbb: {  	v7 =	vld [tilespmem:$0x16440]  }
0xbc: {  	v3 =	vsub.f32 v3, v1  }
0xbd: {  	v4 =	vsub.f32 v4, v1  }
0xbe: {  	v5 =	vsub.f32 v5, v1;
	v3 =	vmul.f32 $1.442695020e+00, v3  }
0xbf: {  	v6 =	vsub.f32 v6, v1;
	v4 =	vmul.f32 $1.442695020e+00, v4  }
0xc0: {  	(erf) = vpow2.f32 v3;
	v3 =	vmul.f32 $1.442695020e+00, v5;
	v5 =	vsub.f32 v7, v1  }
0xc1: {  	(erf) = vpow2.f32 v4;
	v4 =	vmul.f32 $1.442695020e+00, v6  }
0xc2: {  	(erf) = vpow2.f32 v3;
	v3 =	vmul.f32 $1.442695020e+00, v5  }
0xc3: {  	(erf) = vpow2.f32 v4  }
0xc4: {  	(erf) = vpow2.f32 v3;
	_ =	sdelay $0x4  }
0xc5: {  	v3 =	vpop (erf)  }
0xc6: {  	v4 =	vpop (erf);
	v3 =	vmul.f32 v3, v2  }
0xc7: {  	v5 =	vpop (erf);
	v4 =	vmul.f32 v4, v2  }
0xc8: {  	v6 =	vpop (erf);
	[tilespmem:$0x16600] =	vst v3;
	v3 =	vmul.f32 v5, v2  }
0xc9: {  	[tilespmem:$0x16610] =	vst v4;
	v4 =	vmul.f32 v6, v2;
	v5 =	vpop (erf)  }
0xca: {  	[tilespmem:$0x16620] =	vst v3;
	v3 =	vmul.f32 v5, v2  }
0xcb: {  	[tilespmem:$0x16630] =	vst v4;
	v4 =	vmov s18  }
0xcc: {  	s20 =	simm.s32 $0x16840;
	[tilespmem:$0x16640] =	vst v3  }
0xcd: {  	v7 =	vld [tilespmem:s20+$0x30]  }
0xce: {  	v10 =	vld [tilespmem:s20+$0x10]  }
0xcf: {  	v8 =	vld [tilespmem:s20+$0xFFFFFFC0]  }
0xd0: {  	v4 =	vld.idx.msk [tilespmem:v4+s8+$0x0], $0xffff  }
0xd1: {  	v12 =	vld [tilespmem:s20+$0xFFFFFFE0]  }
0xd2: {  	v3 =	vld [tilespmem:s20+$0xFFFFFFF0]  }
0xd3: {  	v5 =	vld [tilespmem:s20+$0x20]  }
0xd4: {  	v6 =	vld [tilespmem:s20+$0xFFFFFFD0]  }
0xd5: {  	v11 =	vmul.f32 v7, v4;
	v7 =	vld [tilespmem:s20+$0x0]  }
0xd6: {  	v9 =	vmul.f32 v8, v4  }
0xd7: {  	s21 =	simm.s32 $0x1;
	s11 =	simm.s32 $0x16840;
	v8 =	vmul.f32 v12, v4;
	v10 =	vmul.f32 v10, v4  }
.LBB2_7:
0xd8: {  	p0 =	sne.s32 s21, $0x4F  }
0xd9: {  	v6 =	vmul.f32 v6, v4;
	v5 =	vmul.f32 v5, v4;
	[tilespmem:s20+$0x30] =	vst v11;
	s11 =	sadd.s32 $0x80, s11;
	s12 =	smov.u32 s21;
	s21 =	sadd.s32 $0x1, s21  }
0xda: {  	[tilespmem:s20+$0xFFFFFFC0] =	vst v9;
	v9 =	vmul.f32 v3, v4;
	v4 =	vmul.f32 v7, v4  }
0xdb: {  	[tilespmem:s20+$0x10] =	vst v10  }
0xdc: {  	v7 =	vmov s12;
	[tilespmem:s20+$0xFFFFFFE0] =	vst v8  }
0xdd: {  	v3 =	vld [tilespmem:s11+$0xFFFFFFF0];
	[tilespmem:s20+$0xFFFFFFF0] =	vst v9  }
0xde: {  	v8 =	vld [tilespmem:s11+$0x30];
	[tilespmem:s20+$0x0] =	vst v4  }
0xdf: {  	v10 =	vld [tilespmem:s11+$0x10];
	[tilespmem:s20+$0x20] =	vst v5  }
0xe0: {  	v9 =	vld [tilespmem:s11+$0xFFFFFFC0];
	[tilespmem:s20+$0xFFFFFFD0] =	vst v6;
	s20 =	smov.u32 s11  }
0xe1: {  	v4 =	vld.idx.msk [tilespmem:v7+s8+$0x0], $0xffff  }
0xe2: {  	v12 =	vld [tilespmem:s11+$0xFFFFFFE0]  }
0xe3: {  	v5 =	vld [tilespmem:s11+$0x20]  }
.Ltmp2:
0xe4: {  	v6 =	vld [tilespmem:s11+$0xFFFFFFD0];
	(pc) =	sbr.rel @p0 .LBB2_7-.Ltmp2, $3  }
0xe5: {  	v7 =	vld [tilespmem:s11+$0x0];
	_ =	sdelay $0x1  }
0xe6: {  	v9 =	vmul.f32 v9, v4;
	v11 =	vmul.f32 v8, v4  }
0xe7: {  	v10 =	vmul.f32 v10, v4;
	v8 =	vmul.f32 v12, v4  }
0xe8: {  	[tilespmem:s20+$0x30] =	vst v11  }
0xe9: {  	[tilespmem:s20+$0xFFFFFFC0] =	vst v9  }
0xea: {  	v3 =	vmul.f32 v3, v4;
	[tilespmem:s20+$0x10] =	vst v10  }
0xeb: {  	v5 =	vmul.f32 v5, v4;
	[tilespmem:s20+$0xFFFFFFE0] =	vst v8  }
0xec: {  	v7 =	vmul.f32 v7, v4;
	[tilespmem:s20+$0xFFFFFFF0] =	vst v3  }
0xed: {  	v3 =	vmul.f32 v6, v4;
	[tilespmem:s20+$0x20] =	vst v5  }
0xee: {  	[tilespmem:s20+$0x0] =	vst v7  }
0xef: {  	[tilespmem:s20+$0xFFFFFFD0] =	vst v3  }
0xf0: {  	v3 =	vld [tilespmem:$0x16200]  }
0xf1: {  	v4 =	vld [tilespmem:$0x16210]  }
0xf2: {  	v5 =	vld [tilespmem:$0x16220]  }
0xf3: {  	v6 =	vld [tilespmem:$0x16230]  }
0xf4: {  	v7 =	vld [tilespmem:$0x16240]  }
0xf5: {  	[tilespmem:$0x16780] =	vst v3  }
0xf6: {  	[tilespmem:$0x16790] =	vst v4  }
0xf7: {  	[tilespmem:$0x167A0] =	vst v5  }
0xf8: {  	[tilespmem:$0x167B0] =	vst v6  }
0xf9: {  	[tilespmem:$0x167C0] =	vst v7  }
0xfa: {  	[spmem:s3] =	stream.indirect.scatter.add.f32 [tilespmem:s22], [sflag:$0x4], $0x80, s9, s31, $0xb8;
	[tilespmem:$0x1F800] =	vst v63  }
0xfb: {  	_ =	swait.ge [sflag:s23], $0x2800  }
0xfc: {  	[sflag:s23] =	ssyncset.done $0x0  }
0xfd: {  	[sflag:s23] =	ssyncadd.s32 $0xFFFFD800  }
0xfe: {  	_ =	swait.ge [sflag:s16], $0x2800  }
0xff: {  	[sflag:s16] =	ssyncset.done $0x0  }
0x100: {  	[sflag:s16] =	ssyncadd.s32 $0xFFFFD800  }
0x101: {  	v3 =	vld [tilespmem:$0x160A0]  }
0x102: {  	v4 =	vld [tilespmem:$0x160B0]  }
0x103: {  	v5 =	vld [tilespmem:$0x160C0]  }
0x104: {  	v6 =	vld [tilespmem:$0x160D0]  }
0x105: {  	v7 =	vld [tilespmem:$0x160E0]  }
0x106: {  	[tilespmem:$0x16680] =	vst v3  }
0x107: {  	[tilespmem:$0x16690] =	vst v4  }
0x108: {  	[tilespmem:$0x166A0] =	vst v5  }
0x109: {  	[tilespmem:$0x166B0] =	vst v6  }
0x10a: {  	[tilespmem:$0x166C0] =	vst v7  }
0x10b: {  	[tilespmem:s22], [sflag:$0x2] =	stream.indirect.gather [hbm4b:s1+s31], $0x80, s0, s31, $0xb8;
	[tilespmem:$0x1F800] =	vst v63  }
0x10c: {  	v3 =	vld [tilespmem:$0x16450]  }
0x10d: {  	v4 =	vld [tilespmem:$0x16460]  }
0x10e: {  	v5 =	vld [tilespmem:$0x16470]  }
0x10f: {  	v6 =	vld [tilespmem:$0x16480]  }
0x110: {  	v7 =	vld [tilespmem:$0x16490]  }
0x111: {  	v3 =	vsub.f32 v3, v1  }
0x112: {  	v4 =	vsub.f32 v4, v1  }
0x113: {  	v5 =	vsub.f32 v5, v1;
	v3 =	vmul.f32 $1.442695020e+00, v3  }
0x114: {  	v6 =	vsub.f32 v6, v1;
	v4 =	vmul.f32 $1.442695020e+00, v4  }
0x115: {  	(erf) = vpow2.f32 v3;
	v3 =	vmul.f32 $1.442695020e+00, v5;
	v5 =	vsub.f32 v7, v1  }
0x116: {  	(erf) = vpow2.f32 v4;
	v4 =	vmul.f32 $1.442695020e+00, v6  }
0x117: {  	(erf) = vpow2.f32 v3;
	v3 =	vmul.f32 $1.442695020e+00, v5  }
0x118: {  	(erf) = vpow2.f32 v4  }
0x119: {  	(erf) = vpow2.f32 v3;
	_ =	sdelay $0x4  }
0x11a: {  	v3 =	vpop (erf)  }
0x11b: {  	v4 =	vpop (erf);
	v3 =	vmul.f32 v3, v2  }
0x11c: {  	v5 =	vpop (erf);
	v4 =	vmul.f32 v4, v2  }
0x11d: {  	v6 =	vpop (erf);
	[tilespmem:$0x16600] =	vst v3;
	v3 =	vmul.f32 v5, v2  }
0x11e: {  	[tilespmem:$0x16610] =	vst v4;
	v4 =	vmul.f32 v6, v2;
	v5 =	vpop (erf)  }
0x11f: {  	s11 =	simm.s32 $0x0;
	[tilespmem:$0x16620] =	vst v3;
	v3 =	vmul.f32 v5, v2  }
0x120: {  	[tilespmem:$0x16630] =	vst v4;
	v4 =	vmov s11  }
0x121: {  	s20 =	simm.s32 $0x19040;
	[tilespmem:$0x16640] =	vst v3  }
0x122: {  	v7 =	vld [tilespmem:s20+$0x30]  }
0x123: {  	v10 =	vld [tilespmem:s20+$0x10]  }
0x124: {  	v8 =	vld [tilespmem:s20+$0xFFFFFFC0]  }
0x125: {  	v4 =	vld.idx.msk [tilespmem:v4+s8+$0x0], $0xffff  }
0x126: {  	v12 =	vld [tilespmem:s20+$0xFFFFFFE0]  }
0x127: {  	v3 =	vld [tilespmem:s20+$0xFFFFFFF0]  }
0x128: {  	v5 =	vld [tilespmem:s20+$0x20]  }
0x129: {  	v6 =	vld [tilespmem:s20+$0xFFFFFFD0]  }
0x12a: {  	v11 =	vmul.f32 v7, v4;
	v7 =	vld [tilespmem:s20+$0x0]  }
0x12b: {  	v9 =	vmul.f32 v8, v4  }
0x12c: {  	s21 =	simm.s32 $0x1;
	s11 =	simm.s32 $0x19040;
	v8 =	vmul.f32 v12, v4;
	v10 =	vmul.f32 v10, v4  }
.LBB2_9:
0x12d: {  	p0 =	sne.s32 s21, $0x4F  }
0x12e: {  	v6 =	vmul.f32 v6, v4;
	v5 =	vmul.f32 v5, v4;
	[tilespmem:s20+$0x30] =	vst v11;
	s11 =	sadd.s32 $0x80, s11;
	s12 =	smov.u32 s21;
	s21 =	sadd.s32 $0x1, s21  }
0x12f: {  	[tilespmem:s20+$0xFFFFFFC0] =	vst v9;
	v9 =	vmul.f32 v3, v4;
	v4 =	vmul.f32 v7, v4  }
0x130: {  	[tilespmem:s20+$0x10] =	vst v10  }
0x131: {  	v7 =	vmov s12;
	[tilespmem:s20+$0xFFFFFFE0] =	vst v8  }
0x132: {  	v3 =	vld [tilespmem:s11+$0xFFFFFFF0];
	[tilespmem:s20+$0xFFFFFFF0] =	vst v9  }
0x133: {  	v8 =	vld [tilespmem:s11+$0x30];
	[tilespmem:s20+$0x0] =	vst v4  }
0x134: {  	v10 =	vld [tilespmem:s11+$0x10];
	[tilespmem:s20+$0x20] =	vst v5  }
0x135: {  	v9 =	vld [tilespmem:s11+$0xFFFFFFC0];
	[tilespmem:s20+$0xFFFFFFD0] =	vst v6;
	s20 =	smov.u32 s11  }
0x136: {  	v4 =	vld.idx.msk [tilespmem:v7+s8+$0x0], $0xffff  }
0x137: {  	v12 =	vld [tilespmem:s11+$0xFFFFFFE0]  }
0x138: {  	v5 =	vld [tilespmem:s11+$0x20]  }
.Ltmp3:
0x139: {  	v6 =	vld [tilespmem:s11+$0xFFFFFFD0];
	(pc) =	sbr.rel @p0 .LBB2_9-.Ltmp3, $3  }
0x13a: {  	v7 =	vld [tilespmem:s11+$0x0];
	_ =	sdelay $0x1  }
0x13b: {  	v9 =	vmul.f32 v9, v4;
	v11 =	vmul.f32 v8, v4  }
0x13c: {  	v10 =	vmul.f32 v10, v4;
	v8 =	vmul.f32 v12, v4  }
0x13d: {  	[tilespmem:s20+$0x30] =	vst v11  }
0x13e: {  	[tilespmem:s20+$0xFFFFFFC0] =	vst v9  }
0x13f: {  	v3 =	vmul.f32 v3, v4;
	[tilespmem:s20+$0x10] =	vst v10  }
0x140: {  	v5 =	vmul.f32 v5, v4;
	[tilespmem:s20+$0xFFFFFFE0] =	vst v8  }
0x141: {  	v7 =	vmul.f32 v7, v4;
	[tilespmem:s20+$0xFFFFFFF0] =	vst v3  }
0x142: {  	v3 =	vmul.f32 v6, v4;
	[tilespmem:s20+$0x20] =	vst v5  }
0x143: {  	[tilespmem:s20+$0x0] =	vst v7  }
0x144: {  	[tilespmem:s20+$0xFFFFFFD0] =	vst v3  }
0x145: {  	v3 =	vld [tilespmem:$0x16250]  }
0x146: {  	v4 =	vld [tilespmem:$0x16260]  }
0x147: {  	v5 =	vld [tilespmem:$0x16270]  }
0x148: {  	v6 =	vld [tilespmem:$0x16280]  }
0x149: {  	v7 =	vld [tilespmem:$0x16290]  }
0x14a: {  	[tilespmem:$0x16780] =	vst v3  }
0x14b: {  	[tilespmem:$0x16790] =	vst v4  }
0x14c: {  	[tilespmem:$0x167A0] =	vst v5  }
0x14d: {  	[tilespmem:$0x167B0] =	vst v6  }
0x14e: {  	[tilespmem:$0x167C0] =	vst v7  }
0x14f: {  	[spmem:s3] =	stream.indirect.scatter.add.f32 [tilespmem:s4], [sflag:$0x4], $0x80, s9, s31, $0xb8;
	[tilespmem:$0x1F800] =	vst v63  }
0x150: {  	_ =	swait.ge [sflag:s23], $0x2800  }
0x151: {  	[sflag:s23] =	ssyncset.done $0x0  }
0x152: {  	[sflag:s23] =	ssyncadd.s32 $0xFFFFD800  }
0x153: {  	_ =	swait.ge [sflag:s24], $0x2800  }
0x154: {  	[sflag:s24] =	ssyncset.done $0x0  }
0x155: {  	[sflag:s24] =	ssyncadd.s32 $0xFFFFD800  }
0x156: {  	v3 =	vld [tilespmem:$0x160F0]  }
0x157: {  	v4 =	vld [tilespmem:$0x16100]  }
0x158: {  	v5 =	vld [tilespmem:$0x16110]  }
0x159: {  	v6 =	vld [tilespmem:$0x16120]  }
0x15a: {  	v7 =	vld [tilespmem:$0x16130]  }
0x15b: {  	[tilespmem:$0x16700] =	vst v3  }
0x15c: {  	[tilespmem:$0x16710] =	vst v4  }
0x15d: {  	[tilespmem:$0x16720] =	vst v5  }
0x15e: {  	[tilespmem:$0x16730] =	vst v6  }
0x15f: {  	[tilespmem:$0x16740] =	vst v7  }
0x160: {  	[tilespmem:s4], [sflag:$0x3] =	stream.indirect.gather [hbm4b:s1+s31], $0x80, s6, s31, $0xb8;
	[tilespmem:$0x1F800] =	vst v63  }
0x161: {  	v3 =	vld [tilespmem:$0x164A0]  }
0x162: {  	v4 =	vld [tilespmem:$0x164B0]  }
0x163: {  	v5 =	vld [tilespmem:$0x164C0]  }
0x164: {  	v6 =	vld [tilespmem:$0x164D0]  }
0x165: {  	v7 =	vld [tilespmem:$0x164E0]  }
0x166: {  	v3 =	vsub.f32 v3, v1  }
0x167: {  	v4 =	vsub.f32 v4, v1  }
0x168: {  	v5 =	vsub.f32 v5, v1;
	v3 =	vmul.f32 $1.442695020e+00, v3  }
0x169: {  	v6 =	vsub.f32 v6, v1;
	v4 =	vmul.f32 $1.442695020e+00, v4  }
0x16a: {  	(erf) = vpow2.f32 v3;
	v3 =	vmul.f32 $1.442695020e+00, v5;
	v5 =	vsub.f32 v7, v1  }
0x16b: {  	(erf) = vpow2.f32 v4;
	v4 =	vmul.f32 $1.442695020e+00, v6  }
0x16c: {  	(erf) = vpow2.f32 v3;
	v3 =	vmul.f32 $1.442695020e+00, v5  }
0x16d: {  	(erf) = vpow2.f32 v4  }
0x16e: {  	(erf) = vpow2.f32 v3;
	_ =	sdelay $0x4  }
0x16f: {  	v3 =	vpop (erf)  }
0x170: {  	v4 =	vpop (erf);
	v3 =	vmul.f32 v3, v2  }
0x171: {  	v5 =	vpop (erf);
	v4 =	vmul.f32 v4, v2  }
0x172: {  	v6 =	vpop (erf);
	[tilespmem:$0x16600] =	vst v3;
	v3 =	vmul.f32 v5, v2  }
0x173: {  	[tilespmem:$0x16610] =	vst v4;
	v4 =	vmul.f32 v6, v2;
	v5 =	vpop (erf)  }
0x174: {  	s11 =	simm.s32 $0x0;
	[tilespmem:$0x16620] =	vst v3;
	v3 =	vmul.f32 v5, v2  }
0x175: {  	[tilespmem:$0x16630] =	vst v4;
	v4 =	vmov s11  }
0x176: {  	s20 =	simm.s32 $0x16840;
	[tilespmem:$0x16640] =	vst v3  }
0x177: {  	v7 =	vld [tilespmem:s20+$0x30]  }
0x178: {  	v10 =	vld [tilespmem:s20+$0x10]  }
0x179: {  	v8 =	vld [tilespmem:s20+$0xFFFFFFC0]  }
0x17a: {  	v4 =	vld.idx.msk [tilespmem:v4+s8+$0x0], $0xffff  }
0x17b: {  	v12 =	vld [tilespmem:s20+$0xFFFFFFE0]  }
0x17c: {  	v3 =	vld [tilespmem:s20+$0xFFFFFFF0]  }
0x17d: {  	v5 =	vld [tilespmem:s20+$0x20]  }
0x17e: {  	v6 =	vld [tilespmem:s20+$0xFFFFFFD0]  }
0x17f: {  	v11 =	vmul.f32 v7, v4;
	v7 =	vld [tilespmem:s20+$0x0]  }
0x180: {  	v9 =	vmul.f32 v8, v4  }
0x181: {  	s21 =	simm.s32 $0x1;
	s11 =	simm.s32 $0x16840;
	v8 =	vmul.f32 v12, v4;
	v10 =	vmul.f32 v10, v4  }
.LBB2_11:
0x182: {  	p0 =	sne.s32 s21, $0x4F  }
0x183: {  	v6 =	vmul.f32 v6, v4;
	v5 =	vmul.f32 v5, v4;
	[tilespmem:s20+$0x30] =	vst v11;
	s11 =	sadd.s32 $0x80, s11;
	s12 =	smov.u32 s21;
	s21 =	sadd.s32 $0x1, s21  }
0x184: {  	[tilespmem:s20+$0xFFFFFFC0] =	vst v9;
	v9 =	vmul.f32 v3, v4;
	v4 =	vmul.f32 v7, v4  }
0x185: {  	[tilespmem:s20+$0x10] =	vst v10  }
0x186: {  	v7 =	vmov s12;
	[tilespmem:s20+$0xFFFFFFE0] =	vst v8  }
0x187: {  	v3 =	vld [tilespmem:s11+$0xFFFFFFF0];
	[tilespmem:s20+$0xFFFFFFF0] =	vst v9  }
0x188: {  	v8 =	vld [tilespmem:s11+$0x30];
	[tilespmem:s20+$0x0] =	vst v4  }
0x189: {  	v10 =	vld [tilespmem:s11+$0x10];
	[tilespmem:s20+$0x20] =	vst v5  }
0x18a: {  	v9 =	vld [tilespmem:s11+$0xFFFFFFC0];
	[tilespmem:s20+$0xFFFFFFD0] =	vst v6;
	s20 =	smov.u32 s11  }
0x18b: {  	v4 =	vld.idx.msk [tilespmem:v7+s8+$0x0], $0xffff  }
0x18c: {  	v12 =	vld [tilespmem:s11+$0xFFFFFFE0]  }
0x18d: {  	v5 =	vld [tilespmem:s11+$0x20]  }
.Ltmp4:
0x18e: {  	v6 =	vld [tilespmem:s11+$0xFFFFFFD0];
	(pc) =	sbr.rel @p0 .LBB2_11-.Ltmp4, $3  }
0x18f: {  	v7 =	vld [tilespmem:s11+$0x0];
	_ =	sdelay $0x1  }
0x190: {  	v9 =	vmul.f32 v9, v4;
	v11 =	vmul.f32 v8, v4  }
0x191: {  	v10 =	vmul.f32 v10, v4;
	v8 =	vmul.f32 v12, v4  }
0x192: {  	[tilespmem:s20+$0x30] =	vst v11  }
0x193: {  	[tilespmem:s20+$0xFFFFFFC0] =	vst v9  }
0x194: {  	v3 =	vmul.f32 v3, v4;
	[tilespmem:s20+$0x10] =	vst v10  }
0x195: {  	v5 =	vmul.f32 v5, v4;
	[tilespmem:s20+$0xFFFFFFE0] =	vst v8  }
0x196: {  	v7 =	vmul.f32 v7, v4;
	[tilespmem:s20+$0xFFFFFFF0] =	vst v3  }
0x197: {  	v3 =	vmul.f32 v6, v4;
	[tilespmem:s20+$0x20] =	vst v5  }
0x198: {  	[tilespmem:s20+$0x0] =	vst v7  }
0x199: {  	[tilespmem:s20+$0xFFFFFFD0] =	vst v3  }
0x19a: {  	v3 =	vld [tilespmem:$0x162A0]  }
0x19b: {  	v4 =	vld [tilespmem:$0x162B0]  }
0x19c: {  	v5 =	vld [tilespmem:$0x162C0]  }
0x19d: {  	v6 =	vld [tilespmem:$0x162D0]  }
0x19e: {  	v7 =	vld [tilespmem:$0x162E0]  }
0x19f: {  	[tilespmem:$0x16780] =	vst v3  }
0x1a0: {  	[tilespmem:$0x16790] =	vst v4  }
0x1a1: {  	[tilespmem:$0x167A0] =	vst v5  }
0x1a2: {  	[tilespmem:$0x167B0] =	vst v6  }
0x1a3: {  	[tilespmem:$0x167C0] =	vst v7  }
0x1a4: {  	[spmem:s3] =	stream.indirect.scatter.add.f32 [tilespmem:s22], [sflag:$0x4], $0x80, s9, s31, $0xb8;
	[tilespmem:$0x1F800] =	vst v63  }
0x1a5: {  	_ =	swait.ge [sflag:s23], $0x2800  }
0x1a6: {  	[sflag:s23] =	ssyncset.done $0x0  }
0x1a7: {  	[sflag:s23] =	ssyncadd.s32 $0xFFFFD800  }
0x1a8: {  	_ =	swait.ge [sflag:s16], $0x2800  }
0x1a9: {  	[sflag:s16] =	ssyncset.done $0x0  }
0x1aa: {  	[sflag:s16] =	ssyncadd.s32 $0xFFFFD800  }
0x1ab: {  	v3 =	vld [tilespmem:$0x16140]  }
0x1ac: {  	v4 =	vld [tilespmem:$0x16150]  }
0x1ad: {  	v5 =	vld [tilespmem:$0x16160]  }
0x1ae: {  	v6 =	vld [tilespmem:$0x16170]  }
0x1af: {  	v7 =	vld [tilespmem:$0x16180]  }
0x1b0: {  	[tilespmem:$0x16680] =	vst v3  }
0x1b1: {  	[tilespmem:$0x16690] =	vst v4  }
0x1b2: {  	[tilespmem:$0x166A0] =	vst v5  }
0x1b3: {  	[tilespmem:$0x166B0] =	vst v6  }
0x1b4: {  	[tilespmem:$0x166C0] =	vst v7  }
0x1b5: {  	[tilespmem:s22], [sflag:$0x2] =	stream.indirect.gather [hbm4b:s1+s31], $0x80, s0, s31, $0xb8;
	[tilespmem:$0x1F800] =	vst v63  }
0x1b6: {  	v3 =	vld [tilespmem:$0x164F0]  }
0x1b7: {  	v4 =	vld [tilespmem:$0x16500]  }
0x1b8: {  	v5 =	vld [tilespmem:$0x16510]  }
0x1b9: {  	v6 =	vld [tilespmem:$0x16520]  }
0x1ba: {  	v7 =	vld [tilespmem:$0x16530]  }
0x1bb: {  	v3 =	vsub.f32 v3, v1  }
0x1bc: {  	v4 =	vsub.f32 v4, v1  }
0x1bd: {  	v5 =	vsub.f32 v5, v1;
	v3 =	vmul.f32 $1.442695020e+00, v3  }
0x1be: {  	v6 =	vsub.f32 v6, v1;
	v4 =	vmul.f32 $1.442695020e+00, v4  }
0x1bf: {  	(erf) = vpow2.f32 v3;
	v3 =	vmul.f32 $1.442695020e+00, v5;
	v5 =	vsub.f32 v7, v1  }
0x1c0: {  	(erf) = vpow2.f32 v4;
	v4 =	vmul.f32 $1.442695020e+00, v6  }
0x1c1: {  	(erf) = vpow2.f32 v3;
	v3 =	vmul.f32 $1.442695020e+00, v5  }
0x1c2: {  	(erf) = vpow2.f32 v4  }
0x1c3: {  	(erf) = vpow2.f32 v3;
	_ =	sdelay $0x4  }
0x1c4: {  	v3 =	vpop (erf)  }
0x1c5: {  	v4 =	vpop (erf);
	v3 =	vmul.f32 v3, v2  }
0x1c6: {  	v5 =	vpop (erf);
	v4 =	vmul.f32 v4, v2  }
0x1c7: {  	v6 =	vpop (erf);
	[tilespmem:$0x16600] =	vst v3;
	v3 =	vmul.f32 v5, v2  }
0x1c8: {  	[tilespmem:$0x16610] =	vst v4;
	v4 =	vmul.f32 v6, v2;
	v5 =	vpop (erf)  }
0x1c9: {  	s11 =	simm.s32 $0x0;
	[tilespmem:$0x16620] =	vst v3;
	v3 =	vmul.f32 v5, v2  }
0x1ca: {  	[tilespmem:$0x16630] =	vst v4;
	v4 =	vmov s11  }
0x1cb: {  	s20 =	simm.s32 $0x19040;
	[tilespmem:$0x16640] =	vst v3  }
0x1cc: {  	v7 =	vld [tilespmem:s20+$0x30]  }
0x1cd: {  	v10 =	vld [tilespmem:s20+$0x10]  }
0x1ce: {  	v8 =	vld [tilespmem:s20+$0xFFFFFFC0]  }
0x1cf: {  	v4 =	vld.idx.msk [tilespmem:v4+s8+$0x0], $0xffff  }
0x1d0: {  	v12 =	vld [tilespmem:s20+$0xFFFFFFE0]  }
0x1d1: {  	v3 =	vld [tilespmem:s20+$0xFFFFFFF0]  }
0x1d2: {  	v5 =	vld [tilespmem:s20+$0x20]  }
0x1d3: {  	v6 =	vld [tilespmem:s20+$0xFFFFFFD0]  }
0x1d4: {  	v11 =	vmul.f32 v7, v4;
	v7 =	vld [tilespmem:s20+$0x0]  }
0x1d5: {  	v9 =	vmul.f32 v8, v4  }
0x1d6: {  	s21 =	simm.s32 $0x1;
	s11 =	simm.s32 $0x19040;
	v8 =	vmul.f32 v12, v4;
	v10 =	vmul.f32 v10, v4  }
.LBB2_13:
0x1d7: {  	p0 =	sne.s32 s21, $0x4F  }
0x1d8: {  	v6 =	vmul.f32 v6, v4;
	v5 =	vmul.f32 v5, v4;
	[tilespmem:s20+$0x30] =	vst v11;
	s11 =	sadd.s32 $0x80, s11;
	s12 =	smov.u32 s21;
	s21 =	sadd.s32 $0x1, s21  }
0x1d9: {  	[tilespmem:s20+$0xFFFFFFC0] =	vst v9;
	v9 =	vmul.f32 v3, v4;
	v4 =	vmul.f32 v7, v4  }
0x1da: {  	[tilespmem:s20+$0x10] =	vst v10  }
0x1db: {  	v7 =	vmov s12;
	[tilespmem:s20+$0xFFFFFFE0] =	vst v8  }
0x1dc: {  	v3 =	vld [tilespmem:s11+$0xFFFFFFF0];
	[tilespmem:s20+$0xFFFFFFF0] =	vst v9  }
0x1dd: {  	v8 =	vld [tilespmem:s11+$0x30];
	[tilespmem:s20+$0x0] =	vst v4  }
0x1de: {  	v10 =	vld [tilespmem:s11+$0x10];
	[tilespmem:s20+$0x20] =	vst v5  }
0x1df: {  	v9 =	vld [tilespmem:s11+$0xFFFFFFC0];
	[tilespmem:s20+$0xFFFFFFD0] =	vst v6;
	s20 =	smov.u32 s11  }
0x1e0: {  	v4 =	vld.idx.msk [tilespmem:v7+s8+$0x0], $0xffff  }
0x1e1: {  	v12 =	vld [tilespmem:s11+$0xFFFFFFE0]  }
0x1e2: {  	v5 =	vld [tilespmem:s11+$0x20]  }
.Ltmp5:
0x1e3: {  	v6 =	vld [tilespmem:s11+$0xFFFFFFD0];
	(pc) =	sbr.rel @p0 .LBB2_13-.Ltmp5, $3  }
0x1e4: {  	v7 =	vld [tilespmem:s11+$0x0];
	_ =	sdelay $0x1  }
0x1e5: {  	v9 =	vmul.f32 v9, v4;
	v11 =	vmul.f32 v8, v4  }
0x1e6: {  	v10 =	vmul.f32 v10, v4;
	v8 =	vmul.f32 v12, v4  }
0x1e7: {  	[tilespmem:s20+$0x30] =	vst v11  }
0x1e8: {  	[tilespmem:s20+$0xFFFFFFC0] =	vst v9  }
0x1e9: {  	v3 =	vmul.f32 v3, v4;
	[tilespmem:s20+$0x10] =	vst v10  }
0x1ea: {  	v5 =	vmul.f32 v5, v4;
	[tilespmem:s20+$0xFFFFFFE0] =	vst v8  }
0x1eb: {  	v7 =	vmul.f32 v7, v4;
	[tilespmem:s20+$0xFFFFFFF0] =	vst v3  }
0x1ec: {  	v3 =	vmul.f32 v6, v4;
	[tilespmem:s20+$0x20] =	vst v5  }
0x1ed: {  	[tilespmem:s20+$0x0] =	vst v7  }
0x1ee: {  	[tilespmem:s20+$0xFFFFFFD0] =	vst v3  }
0x1ef: {  	v3 =	vld [tilespmem:$0x162F0]  }
0x1f0: {  	v4 =	vld [tilespmem:$0x16300]  }
0x1f1: {  	v5 =	vld [tilespmem:$0x16310]  }
0x1f2: {  	v6 =	vld [tilespmem:$0x16320]  }
0x1f3: {  	v7 =	vld [tilespmem:$0x16330]  }
0x1f4: {  	[tilespmem:$0x16780] =	vst v3  }
0x1f5: {  	[tilespmem:$0x16790] =	vst v4  }
0x1f6: {  	[tilespmem:$0x167A0] =	vst v5  }
0x1f7: {  	[tilespmem:$0x167B0] =	vst v6  }
0x1f8: {  	[tilespmem:$0x167C0] =	vst v7  }
0x1f9: {  	[spmem:s3] =	stream.indirect.scatter.add.f32 [tilespmem:s4], [sflag:$0x4], $0x80, s9, s31, $0xb8;
	[tilespmem:$0x1F800] =	vst v63  }
0x1fa: {  	_ =	swait.ge [sflag:s23], $0x2800  }
0x1fb: {  	[sflag:s23] =	ssyncset.done $0x0  }
0x1fc: {  	[sflag:s23] =	ssyncadd.s32 $0xFFFFD800  }
0x1fd: {  	_ =	swait.ge [sflag:s24], $0x2800  }
0x1fe: {  	[sflag:s24] =	ssyncset.done $0x0  }
0x1ff: {  	[sflag:s24] =	ssyncadd.s32 $0xFFFFD800  }
0x200: {  	v3 =	vld [tilespmem:$0x16540]  }
0x201: {  	v4 =	vld [tilespmem:$0x16550]  }
0x202: {  	v5 =	vld [tilespmem:$0x16560]  }
0x203: {  	v6 =	vld [tilespmem:$0x16570]  }
0x204: {  	v7 =	vld [tilespmem:$0x16580]  }
0x205: {  	v3 =	vsub.f32 v3, v1  }
0x206: {  	v4 =	vsub.f32 v4, v1  }
0x207: {  	v5 =	vsub.f32 v5, v1;
	v3 =	vmul.f32 $1.442695020e+00, v3  }
0x208: {  	v6 =	vsub.f32 v6, v1;
	v4 =	vmul.f32 $1.442695020e+00, v4  }
0x209: {  	(erf) = vpow2.f32 v3;
	v3 =	vmul.f32 $1.442695020e+00, v5;
	v5 =	vsub.f32 v7, v1  }
0x20a: {  	(erf) = vpow2.f32 v4;
	v4 =	vmul.f32 $1.442695020e+00, v6  }
0x20b: {  	(erf) = vpow2.f32 v3;
	v3 =	vmul.f32 $1.442695020e+00, v5  }
0x20c: {  	(erf) = vpow2.f32 v4  }
0x20d: {  	(erf) = vpow2.f32 v3;
	_ =	sdelay $0x4  }
0x20e: {  	v3 =	vpop (erf)  }
0x20f: {  	v4 =	vpop (erf);
	v3 =	vmul.f32 v3, v2  }
0x210: {  	v5 =	vpop (erf);
	v4 =	vmul.f32 v4, v2  }
0x211: {  	v6 =	vpop (erf);
	[tilespmem:$0x16600] =	vst v3;
	v3 =	vmul.f32 v5, v2  }
0x212: {  	[tilespmem:$0x16610] =	vst v4;
	v4 =	vmul.f32 v6, v2;
	v5 =	vpop (erf)  }
0x213: {  	s11 =	simm.s32 $0x0;
	[tilespmem:$0x16620] =	vst v3;
	v3 =	vmul.f32 v5, v2  }
0x214: {  	[tilespmem:$0x16630] =	vst v4;
	v4 =	vmov s11  }
0x215: {  	s20 =	simm.s32 $0x16840;
	[tilespmem:$0x16640] =	vst v3  }
0x216: {  	v7 =	vld [tilespmem:s20+$0x30]  }
0x217: {  	v10 =	vld [tilespmem:s20+$0x10]  }
0x218: {  	v8 =	vld [tilespmem:s20+$0xFFFFFFC0]  }
0x219: {  	v4 =	vld.idx.msk [tilespmem:v4+s8+$0x0], $0xffff  }
0x21a: {  	v12 =	vld [tilespmem:s20+$0xFFFFFFE0]  }
0x21b: {  	v3 =	vld [tilespmem:s20+$0xFFFFFFF0]  }
0x21c: {  	v5 =	vld [tilespmem:s20+$0x20]  }
0x21d: {  	v6 =	vld [tilespmem:s20+$0xFFFFFFD0]  }
0x21e: {  	v11 =	vmul.f32 v7, v4;
	v7 =	vld [tilespmem:s20+$0x0]  }
0x21f: {  	v9 =	vmul.f32 v8, v4  }
0x220: {  	s21 =	simm.s32 $0x1;
	s11 =	simm.s32 $0x16840;
	v8 =	vmul.f32 v12, v4;
	v10 =	vmul.f32 v10, v4  }
.LBB2_15:
0x221: {  	p0 =	sne.s32 s21, $0x4F  }
0x222: {  	v6 =	vmul.f32 v6, v4;
	v5 =	vmul.f32 v5, v4;
	[tilespmem:s20+$0x30] =	vst v11;
	s11 =	sadd.s32 $0x80, s11;
	s12 =	smov.u32 s21;
	s21 =	sadd.s32 $0x1, s21  }
0x223: {  	[tilespmem:s20+$0xFFFFFFC0] =	vst v9;
	v9 =	vmul.f32 v3, v4;
	v4 =	vmul.f32 v7, v4  }
0x224: {  	[tilespmem:s20+$0x10] =	vst v10  }
0x225: {  	v7 =	vmov s12;
	[tilespmem:s20+$0xFFFFFFE0] =	vst v8  }
0x226: {  	v3 =	vld [tilespmem:s11+$0xFFFFFFF0];
	[tilespmem:s20+$0xFFFFFFF0] =	vst v9  }
0x227: {  	v8 =	vld [tilespmem:s11+$0x30];
	[tilespmem:s20+$0x0] =	vst v4  }
0x228: {  	v10 =	vld [tilespmem:s11+$0x10];
	[tilespmem:s20+$0x20] =	vst v5  }
0x229: {  	v9 =	vld [tilespmem:s11+$0xFFFFFFC0];
	[tilespmem:s20+$0xFFFFFFD0] =	vst v6;
	s20 =	smov.u32 s11  }
0x22a: {  	v4 =	vld.idx.msk [tilespmem:v7+s8+$0x0], $0xffff  }
0x22b: {  	v12 =	vld [tilespmem:s11+$0xFFFFFFE0]  }
0x22c: {  	v5 =	vld [tilespmem:s11+$0x20]  }
.Ltmp6:
0x22d: {  	v6 =	vld [tilespmem:s11+$0xFFFFFFD0];
	(pc) =	sbr.rel @p0 .LBB2_15-.Ltmp6, $3  }
0x22e: {  	v7 =	vld [tilespmem:s11+$0x0];
	_ =	sdelay $0x1  }
0x22f: {  	v9 =	vmul.f32 v9, v4;
	v11 =	vmul.f32 v8, v4  }
0x230: {  	v10 =	vmul.f32 v10, v4;
	v8 =	vmul.f32 v12, v4  }
0x231: {  	[tilespmem:s20+$0x30] =	vst v11  }
0x232: {  	[tilespmem:s20+$0xFFFFFFC0] =	vst v9  }
0x233: {  	v3 =	vmul.f32 v3, v4;
	[tilespmem:s20+$0x10] =	vst v10  }
0x234: {  	v5 =	vmul.f32 v5, v4;
	[tilespmem:s20+$0xFFFFFFE0] =	vst v8  }
0x235: {  	v7 =	vmul.f32 v7, v4;
	[tilespmem:s20+$0xFFFFFFF0] =	vst v3  }
0x236: {  	v3 =	vmul.f32 v6, v4;
	[tilespmem:s20+$0x20] =	vst v5  }
0x237: {  	[tilespmem:s20+$0x0] =	vst v7  }
0x238: {  	[tilespmem:s20+$0xFFFFFFD0] =	vst v3  }
0x239: {  	v3 =	vld [tilespmem:$0x16340]  }
0x23a: {  	v62 =	vld [tilespmem:$0x16350]  }
0x23b: {  	v5 =	vld [tilespmem:$0x16360]  }
0x23c: {  	v63 =	vld [tilespmem:$0x16370]  }
0x23d: {  	v7 =	vld [tilespmem:$0x16380]  }
0x23e: {  	[tilespmem:$0x16780] =	vst v3  }
0x23f: {  	[tilespmem:$0x16790] =	vst v62  }
0x240: {  	s19 =	sadd.s32 $0x1, s19;
	[tilespmem:$0x167A0] =	vst v5  }
0x241: {  	p0 =	sne.s32 s19, $0x19;
	[tilespmem:$0x167B0] =	vst v63  }
.Ltmp7:
0x242: {  	[tilespmem:$0x167C0] =	vst v7;
	(pc) =	sbr.rel @p0 .LBB2_6-.Ltmp7, $4  }
0x243: {  	[spmem:s3] =	stream.indirect.scatter.add.f32 [tilespmem:s22], [sflag:$0x4], $0x80, s9, s31, $0xb8;
	[tilespmem:$0x1F800] =	vst v63  }
0x244: {  	_ =	swait.ge [sflag:s23], $0x2800  }
0x245: {  	[sflag:s23] =	ssyncset.done $0x0  }
0x246: {  	[sflag:s23] =	ssyncadd.s32 $0xFFFFD800  }
0x247: {  	s11 =	stileid.u32  }
0x248: {  	[bflag:$0x0] =	sbarrier.arrive $0xFFFF;
	s11 =	sshll.u32 s11, $0x6  }
0x249: {  	s12 =	sshrl.u32 s13, $0x3;
	s18 =	rddreg [dreg:$0x9];
	s11 =	sor.u32 $0x1C04, s11  }
0x24a: {  	[hbm:s18], [sflag:s11] =	dma.local [spmem:s12], $0x800  }
0x24b: {  	_ =	swait.ge [sflag:s23], $0x800  }
0x24c: {  	[sflag:s23] =	ssyncset.done $0x0;
	s19 =	rddreg [dreg:$0x7]  }
0x24d: {  	s20 =	rddreg [dreg:$0xa];
	[sflag:s23] =	ssyncadd.s32 $0xFFFFF800;
	s12 =	sshrl.u32 s19, $0x3  }
0x24e: {  	[hbm:s20], [sflag:s11] =	dma.local [spmem:s12], $0x800  }
0x24f: {  	_ =	swait.ge [sflag:s23], $0x800  }
0x250: {  	s21 =	smov.u32 s13;
	[sflag:s23] =	ssyncset.done $0x0;
	s13 =	rddreg [dreg:$0x8]  }
0x251: {  	s18 =	rddreg [dreg:$0xb];
	[sflag:s23] =	ssyncadd.s32 $0xFFFFF800;
	s12 =	sshrl.u32 s13, $0x3  }
0x252: {  	[hbm:s18], [sflag:s11] =	dma.local [spmem:s12], $0x800  }
0x253: {  	_ =	swait.ge [sflag:s23], $0x800  }
0x254: {  	[sflag:s23] =	ssyncset.done $0x0  }
0x255: {  	s19 =	sshrl.u32 s14, $0x3;
	s20 =	rddreg [dreg:$0xc];
	[sflag:s23] =	ssyncadd.s32 $0xFFFFF800  }
0x256: {  	[hbm:s20], [sflag:s11] =	dma.local [spmem:s19], $0x800  }
0x257: {  	_ =	swait.ge [sflag:s23], $0x800  }
0x258: {  	[sflag:s23] =	ssyncset.done $0x0  }
0x259: {  	s18 =	sshrl.u32 s15, $0x3;
	s19 =	rddreg [dreg:$0xd];
	[sflag:s23] =	ssyncadd.s32 $0xFFFFF800  }
0x25a: {  	[hbm:s19], [sflag:s11] =	dma.local [spmem:s18], $0x800  }
0x25b: {  	_ =	swait.ge [sflag:s23], $0x800  }
0x25c: {  	s17 =	sadd.s32 $0x1, s17;
	s20 =	rddreg [dreg:$0xe]  }
0x25d: {  	p0 =	sne.s32 s17, s20  }
.Ltmp8:
0x25e: {  	_ = 	snop;
	(pc) =	sbr.rel @p0 .LBB2_1-.Ltmp8, $3  }
0x25f: {  	_ =	sdelay $0x1  }
0x260: {  	[sflag:s23] =	ssyncset.done $0x0  }
0x261: {  	[sflag:s23] =	ssyncadd.s32 $0xFFFFF800  }
0x262: {  	_ =	sfence.sel $0x180000  }
0x263: {  	[bflag:$0x0] =	sbarrier.arrive $0xFFFF  }
0x264: {  	_ =	strace $0x9000004A  }
0x265: {  	s0 =	stileid.u32;
	[bflag:$0x2] =	sbarrier.arrive $0xFFFF  }
0x266: {  	p0 =	sne.s32 s0, $0x0;
	s0 =	rddreg [dreg:$0x4]  }
0x267: {  	s0 =	sadd.s32 @!p0 $0x100000, s0  }
0x268: {  	[sflag:s0] =	ssyncadd.tile.s32 @!p0 $0x1;
	_ =	shalt  }
.Lfunc_end2:
_tile_overlayer_lowered:
.L_overlay_start_2:
0x269: {  	(tag) =	ssettag $0x2  }
0x26a: {  	s0 =	rddreg [dreg:$0x0];
	s2 =	stileid.u32  }
0x26b: {  	s1 =	rddreg [dreg:$0x1];
	p0 =	sne.s32 s2, $0x0  }
0x26c: {  	s3 =	rddreg [dreg:$0x2];
	[bflag:$0x3] =	sbarrier.arrive $0xFFFF;
	s2 =	simm.s32 @!p0 $0x1C04  }
0x26d: {  	[timem:s3], [sflag:s2] =	dma.local @!p0 [hbm:s0], s1  }
0x26e: {  	s0 =	simm.s32 @!p0 $0x4  }
0x26f: {  	_ =	swait.ge @!p0 [sflag:s0], s1  }
0x270: {  	s1 =	ssub.s32 @!p0 $0x0, s1;
	[sflag:s0] =	ssyncset.done @!p0 $0x0  }
0x271: {  	[sflag:s0] =	ssyncadd.s32 @!p0 s1  }
0x272: {  	[bflag:$0x3] =	sbarrier.arrive $0xFFFF  }
0x273: {  	_ =	shalt  }

</sc_bundles>
